<compile_context>
chip_gen: v7x
topology: tpu7x:2x2x1
jax: 0.10.2.dev20260603
libtpu: 0.0.44.dev20260713+nightly
codegen_flags: <defaults>
</compile_context>

<pallas_src>
import functools

import jax
import jax.numpy as jnp
from jax import lax
from jax.experimental import pallas as pl
from jax.experimental.pallas import tpu as pltpu
from jax.experimental.pallas import tpu_sc as plsc

TB = 32
NW = 32
CHG = 16
CHS = 8


def _sc_permute_rows(src, idx3, Bout, D, scatter):
    _, NCH, CH = idx3.shape
    mesh = plsc.VectorSubcoreMesh(core_axis_name="c", subcore_axis_name="s")

    @functools.partial(
        pl.kernel,
        mesh=mesh,
        out_type=jax.ShapeDtypeStruct((Bout, D), jnp.float32),
        scratch_types=[
            pltpu.VMEM((NCH, CH), jnp.int32),
            pltpu.VMEM((CH, D), jnp.float32),
            pltpu.VMEM((CH, D), jnp.float32),
            pltpu.SemaphoreType.DMA,
            pltpu.SemaphoreType.DMA,
            pltpu.SemaphoreType.DMA,
            pltpu.SemaphoreType.DMA,
        ],
    )
    def k(src_hbm, idx_hbm, dst_hbm, idx_v, buf0, buf1, r0, r1, w0, w1):
        wid = lax.axis_index("s") * 2 + lax.axis_index("c")
        base = wid * (NCH * CH)
        pltpu.sync_copy(idx_hbm.at[wid], idx_v)
        bufs = (buf0, buf1)
        rsems = (r0, r1)
        wsems = (w0, w1)

        def read_src(j, b):
            if scatter:
                return pltpu.async_copy(
                    src_hbm.at[pl.ds(base + j * CH, CH)], bufs[b], rsems[b]
                )
            return pltpu.async_copy(src_hbm.at[idx_v.at[j]], bufs[b], rsems[b])

        def write_dst(j, b):
            if scatter:
                return pltpu.async_copy(
                    bufs[b], dst_hbm.at[idx_v.at[j]], wsems[b]
                )
            return pltpu.async_copy(
                bufs[b], dst_hbm.at[pl.ds(base + j * CH, CH)], wsems[b]
            )

        hr = [None] * NCH
        hw = [None] * NCH
        hr[0] = read_src(0, 0)
        for j in range(NCH):
            b = j % 2
            hr[j].wait()
            hw[j] = write_dst(j, b)
            if j + 1 < NCH:
                if j - 1 >= 0:
                    hw[j - 1].wait()
                hr[j + 1] = read_src(j + 1, (j + 1) % 2)
        if NCH >= 2:
            hw[NCH - 2].wait()
        hw[NCH - 1].wait()

    return k


def _tc_encode_kernel(beid_ref, x_ref, Ws1_ref, bs1_ref, Ws2_ref, bs2_ref,
                      out_ref):
    e = beid_ref[pl.program_id(0)]
    h = jnp.dot(x_ref[...], Ws1_ref[e], preferred_element_type=jnp.float32)
    h = h + bs1_ref[pl.ds(e, 1)]
    a = h / (1.0 + jnp.abs(h))
    o = jnp.dot(a, Ws2_ref[e], preferred_element_type=jnp.float32)
    out_ref[...] = o + bs2_ref[pl.ds(e, 1)]


@jax.jit
def kernel(x, Ws1, bs1, Ws2, bs2, eid):
    B, MAX_F, N = x.shape
    E, _, H = Ws1.shape
    P = Ws2.shape[-1]
    Bp = B + E * TB
    Gp = Bp // TB

    oh = (eid[:, None] == jnp.arange(E, dtype=eid.dtype)).astype(jnp.int32)
    counts = jnp.sum(oh, axis=0)
    pcounts = ((counts + TB - 1) // TB) * TB
    pstarts = jnp.concatenate(
        [jnp.zeros((1,), jnp.int32), jnp.cumsum(pcounts).astype(jnp.int32)]
    )
    rank = jnp.sum(jnp.cumsum(oh, axis=0) * oh, axis=1) - 1
    pos = jnp.sum(oh * pstarts[None, :E], axis=1) + rank
    bstart = jnp.arange(Gp, dtype=jnp.int32) * TB
    block_eid = jnp.minimum(
        jnp.sum((bstart[:, None] >= pstarts[None, 1:]).astype(jnp.int32),
                axis=1),
        E - 1,
    )

    x2 = x.reshape(B, MAX_F * N)
    posg = pos.reshape(NW, B // (NW * CHG), CHG)
    xs = _sc_permute_rows(x2, posg, Bp, MAX_F * N, scatter=True)(x2, posg)

    grid_spec = pltpu.PrefetchScalarGridSpec(
        num_scalar_prefetch=1,
        grid=(Gp,),
        in_specs=[
            pl.BlockSpec((TB * MAX_F, N), lambda i, s: (i, 0)),
            pl.BlockSpec((E, N, H), lambda i, s: (0, 0, 0)),
            pl.BlockSpec((E, H), lambda i, s: (0, 0)),
            pl.BlockSpec((E, H, P), lambda i, s: (0, 0, 0)),
            pl.BlockSpec((E, P), lambda i, s: (0, 0)),
        ],
        out_specs=pl.BlockSpec((TB * MAX_F, P), lambda i, s: (i, 0)),
    )
    outs = pl.pallas_call(
        _tc_encode_kernel,
        grid_spec=grid_spec,
        out_shape=jax.ShapeDtypeStruct((Bp * MAX_F, P), jnp.float32),
    )(block_eid, xs.reshape(Bp * MAX_F, N), Ws1, bs1, Ws2, bs2)

    outs2 = outs.reshape(Bp, MAX_F * P)
    poss = pos.reshape(NW, B // (NW * CHS), CHS)
    out = _sc_permute_rows(outs2, poss, B, MAX_F * P, scatter=False)(
        outs2, poss
    )
    return out.reshape(B, MAX_F, P)

# --- scband reference (transcript-rebuilt; emitter-appended) ---
"""Pipeline reference for scband-stitch-encoder-75995151335989 (READ-ONLY COPY).

The authoritative reference and input builder live on the scoring server;
editing this copy changes nothing except your own understanding.
"""

import jax, jax.numpy as jnp
import numpy as np

E = 8
B = 4096
MAX_F = 100
N = 32
P = 64
SCALE = 1.0


def setup_inputs(seed: int = 0) -> dict:
    key = jax.random.key(seed)
    k_x, k_eid, k_w1, k_b1, k_w2, k_b2 = jax.random.split(key, 6)
    x = jax.random.normal(k_x, (B, MAX_F, N), dtype=jnp.float32)
    eid = jax.random.randint(k_eid, (B,), 0, E, dtype=jnp.int32)
    # Per-eid stitcher: Linear(N, 2N); per-eid projector: Linear(2N, P)
    Ws1 = jax.random.normal(k_w1, (E, N, 2 * N), dtype=jnp.float32) / np.sqrt(N)
    bs1 = jax.random.normal(k_b1, (E, 2 * N), dtype=jnp.float32) * 0.01
    Ws2 = jax.random.normal(k_w2, (E, 2 * N, P), dtype=jnp.float32) / np.sqrt(2 * N)
    bs2 = jax.random.normal(k_b2, (E, P), dtype=jnp.float32) * 0.01
    return {"x": x, "Ws1": Ws1, "bs1": bs1, "Ws2": Ws2, "bs2": bs2, "eid": eid}


def reference(x, Ws1, bs1, Ws2, bs2, eid):
    # Gather per-trial (per-session) weights -- equivalent to grouping trials by
    # unique eid and applying that session's stitcher + projector.
    W1g = jnp.take(Ws1, eid, axis=0)          # [B, N, 2N]
    b1g = jnp.take(bs1, eid, axis=0)          # [B, 2N]
    W2g = jnp.take(Ws2, eid, axis=0)          # [B, 2N, P]
    b2g = jnp.take(bs2, eid, axis=0)          # [B, P]
    stitched = jnp.einsum("bfn,bnm->bfm", x, W1g) + b1g[:, None, :]
    # mod == 'spike' is a dynamic var, so no static reshape branch
    act = jax.nn.soft_sign(stitched) * SCALE
    out = jnp.einsum("bfm,bmp->bfp", act, W2g) + b2g[:, None, :]
    return out

if __name__ == "__main__":
    import jax
    _d = setup_inputs()
    print(jax.jit(kernel)(*tuple(_d.values())))

</pallas_src>

<mosaic_0001>
#map = affine_map<(d0, d1) -> (0, 0)>
#map1 = affine_map<(d0, d1) -> (0, 0, 0)>
module attributes {stable_mosaic.version = 14 : i64} {
  func.func @k(%arg0: i32, %arg1: i32, %arg2: memref<4352x6400xf32, #tpu.memory_space<hbm>>, %arg3: memref<32x16x8xi32, #tpu.memory_space<hbm>>, %arg4: memref<4096x6400xf32, #tpu.memory_space<hbm>>, %arg5: memref<16x8xi32, #tpu.memory_space<vmem>>, %arg6: memref<8x6400xf32, #tpu.memory_space<vmem>>, %arg7: memref<8x6400xf32, #tpu.memory_space<vmem>>, %arg8: memref<!tpu.dma_semaphore, #tpu.memory_space<semaphore_mem>>, %arg9: memref<!tpu.dma_semaphore, #tpu.memory_space<semaphore_mem>>, %arg10: memref<!tpu.dma_semaphore, #tpu.memory_space<semaphore_mem>>, %arg11: memref<!tpu.dma_semaphore, #tpu.memory_space<semaphore_mem>>) attributes {dimension_semantics = [#tpu.dimension_semantics<core_parallel>, #tpu.dimension_semantics<subcore_parallel>], iteration_bounds = array<i64: 2, 16>, scalar_prefetch = 0 : i64, scratch_operands = 7 : i64, tpu.core_type = #tpu.core_type<sc_vector_subcore>, window_params = [{transform_indices = #map}, {transform_indices = #map1}, {transform_indices = #map}]} {
    %mul3A = arith.constant 2 : i32
    %mul3A_0 = arith.muli %arg1, %mul3A : i32
    %add3A = arith.addi %mul3A_0, %arg0 : i32
    %mul3A_1 = arith.constant 128 : i32
    %mul3A_2 = arith.muli %add3A, %mul3A_1 : i32
    "tpu.region"() ({
      %run_scoped3A = tpu.sem_alloc : memref<!tpu.dma_semaphore, #tpu.memory_space<semaphore_mem>>
      %dma_start3A_385 = arith.constant 0 : i32
      %dma_start3A_386 = arith.constant 0 : i32
      %dma_start3A_387 = tpu.memref_slice %arg3[%add3A, %dma_start3A_385, %dma_start3A_386] : memref<32x16x8xi32, #tpu.memory_space<hbm>> -> memref<1x16x8xi32, #tpu.memory_space<hbm>>
      %dma_start3A_388 = tpu.memref_squeeze %dma_start3A_387 : memref<1x16x8xi32, #tpu.memory_space<hbm>> -> memref<16x8xi32, #tpu.memory_space<hbm>>
      %dma_start3A_389 = arith.constant 0 : i32
      %dma_start3A_390 = arith.constant 0 : i32
      %dma_start3A_391 = tpu.memref_slice %arg3[%add3A, %dma_start3A_389, %dma_start3A_390] : memref<32x16x8xi32, #tpu.memory_space<hbm>> -> memref<1x16x8xi32, #tpu.memory_space<hbm>>
      %dma_start3A_392 = tpu.memref_squeeze %dma_start3A_391 : memref<1x16x8xi32, #tpu.memory_space<hbm>> -> memref<16x8xi32, #tpu.memory_space<hbm>>
      tpu.enqueue_dma source(%dma_start3A_392 : memref<16x8xi32, #tpu.memory_space<hbm>>) target(%arg5 : memref<16x8xi32, #tpu.memory_space<vmem>>) target_semaphore(%run_scoped3A : memref<!tpu.dma_semaphore, #tpu.memory_space<semaphore_mem>>)
      %dma_wait3A_393 = arith.constant 0 : i32
      %dma_wait3A_394 = arith.constant 0 : i32
      %dma_wait3A_395 = tpu.memref_slice %arg3[%add3A, %dma_wait3A_393, %dma_wait3A_394] : memref<32x16x8xi32, #tpu.memory_space<hbm>> -> memref<1x16x8xi32, #tpu.memory_space<hbm>>
      %dma_wait3A_396 = tpu.memref_squeeze %dma_wait3A_395 : memref<1x16x8xi32, #tpu.memory_space<hbm>> -> memref<16x8xi32, #tpu.memory_space<hbm>>
      %dma_wait3A_397 = arith.constant 0 : i32
      %dma_wait3A_398 = arith.constant 0 : i32
      %dma_wait3A_399 = tpu.memref_slice %arg3[%add3A, %dma_wait3A_397, %dma_wait3A_398] : memref<32x16x8xi32, #tpu.memory_space<hbm>> -> memref<1x16x8xi32, #tpu.memory_space<hbm>>
      %dma_wait3A_400 = tpu.memref_squeeze %dma_wait3A_399 : memref<1x16x8xi32, #tpu.memory_space<hbm>> -> memref<16x8xi32, #tpu.memory_space<hbm>>
      tpu.wait_dma2 semaphore(%run_scoped3A : memref<!tpu.dma_semaphore, #tpu.memory_space<semaphore_mem>>) src(%dma_wait3A_400 : memref<16x8xi32, #tpu.memory_space<hbm>>) dst(%arg5 : memref<16x8xi32, #tpu.memory_space<vmem>>)
      tpu.yield
    }) : () -> ()
    %dma_start3A = arith.constant 0 : i32
    %dma_start3A_3 = arith.constant 0 : i32
    %dma_start3A_4 = tpu.memref_slice %arg5[%dma_start3A, %dma_start3A_3] : memref<16x8xi32, #tpu.memory_space<vmem>> -> memref<1x8xi32, #tpu.memory_space<vmem>>
    %dma_start3A_5 = tpu.memref_squeeze %dma_start3A_4 : memref<1x8xi32, #tpu.memory_space<vmem>> -> memref<8xi32, #tpu.memory_space<vmem>>
    %dma_start3A_6 = arith.constant 0 : i32
    %dma_start3A_7 = arith.constant 0 : i32
    %dma_start3A_8 = tpu.memref_slice %arg2[%dma_start3A_6, %dma_start3A_7] : memref<4352x6400xf32, #tpu.memory_space<hbm>> -> memref<4352x6400xf32, #tpu.memory_space<hbm>>
    tpu.enqueue_indirect_dma source(%dma_start3A_8 : memref<4352x6400xf32, #tpu.memory_space<hbm>>) target(%arg6 : memref<8x6400xf32, #tpu.memory_space<vmem>>) offsets(%dma_start3A_5 : memref<8xi32, #tpu.memory_space<vmem>>) semaphore(%arg8 : memref<!tpu.dma_semaphore, #tpu.memory_space<semaphore_mem>>)
    %dma_wait3A = arith.constant 0 : i32
    %dma_wait3A_9 = arith.constant 0 : i32
    %dma_wait3A_10 = tpu.memref_slice %arg5[%dma_wait3A, %dma_wait3A_9] : memref<16x8xi32, #tpu.memory_space<vmem>> -> memref<1x8xi32, #tpu.memory_space<vmem>>
    %dma_wait3A_11 = tpu.memref_squeeze %dma_wait3A_10 : memref<1x8xi32, #tpu.memory_space<vmem>> -> memref<8xi32, #tpu.memory_space<vmem>>
    %dma_wait3A_12 = arith.constant 0 : i32
    %dma_wait3A_13 = arith.constant 0 : i32
    %dma_wait3A_14 = tpu.memref_slice %arg2[%dma_wait3A_12, %dma_wait3A_13] : memref<4352x6400xf32, #tpu.memory_space<hbm>> -> memref<4352x6400xf32, #tpu.memory_space<hbm>>
    tpu.wait_indirect_dma semaphore(%arg8 : memref<!tpu.dma_semaphore, #tpu.memory_space<semaphore_mem>>) src(%dma_wait3A_14 : memref<4352x6400xf32, #tpu.memory_space<hbm>>) dst(%arg6 : memref<8x6400xf32, #tpu.memory_space<vmem>>)
    %add3A_15 = arith.constant 0 : i32
    %add3A_16 = arith.addi %mul3A_2, %add3A_15 : i32
    %dma_start3A_17 = arith.constant 0 : i32
    %dma_start3A_18 = tpu.memref_slice %arg4[%add3A_16, %dma_start3A_17] : memref<4096x6400xf32, #tpu.memory_space<hbm>> -> memref<8x6400xf32, #tpu.memory_space<hbm>>
    %dma_start3A_19 = arith.constant 0 : i32
    %dma_start3A_20 = tpu.memref_slice %arg4[%add3A_16, %dma_start3A_19] : memref<4096x6400xf32, #tpu.memory_space<hbm>> -> memref<8x6400xf32, #tpu.memory_space<hbm>>
    tpu.enqueue_dma source(%arg6 : memref<8x6400xf32, #tpu.memory_space<vmem>>) target(%dma_start3A_20 : memref<8x6400xf32, #tpu.memory_space<hbm>>) target_semaphore(%arg10 : memref<!tpu.dma_semaphore, #tpu.memory_space<semaphore_mem>>)
    %dma_start3A_21 = arith.constant 1 : i32
    %dma_start3A_22 = arith.constant 0 : i32
    %dma_start3A_23 = tpu.memref_slice %arg5[%dma_start3A_21, %dma_start3A_22] : memref<16x8xi32, #tpu.memory_space<vmem>> -> memref<1x8xi32, #tpu.memory_space<vmem>>
    %dma_start3A_24 = tpu.memref_squeeze %dma_start3A_23 : memref<1x8xi32, #tpu.memory_space<vmem>> -> memref<8xi32, #tpu.memory_space<vmem>>
    %dma_start3A_25 = arith.constant 0 : i32
    %dma_start3A_26 = arith.constant 0 : i32
    %dma_start3A_27 = tpu.memref_slice %arg2[%dma_start3A_25, %dma_start3A_26] : memref<4352x6400xf32, #tpu.memory_space<hbm>> -> memref<4352x6400xf32, #tpu.memory_space<hbm>>
    tpu.enqueue_indirect_dma source(%dma_start3A_27 : memref<4352x6400xf32, #tpu.memory_space<hbm>>) target(%arg7 : memref<8x6400xf32, #tpu.memory_space<vmem>>) offsets(%dma_start3A_24 : memref<8xi32, #tpu.memory_space<vmem>>) semaphore(%arg9 : memref<!tpu.dma_semaphore, #tpu.memory_space<semaphore_mem>>)
    %dma_wait3A_28 = arith.constant 1 : i32
    %dma_wait3A_29 = arith.constant 0 : i32
    %dma_wait3A_30 = tpu.memref_slice %arg5[%dma_wait3A_28, %dma_wait3A_29] : memref<16x8xi32, #tpu.memory_space<vmem>> -> memref<1x8xi32, #tpu.memory_space<vmem>>
    %dma_wait3A_31 = tpu.memref_squeeze %dma_wait3A_30 : memref<1x8xi32, #tpu.memory_space<vmem>> -> memref<8xi32, #tpu.memory_space<vmem>>
    %dma_wait3A_32 = arith.constant 0 : i32
    %dma_wait3A_33 = arith.constant 0 : i32
    %dma_wait3A_34 = tpu.memref_slice %arg2[%dma_wait3A_32, %dma_wait3A_33] : memref<4352x6400xf32, #tpu.memory_space<hbm>> -> memref<4352x6400xf32, #tpu.memory_space<hbm>>
    tpu.wait_indirect_dma semaphore(%arg9 : memref<!tpu.dma_semaphore, #tpu.memory_space<semaphore_mem>>) src(%dma_wait3A_34 : memref<4352x6400xf32, #tpu.memory_space<hbm>>) dst(%arg7 : memref<8x6400xf32, #tpu.memory_space<vmem>>)
    %add3A_35 = arith.constant 8 : i32
    %add3A_36 = arith.addi %mul3A_2, %add3A_35 : i32
    %dma_start3A_37 = arith.constant 0 : i32
    %dma_start3A_38 = tpu.memref_slice %arg4[%add3A_36, %dma_start3A_37] : memref<4096x6400xf32, #tpu.memory_space<hbm>> -> memref<8x6400xf32, #tpu.memory_space<hbm>>
    %dma_start3A_39 = arith.constant 0 : i32
    %dma_start3A_40 = tpu.memref_slice %arg4[%add3A_36, %dma_start3A_39] : memref<4096x6400xf32, #tpu.memory_space<hbm>> -> memref<8x6400xf32, #tpu.memory_space<hbm>>
    tpu.enqueue_dma source(%arg7 : memref<8x6400xf32, #tpu.memory_space<vmem>>) target(%dma_start3A_40 : memref<8x6400xf32, #tpu.memory_space<hbm>>) target_semaphore(%arg11 : memref<!tpu.dma_semaphore, #tpu.memory_space<semaphore_mem>>)
    %dma_wait3A_41 = arith.constant 0 : i32
    %dma_wait3A_42 = tpu.memref_slice %arg4[%add3A_16, %dma_wait3A_41] : memref<4096x6400xf32, #tpu.memory_space<hbm>> -> memref<8x6400xf32, #tpu.memory_space<hbm>>
    %dma_wait3A_43 = arith.constant 0 : i32
    %dma_wait3A_44 = tpu.memref_slice %arg4[%add3A_16, %dma_wait3A_43] : memref<4096x6400xf32, #tpu.memory_space<hbm>> -> memref<8x6400xf32, #tpu.memory_space<hbm>>
    tpu.wait_dma2 semaphore(%arg10 : memref<!tpu.dma_semaphore, #tpu.memory_space<semaphore_mem>>) src(%arg6 : memref<8x6400xf32, #tpu.memory_space<vmem>>) dst(%dma_wait3A_44 : memref<8x6400xf32, #tpu.memory_space<hbm>>)
    %dma_start3A_45 = arith.constant 2 : i32
    %dma_start3A_46 = arith.constant 0 : i32
    %dma_start3A_47 = tpu.memref_slice %arg5[%dma_start3A_45, %dma_start3A_46] : memref<16x8xi32, #tpu.memory_space<vmem>> -> memref<1x8xi32, #tpu.memory_space<vmem>>
    %dma_start3A_48 = tpu.memref_squeeze %dma_start3A_47 : memref<1x8xi32, #tpu.memory_space<vmem>> -> memref<8xi32, #tpu.memory_space<vmem>>
    %dma_start3A_49 = arith.constant 0 : i32
    %dma_start3A_50 = arith.constant 0 : i32
    %dma_start3A_51 = tpu.memref_slice %arg2[%dma_start3A_49, %dma_start3A_50] : memref<4352x6400xf32, #tpu.memory_space<hbm>> -> memref<4352x6400xf32, #tpu.memory_space<hbm>>
    tpu.enqueue_indirect_dma source(%dma_start3A_51 : memref<4352x6400xf32, #tpu.memory_space<hbm>>) target(%arg6 : memref<8x6400xf32, #tpu.memory_space<vmem>>) offsets(%dma_start3A_48 : memref<8xi32, #tpu.memory_space<vmem>>) semaphore(%arg8 : memref<!tpu.dma_semaphore, #tpu.memory_space<semaphore_mem>>)
    %dma_wait3A_52 = arith.constant 2 : i32
    %dma_wait3A_53 = arith.constant 0 : i32
    %dma_wait3A_54 = tpu.memref_slice %arg5[%dma_wait3A_52, %dma_wait3A_53] : memref<16x8xi32, #tpu.memory_space<vmem>> -> memref<1x8xi32, #tpu.memory_space<vmem>>
    %dma_wait3A_55 = tpu.memref_squeeze %dma_wait3A_54 : memref<1x8xi32, #tpu.memory_space<vmem>> -> memref<8xi32, #tpu.memory_space<vmem>>
    %dma_wait3A_56 = arith.constant 0 : i32
    %dma_wait3A_57 = arith.constant 0 : i32
    %dma_wait3A_58 = tpu.memref_slice %arg2[%dma_wait3A_56, %dma_wait3A_57] : memref<4352x6400xf32, #tpu.memory_space<hbm>> -> memref<4352x6400xf32, #tpu.memory_space<hbm>>
    tpu.wait_indirect_dma semaphore(%arg8 : memref<!tpu.dma_semaphore, #tpu.memory_space<semaphore_mem>>) src(%dma_wait3A_58 : memref<4352x6400xf32, #tpu.memory_space<hbm>>) dst(%arg6 : memref<8x6400xf32, #tpu.memory_space<vmem>>)
    %add3A_59 = arith.constant 16 : i32
    %add3A_60 = arith.addi %mul3A_2, %add3A_59 : i32
    %dma_start3A_61 = arith.constant 0 : i32
    %dma_start3A_62 = tpu.memref_slice %arg4[%add3A_60, %dma_start3A_61] : memref<4096x6400xf32, #tpu.memory_space<hbm>> -> memref<8x6400xf32, #tpu.memory_space<hbm>>
    %dma_start3A_63 = arith.constant 0 : i32
    %dma_start3A_64 = tpu.memref_slice %arg4[%add3A_60, %dma_start3A_63] : memref<4096x6400xf32, #tpu.memory_space<hbm>> -> memref<8x6400xf32, #tpu.memory_space<hbm>>
    tpu.enqueue_dma source(%arg6 : memref<8x6400xf32, #tpu.memory_space<vmem>>) target(%dma_start3A_64 : memref<8x6400xf32, #tpu.memory_space<hbm>>) target_semaphore(%arg10 : memref<!tpu.dma_semaphore, #tpu.memory_space<semaphore_mem>>)
    %dma_wait3A_65 = arith.constant 0 : i32
    %dma_wait3A_66 = tpu.memref_slice %arg4[%add3A_36, %dma_wait3A_65] : memref<4096x6400xf32, #tpu.memory_space<hbm>> -> memref<8x6400xf32, #tpu.memory_space<hbm>>
    %dma_wait3A_67 = arith.constant 0 : i32
    %dma_wait3A_68 = tpu.memref_slice %arg4[%add3A_36, %dma_wait3A_67] : memref<4096x6400xf32, #tpu.memory_space<hbm>> -> memref<8x6400xf32, #tpu.memory_space<hbm>>
    tpu.wait_dma2 semaphore(%arg11 : memref<!tpu.dma_semaphore, #tpu.memory_space<semaphore_mem>>) src(%arg7 : memref<8x6400xf32, #tpu.memory_space<vmem>>) dst(%dma_wait3A_68 : memref<8x6400xf32, #tpu.memory_space<hbm>>)
    %dma_start3A_69 = arith.constant 3 : i32
    %dma_start3A_70 = arith.constant 0 : i32
    %dma_start3A_71 = tpu.memref_slice %arg5[%dma_start3A_69, %dma_start3A_70] : memref<16x8xi32, #tpu.memory_space<vmem>> -> memref<1x8xi32, #tpu.memory_space<vmem>>
    %dma_start3A_72 = tpu.memref_squeeze %dma_start3A_71 : memref<1x8xi32, #tpu.memory_space<vmem>> -> memref<8xi32, #tpu.memory_space<vmem>>
    %dma_start3A_73 = arith.constant 0 : i32
    %dma_start3A_74 = arith.constant 0 : i32
    %dma_start3A_75 = tpu.memref_slice %arg2[%dma_start3A_73, %dma_start3A_74] : memref<4352x6400xf32, #tpu.memory_space<hbm>> -> memref<4352x6400xf32, #tpu.memory_space<hbm>>
    tpu.enqueue_indirect_dma source(%dma_start3A_75 : memref<4352x6400xf32, #tpu.memory_space<hbm>>) target(%arg7 : memref<8x6400xf32, #tpu.memory_space<vmem>>) offsets(%dma_start3A_72 : memref<8xi32, #tpu.memory_space<vmem>>) semaphore(%arg9 : memref<!tpu.dma_semaphore, #tpu.memory_space<semaphore_mem>>)
    %dma_wait3A_76 = arith.constant 3 : i32
    %dma_wait3A_77 = arith.constant 0 : i32
    %dma_wait3A_78 = tpu.memref_slice %arg5[%dma_wait3A_76, %dma_wait3A_77] : memref<16x8xi32, #tpu.memory_space<vmem>> -> memref<1x8xi32, #tpu.memory_space<vmem>>
    %dma_wait3A_79 = tpu.memref_squeeze %dma_wait3A_78 : memref<1x8xi32, #tpu.memory_space<vmem>> -> memref<8xi32, #tpu.memory_space<vmem>>
    %dma_wait3A_80 = arith.constant 0 : i32
    %dma_wait3A_81 = arith.constant 0 : i32
    %dma_wait3A_82 = tpu.memref_slice %arg2[%dma_wait3A_80, %dma_wait3A_81] : memref<4352x6400xf32, #tpu.memory_space<hbm>> -> memref<4352x6400xf32, #tpu.memory_space<hbm>>
    tpu.wait_indirect_dma semaphore(%arg9 : memref<!tpu.dma_semaphore, #tpu.memory_space<semaphore_mem>>) src(%dma_wait3A_82 : memref<4352x6400xf32, #tpu.memory_space<hbm>>) dst(%arg7 : memref<8x6400xf32, #tpu.memory_space<vmem>>)
    %add3A_83 = arith.constant 24 : i32
    %add3A_84 = arith.addi %mul3A_2, %add3A_83 : i32
    %dma_start3A_85 = arith.constant 0 : i32
    %dma_start3A_86 = tpu.memref_slice %arg4[%add3A_84, %dma_start3A_85] : memref<4096x6400xf32, #tpu.memory_space<hbm>> -> memref<8x6400xf32, #tpu.memory_space<hbm>>
    %dma_start3A_87 = arith.constant 0 : i32
    %dma_start3A_88 = tpu.memref_slice %arg4[%add3A_84, %dma_start3A_87] : memref<4096x6400xf32, #tpu.memory_space<hbm>> -> memref<8x6400xf32, #tpu.memory_space<hbm>>
    tpu.enqueue_dma source(%arg7 : memref<8x6400xf32, #tpu.memory_space<vmem>>) target(%dma_start3A_88 : memref<8x6400xf32, #tpu.memory_space<hbm>>) target_semaphore(%arg11 : memref<!tpu.dma_semaphore, #tpu.memory_space<semaphore_mem>>)
    %dma_wait3A_89 = arith.constant 0 : i32
    %dma_wait3A_90 = tpu.memref_slice %arg4[%add3A_60, %dma_wait3A_89] : memref<4096x6400xf32, #tpu.memory_space<hbm>> -> memref<8x6400xf32, #tpu.memory_space<hbm>>
    %dma_wait3A_91 = arith.constant 0 : i32
    %dma_wait3A_92 = tpu.memref_slice %arg4[%add3A_60, %dma_wait3A_91] : memref<4096x6400xf32, #tpu.memory_space<hbm>> -> memref<8x6400xf32, #tpu.memory_space<hbm>>
    tpu.wait_dma2 semaphore(%arg10 : memref<!tpu.dma_semaphore, #tpu.memory_space<semaphore_mem>>) src(%arg6 : memref<8x6400xf32, #tpu.memory_space<vmem>>) dst(%dma_wait3A_92 : memref<8x6400xf32, #tpu.memory_space<hbm>>)
    %dma_start3A_93 = arith.constant 4 : i32
    %dma_start3A_94 = arith.constant 0 : i32
    %dma_start3A_95 = tpu.memref_slice %arg5[%dma_start3A_93, %dma_start3A_94] : memref<16x8xi32, #tpu.memory_space<vmem>> -> memref<1x8xi32, #tpu.memory_space<vmem>>
    %dma_start3A_96 = tpu.memref_squeeze %dma_start3A_95 : memref<1x8xi32, #tpu.memory_space<vmem>> -> memref<8xi32, #tpu.memory_space<vmem>>
    %dma_start3A_97 = arith.constant 0 : i32
    %dma_start3A_98 = arith.constant 0 : i32
    %dma_start3A_99 = tpu.memref_slice %arg2[%dma_start3A_97, %dma_start3A_98] : memref<4352x6400xf32, #tpu.memory_space<hbm>> -> memref<4352x6400xf32, #tpu.memory_space<hbm>>
    tpu.enqueue_indirect_dma source(%dma_start3A_99 : memref<4352x6400xf32, #tpu.memory_space<hbm>>) target(%arg6 : memref<8x6400xf32, #tpu.memory_space<vmem>>) offsets(%dma_start3A_96 : memref<8xi32, #tpu.memory_space<vmem>>) semaphore(%arg8 : memref<!tpu.dma_semaphore, #tpu.memory_space<semaphore_mem>>)
    %dma_wait3A_100 = arith.constant 4 : i32
    %dma_wait3A_101 = arith.constant 0 : i32
    %dma_wait3A_102 = tpu.memref_slice %arg5[%dma_wait3A_100, %dma_wait3A_101] : memref<16x8xi32, #tpu.memory_space<vmem>> -> memref<1x8xi32, #tpu.memory_space<vmem>>
    %dma_wait3A_103 = tpu.memref_squeeze %dma_wait3A_102 : memref<1x8xi32, #tpu.memory_space<vmem>> -> memref<8xi32, #tpu.memory_space<vmem>>
    %dma_wait3A_104 = arith.constant 0 : i32
    %dma_wait3A_105 = arith.constant 0 : i32
    %dma_wait3A_106 = tpu.memref_slice %arg2[%dma_wait3A_104, %dma_wait3A_105] : memref<4352x6400xf32, #tpu.memory_space<hbm>> -> memref<4352x6400xf32, #tpu.memory_space<hbm>>
    tpu.wait_indirect_dma semaphore(%arg8 : memref<!tpu.dma_semaphore, #tpu.memory_space<semaphore_mem>>) src(%dma_wait3A_106 : memref<4352x6400xf32, #tpu.memory_space<hbm>>) dst(%arg6 : memref<8x6400xf32, #tpu.memory_space<vmem>>)
    %add3A_107 = arith.constant 32 : i32
    %add3A_108 = arith.addi %mul3A_2, %add3A_107 : i32
    %dma_start3A_109 = arith.constant 0 : i32
    %dma_start3A_110 = tpu.memref_slice %arg4[%add3A_108, %dma_start3A_109] : memref<4096x6400xf32, #tpu.memory_space<hbm>> -> memref<8x6400xf32, #tpu.memory_space<hbm>>
    %dma_start3A_111 = arith.constant 0 : i32
    %dma_start3A_112 = tpu.memref_slice %arg4[%add3A_108, %dma_start3A_111] : memref<4096x6400xf32, #tpu.memory_space<hbm>> -> memref<8x6400xf32, #tpu.memory_space<hbm>>
    tpu.enqueue_dma source(%arg6 : memref<8x6400xf32, #tpu.memory_space<vmem>>) target(%dma_start3A_112 : memref<8x6400xf32, #tpu.memory_space<hbm>>) target_semaphore(%arg10 : memref<!tpu.dma_semaphore, #tpu.memory_space<semaphore_mem>>)
    %dma_wait3A_113 = arith.constant 0 : i32
    %dma_wait3A_114 = tpu.memref_slice %arg4[%add3A_84, %dma_wait3A_113] : memref<4096x6400xf32, #tpu.memory_space<hbm>> -> memref<8x6400xf32, #tpu.memory_space<hbm>>
    %dma_wait3A_115 = arith.constant 0 : i32
    %dma_wait3A_116 = tpu.memref_slice %arg4[%add3A_84, %dma_wait3A_115] : memref<4096x6400xf32, #tpu.memory_space<hbm>> -> memref<8x6400xf32, #tpu.memory_space<hbm>>
    tpu.wait_dma2 semaphore(%arg11 : memref<!tpu.dma_semaphore, #tpu.memory_space<semaphore_mem>>) src(%arg7 : memref<8x6400xf32, #tpu.memory_space<vmem>>) dst(%dma_wait3A_116 : memref<8x6400xf32, #tpu.memory_space<hbm>>)
    %dma_start3A_117 = arith.constant 5 : i32
    %dma_start3A_118 = arith.constant 0 : i32
    %dma_start3A_119 = tpu.memref_slice %arg5[%dma_start3A_117, %dma_start3A_118] : memref<16x8xi32, #tpu.memory_space<vmem>> -> memref<1x8xi32, #tpu.memory_space<vmem>>
    %dma_start3A_120 = tpu.memref_squeeze %dma_start3A_119 : memref<1x8xi32, #tpu.memory_space<vmem>> -> memref<8xi32, #tpu.memory_space<vmem>>
    %dma_start3A_121 = arith.constant 0 : i32
    %dma_start3A_122 = arith.constant 0 : i32
    %dma_start3A_123 = tpu.memref_slice %arg2[%dma_start3A_121, %dma_start3A_122] : memref<4352x6400xf32, #tpu.memory_space<hbm>> -> memref<4352x6400xf32, #tpu.memory_space<hbm>>
    tpu.enqueue_indirect_dma source(%dma_start3A_123 : memref<4352x6400xf32, #tpu.memory_space<hbm>>) target(%arg7 : memref<8x6400xf32, #tpu.memory_space<vmem>>) offsets(%dma_start3A_120 : memref<8xi32, #tpu.memory_space<vmem>>) semaphore(%arg9 : memref<!tpu.dma_semaphore, #tpu.memory_space<semaphore_mem>>)
    %dma_wait3A_124 = arith.constant 5 : i32
    %dma_wait3A_125 = arith.constant 0 : i32
    %dma_wait3A_126 = tpu.memref_slice %arg5[%dma_wait3A_124, %dma_wait3A_125] : memref<16x8xi32, #tpu.memory_space<vmem>> -> memref<1x8xi32, #tpu.memory_space<vmem>>
    %dma_wait3A_127 = tpu.memref_squeeze %dma_wait3A_126 : memref<1x8xi32, #tpu.memory_space<vmem>> -> memref<8xi32, #tpu.memory_space<vmem>>
    %dma_wait3A_128 = arith.constant 0 : i32
    %dma_wait3A_129 = arith.constant 0 : i32
    %dma_wait3A_130 = tpu.memref_slice %arg2[%dma_wait3A_128, %dma_wait3A_129] : memref<4352x6400xf32, #tpu.memory_space<hbm>> -> memref<4352x6400xf32, #tpu.memory_space<hbm>>
    tpu.wait_indirect_dma semaphore(%arg9 : memref<!tpu.dma_semaphore, #tpu.memory_space<semaphore_mem>>) src(%dma_wait3A_130 : memref<4352x6400xf32, #tpu.memory_space<hbm>>) dst(%arg7 : memref<8x6400xf32, #tpu.memory_space<vmem>>)
    %add3A_131 = arith.constant 40 : i32
    %add3A_132 = arith.addi %mul3A_2, %add3A_131 : i32
    %dma_start3A_133 = arith.constant 0 : i32
    %dma_start3A_134 = tpu.memref_slice %arg4[%add3A_132, %dma_start3A_133] : memref<4096x6400xf32, #tpu.memory_space<hbm>> -> memref<8x6400xf32, #tpu.memory_space<hbm>>
    %dma_start3A_135 = arith.constant 0 : i32
    %dma_start3A_136 = tpu.memref_slice %arg4[%add3A_132, %dma_start3A_135] : memref<4096x6400xf32, #tpu.memory_space<hbm>> -> memref<8x6400xf32, #tpu.memory_space<hbm>>
    tpu.enqueue_dma source(%arg7 : memref<8x6400xf32, #tpu.memory_space<vmem>>) target(%dma_start3A_136 : memref<8x6400xf32, #tpu.memory_space<hbm>>) target_semaphore(%arg11 : memref<!tpu.dma_semaphore, #tpu.memory_space<semaphore_mem>>)
    %dma_wait3A_137 = arith.constant 0 : i32
    %dma_wait3A_138 = tpu.memref_slice %arg4[%add3A_108, %dma_wait3A_137] : memref<4096x6400xf32, #tpu.memory_space<hbm>> -> memref<8x6400xf32, #tpu.memory_space<hbm>>
    %dma_wait3A_139 = arith.constant 0 : i32
    %dma_wait3A_140 = tpu.memref_slice %arg4[%add3A_108, %dma_wait3A_139] : memref<4096x6400xf32, #tpu.memory_space<hbm>> -> memref<8x6400xf32, #tpu.memory_space<hbm>>
    tpu.wait_dma2 semaphore(%arg10 : memref<!tpu.dma_semaphore, #tpu.memory_space<semaphore_mem>>) src(%arg6 : memref<8x6400xf32, #tpu.memory_space<vmem>>) dst(%dma_wait3A_140 : memref<8x6400xf32, #tpu.memory_space<hbm>>)
    %dma_start3A_141 = arith.constant 6 : i32
    %dma_start3A_142 = arith.constant 0 : i32
    %dma_start3A_143 = tpu.memref_slice %arg5[%dma_start3A_141, %dma_start3A_142] : memref<16x8xi32, #tpu.memory_space<vmem>> -> memref<1x8xi32, #tpu.memory_space<vmem>>
    %dma_start3A_144 = tpu.memref_squeeze %dma_start3A_143 : memref<1x8xi32, #tpu.memory_space<vmem>> -> memref<8xi32, #tpu.memory_space<vmem>>
    %dma_start3A_145 = arith.constant 0 : i32
    %dma_start3A_146 = arith.constant 0 : i32
    %dma_start3A_147 = tpu.memref_slice %arg2[%dma_start3A_145, %dma_start3A_146] : memref<4352x6400xf32, #tpu.memory_space<hbm>> -> memref<4352x6400xf32, #tpu.memory_space<hbm>>
    tpu.enqueue_indirect_dma source(%dma_start3A_147 : memref<4352x6400xf32, #tpu.memory_space<hbm>>) target(%arg6 : memref<8x6400xf32, #tpu.memory_space<vmem>>) offsets(%dma_start3A_144 : memref<8xi32, #tpu.memory_space<vmem>>) semaphore(%arg8 : memref<!tpu.dma_semaphore, #tpu.memory_space<semaphore_mem>>)
    %dma_wait3A_148 = arith.constant 6 : i32
    %dma_wait3A_149 = arith.constant 0 : i32
    %dma_wait3A_150 = tpu.memref_slice %arg5[%dma_wait3A_148, %dma_wait3A_149] : memref<16x8xi32, #tpu.memory_space<vmem>> -> memref<1x8xi32, #tpu.memory_space<vmem>>
    %dma_wait3A_151 = tpu.memref_squeeze %dma_wait3A_150 : memref<1x8xi32, #tpu.memory_space<vmem>> -> memref<8xi32, #tpu.memory_space<vmem>>
    %dma_wait3A_152 = arith.constant 0 : i32
    %dma_wait3A_153 = arith.constant 0 : i32
    %dma_wait3A_154 = tpu.memref_slice %arg2[%dma_wait3A_152, %dma_wait3A_153] : memref<4352x6400xf32, #tpu.memory_space<hbm>> -> memref<4352x6400xf32, #tpu.memory_space<hbm>>
    tpu.wait_indirect_dma semaphore(%arg8 : memref<!tpu.dma_semaphore, #tpu.memory_space<semaphore_mem>>) src(%dma_wait3A_154 : memref<4352x6400xf32, #tpu.memory_space<hbm>>) dst(%arg6 : memref<8x6400xf32, #tpu.memory_space<vmem>>)
    %add3A_155 = arith.constant 48 : i32
    %add3A_156 = arith.addi %mul3A_2, %add3A_155 : i32
    %dma_start3A_157 = arith.constant 0 : i32
    %dma_start3A_158 = tpu.memref_slice %arg4[%add3A_156, %dma_start3A_157] : memref<4096x6400xf32, #tpu.memory_space<hbm>> -> memref<8x6400xf32, #tpu.memory_space<hbm>>
    %dma_start3A_159 = arith.constant 0 : i32
    %dma_start3A_160 = tpu.memref_slice %arg4[%add3A_156, %dma_start3A_159] : memref<4096x6400xf32, #tpu.memory_space<hbm>> -> memref<8x6400xf32, #tpu.memory_space<hbm>>
    tpu.enqueue_dma source(%arg6 : memref<8x6400xf32, #tpu.memory_space<vmem>>) target(%dma_start3A_160 : memref<8x6400xf32, #tpu.memory_space<hbm>>) target_semaphore(%arg10 : memref<!tpu.dma_semaphore, #tpu.memory_space<semaphore_mem>>)
    %dma_wait3A_161 = arith.constant 0 : i32
    %dma_wait3A_162 = tpu.memref_slice %arg4[%add3A_132, %dma_wait3A_161] : memref<4096x6400xf32, #tpu.memory_space<hbm>> -> memref<8x6400xf32, #tpu.memory_space<hbm>>
    %dma_wait3A_163 = arith.constant 0 : i32
    %dma_wait3A_164 = tpu.memref_slice %arg4[%add3A_132, %dma_wait3A_163] : memref<4096x6400xf32, #tpu.memory_space<hbm>> -> memref<8x6400xf32, #tpu.memory_space<hbm>>
    tpu.wait_dma2 semaphore(%arg11 : memref<!tpu.dma_semaphore, #tpu.memory_space<semaphore_mem>>) src(%arg7 : memref<8x6400xf32, #tpu.memory_space<vmem>>) dst(%dma_wait3A_164 : memref<8x6400xf32, #tpu.memory_space<hbm>>)
    %dma_start3A_165 = arith.constant 7 : i32
    %dma_start3A_166 = arith.constant 0 : i32
    %dma_start3A_167 = tpu.memref_slice %arg5[%dma_start3A_165, %dma_start3A_166] : memref<16x8xi32, #tpu.memory_space<vmem>> -> memref<1x8xi32, #tpu.memory_space<vmem>>
    %dma_start3A_168 = tpu.memref_squeeze %dma_start3A_167 : memref<1x8xi32, #tpu.memory_space<vmem>> -> memref<8xi32, #tpu.memory_space<vmem>>
    %dma_start3A_169 = arith.constant 0 : i32
    %dma_start3A_170 = arith.constant 0 : i32
    %dma_start3A_171 = tpu.memref_slice %arg2[%dma_start3A_169, %dma_start3A_170] : memref<4352x6400xf32, #tpu.memory_space<hbm>> -> memref<4352x6400xf32, #tpu.memory_space<hbm>>
    tpu.enqueue_indirect_dma source(%dma_start3A_171 : memref<4352x6400xf32, #tpu.memory_space<hbm>>) target(%arg7 : memref<8x6400xf32, #tpu.memory_space<vmem>>) offsets(%dma_start3A_168 : memref<8xi32, #tpu.memory_space<vmem>>) semaphore(%arg9 : memref<!tpu.dma_semaphore, #tpu.memory_space<semaphore_mem>>)
    %dma_wait3A_172 = arith.constant 7 : i32
    %dma_wait3A_173 = arith.constant 0 : i32
    %dma_wait3A_174 = tpu.memref_slice %arg5[%dma_wait3A_172, %dma_wait3A_173] : memref<16x8xi32, #tpu.memory_space<vmem>> -> memref<1x8xi32, #tpu.memory_space<vmem>>
    %dma_wait3A_175 = tpu.memref_squeeze %dma_wait3A_174 : memref<1x8xi32, #tpu.memory_space<vmem>> -> memref<8xi32, #tpu.memory_space<vmem>>
    %dma_wait3A_176 = arith.constant 0 : i32
    %dma_wait3A_177 = arith.constant 0 : i32
    %dma_wait3A_178 = tpu.memref_slice %arg2[%dma_wait3A_176, %dma_wait3A_177] : memref<4352x6400xf32, #tpu.memory_space<hbm>> -> memref<4352x6400xf32, #tpu.memory_space<hbm>>
    tpu.wait_indirect_dma semaphore(%arg9 : memref<!tpu.dma_semaphore, #tpu.memory_space<semaphore_mem>>) src(%dma_wait3A_178 : memref<4352x6400xf32, #tpu.memory_space<hbm>>) dst(%arg7 : memref<8x6400xf32, #tpu.memory_space<vmem>>)
    %add3A_179 = arith.constant 56 : i32
    %add3A_180 = arith.addi %mul3A_2, %add3A_179 : i32
    %dma_start3A_181 = arith.constant 0 : i32
    %dma_start3A_182 = tpu.memref_slice %arg4[%add3A_180, %dma_start3A_181] : memref<4096x6400xf32, #tpu.memory_space<hbm>> -> memref<8x6400xf32, #tpu.memory_space<hbm>>
    %dma_start3A_183 = arith.constant 0 : i32
    %dma_start3A_184 = tpu.memref_slice %arg4[%add3A_180, %dma_start3A_183] : memref<4096x6400xf32, #tpu.memory_space<hbm>> -> memref<8x6400xf32, #tpu.memory_space<hbm>>
    tpu.enqueue_dma source(%arg7 : memref<8x6400xf32, #tpu.memory_space<vmem>>) target(%dma_start3A_184 : memref<8x6400xf32, #tpu.memory_space<hbm>>) target_semaphore(%arg11 : memref<!tpu.dma_semaphore, #tpu.memory_space<semaphore_mem>>)
    %dma_wait3A_185 = arith.constant 0 : i32
    %dma_wait3A_186 = tpu.memref_slice %arg4[%add3A_156, %dma_wait3A_185] : memref<4096x6400xf32, #tpu.memory_space<hbm>> -> memref<8x6400xf32, #tpu.memory_space<hbm>>
    %dma_wait3A_187 = arith.constant 0 : i32
    %dma_wait3A_188 = tpu.memref_slice %arg4[%add3A_156, %dma_wait3A_187] : memref<4096x6400xf32, #tpu.memory_space<hbm>> -> memref<8x6400xf32, #tpu.memory_space<hbm>>
    tpu.wait_dma2 semaphore(%arg10 : memref<!tpu.dma_semaphore, #tpu.memory_space<semaphore_mem>>) src(%arg6 : memref<8x6400xf32, #tpu.memory_space<vmem>>) dst(%dma_wait3A_188 : memref<8x6400xf32, #tpu.memory_space<hbm>>)
    %dma_start3A_189 = arith.constant 8 : i32
    %dma_start3A_190 = arith.constant 0 : i32
    %dma_start3A_191 = tpu.memref_slice %arg5[%dma_start3A_189, %dma_start3A_190] : memref<16x8xi32, #tpu.memory_space<vmem>> -> memref<1x8xi32, #tpu.memory_space<vmem>>
    %dma_start3A_192 = tpu.memref_squeeze %dma_start3A_191 : memref<1x8xi32, #tpu.memory_space<vmem>> -> memref<8xi32, #tpu.memory_space<vmem>>
    %dma_start3A_193 = arith.constant 0 : i32
    %dma_start3A_194 = arith.constant 0 : i32
    %dma_start3A_195 = tpu.memref_slice %arg2[%dma_start3A_193, %dma_start3A_194] : memref<4352x6400xf32, #tpu.memory_space<hbm>> -> memref<4352x6400xf32, #tpu.memory_space<hbm>>
    tpu.enqueue_indirect_dma source(%dma_start3A_195 : memref<4352x6400xf32, #tpu.memory_space<hbm>>) target(%arg6 : memref<8x6400xf32, #tpu.memory_space<vmem>>) offsets(%dma_start3A_192 : memref<8xi32, #tpu.memory_space<vmem>>) semaphore(%arg8 : memref<!tpu.dma_semaphore, #tpu.memory_space<semaphore_mem>>)
    %dma_wait3A_196 = arith.constant 8 : i32
    %dma_wait3A_197 = arith.constant 0 : i32
    %dma_wait3A_198 = tpu.memref_slice %arg5[%dma_wait3A_196, %dma_wait3A_197] : memref<16x8xi32, #tpu.memory_space<vmem>> -> memref<1x8xi32, #tpu.memory_space<vmem>>
    %dma_wait3A_199 = tpu.memref_squeeze %dma_wait3A_198 : memref<1x8xi32, #tpu.memory_space<vmem>> -> memref<8xi32, #tpu.memory_space<vmem>>
    %dma_wait3A_200 = arith.constant 0 : i32
    %dma_wait3A_201 = arith.constant 0 : i32
    %dma_wait3A_202 = tpu.memref_slice %arg2[%dma_wait3A_200, %dma_wait3A_201] : memref<4352x6400xf32, #tpu.memory_space<hbm>> -> memref<4352x6400xf32, #tpu.memory_space<hbm>>
    tpu.wait_indirect_dma semaphore(%arg8 : memref<!tpu.dma_semaphore, #tpu.memory_space<semaphore_mem>>) src(%dma_wait3A_202 : memref<4352x6400xf32, #tpu.memory_space<hbm>>) dst(%arg6 : memref<8x6400xf32, #tpu.memory_space<vmem>>)
    %add3A_203 = arith.constant 64 : i32
    %add3A_204 = arith.addi %mul3A_2, %add3A_203 : i32
    %dma_start3A_205 = arith.constant 0 : i32
    %dma_start3A_206 = tpu.memref_slice %arg4[%add3A_204, %dma_start3A_205] : memref<4096x6400xf32, #tpu.memory_space<hbm>> -> memref<8x6400xf32, #tpu.memory_space<hbm>>
    %dma_start3A_207 = arith.constant 0 : i32
    %dma_start3A_208 = tpu.memref_slice %arg4[%add3A_204, %dma_start3A_207] : memref<4096x6400xf32, #tpu.memory_space<hbm>> -> memref<8x6400xf32, #tpu.memory_space<hbm>>
    tpu.enqueue_dma source(%arg6 : memref<8x6400xf32, #tpu.memory_space<vmem>>) target(%dma_start3A_208 : memref<8x6400xf32, #tpu.memory_space<hbm>>) target_semaphore(%arg10 : memref<!tpu.dma_semaphore, #tpu.memory_space<semaphore_mem>>)
    %dma_wait3A_209 = arith.constant 0 : i32
    %dma_wait3A_210 = tpu.memref_slice %arg4[%add3A_180, %dma_wait3A_209] : memref<4096x6400xf32, #tpu.memory_space<hbm>> -> memref<8x6400xf32, #tpu.memory_space<hbm>>
    %dma_wait3A_211 = arith.constant 0 : i32
    %dma_wait3A_212 = tpu.memref_slice %arg4[%add3A_180, %dma_wait3A_211] : memref<4096x6400xf32, #tpu.memory_space<hbm>> -> memref<8x6400xf32, #tpu.memory_space<hbm>>
    tpu.wait_dma2 semaphore(%arg11 : memref<!tpu.dma_semaphore, #tpu.memory_space<semaphore_mem>>) src(%arg7 : memref<8x6400xf32, #tpu.memory_space<vmem>>) dst(%dma_wait3A_212 : memref<8x6400xf32, #tpu.memory_space<hbm>>)
    %dma_start3A_213 = arith.constant 9 : i32
    %dma_start3A_214 = arith.constant 0 : i32
    %dma_start3A_215 = tpu.memref_slice %arg5[%dma_start3A_213, %dma_start3A_214] : memref<16x8xi32, #tpu.memory_space<vmem>> -> memref<1x8xi32, #tpu.memory_space<vmem>>
    %dma_start3A_216 = tpu.memref_squeeze %dma_start3A_215 : memref<1x8xi32, #tpu.memory_space<vmem>> -> memref<8xi32, #tpu.memory_space<vmem>>
    %dma_start3A_217 = arith.constant 0 : i32
    %dma_start3A_218 = arith.constant 0 : i32
    %dma_start3A_219 = tpu.memref_slice %arg2[%dma_start3A_217, %dma_start3A_218] : memref<4352x6400xf32, #tpu.memory_space<hbm>> -> memref<4352x6400xf32, #tpu.memory_space<hbm>>
    tpu.enqueue_indirect_dma source(%dma_start3A_219 : memref<4352x6400xf32, #tpu.memory_space<hbm>>) target(%arg7 : memref<8x6400xf32, #tpu.memory_space<vmem>>) offsets(%dma_start3A_216 : memref<8xi32, #tpu.memory_space<vmem>>) semaphore(%arg9 : memref<!tpu.dma_semaphore, #tpu.memory_space<semaphore_mem>>)
    %dma_wait3A_220 = arith.constant 9 : i32
    %dma_wait3A_221 = arith.constant 0 : i32
    %dma_wait3A_222 = tpu.memref_slice %arg5[%dma_wait3A_220, %dma_wait3A_221] : memref<16x8xi32, #tpu.memory_space<vmem>> -> memref<1x8xi32, #tpu.memory_space<vmem>>
    %dma_wait3A_223 = tpu.memref_squeeze %dma_wait3A_222 : memref<1x8xi32, #tpu.memory_space<vmem>> -> memref<8xi32, #tpu.memory_space<vmem>>
    %dma_wait3A_224 = arith.constant 0 : i32
    %dma_wait3A_225 = arith.constant 0 : i32
    %dma_wait3A_226 = tpu.memref_slice %arg2[%dma_wait3A_224, %dma_wait3A_225] : memref<4352x6400xf32, #tpu.memory_space<hbm>> -> memref<4352x6400xf32, #tpu.memory_space<hbm>>
    tpu.wait_indirect_dma semaphore(%arg9 : memref<!tpu.dma_semaphore, #tpu.memory_space<semaphore_mem>>) src(%dma_wait3A_226 : memref<4352x6400xf32, #tpu.memory_space<hbm>>) dst(%arg7 : memref<8x6400xf32, #tpu.memory_space<vmem>>)
    %add3A_227 = arith.constant 72 : i32
    %add3A_228 = arith.addi %mul3A_2, %add3A_227 : i32
    %dma_start3A_229 = arith.constant 0 : i32
    %dma_start3A_230 = tpu.memref_slice %arg4[%add3A_228, %dma_start3A_229] : memref<4096x6400xf32, #tpu.memory_space<hbm>> -> memref<8x6400xf32, #tpu.memory_space<hbm>>
    %dma_start3A_231 = arith.constant 0 : i32
    %dma_start3A_232 = tpu.memref_slice %arg4[%add3A_228, %dma_start3A_231] : memref<4096x6400xf32, #tpu.memory_space<hbm>> -> memref<8x6400xf32, #tpu.memory_space<hbm>>
    tpu.enqueue_dma source(%arg7 : memref<8x6400xf32, #tpu.memory_space<vmem>>) target(%dma_start3A_232 : memref<8x6400xf32, #tpu.memory_space<hbm>>) target_semaphore(%arg11 : memref<!tpu.dma_semaphore, #tpu.memory_space<semaphore_mem>>)
    %dma_wait3A_233 = arith.constant 0 : i32
    %dma_wait3A_234 = tpu.memref_slice %arg4[%add3A_204, %dma_wait3A_233] : memref<4096x6400xf32, #tpu.memory_space<hbm>> -> memref<8x6400xf32, #tpu.memory_space<hbm>>
    %dma_wait3A_235 = arith.constant 0 : i32
    %dma_wait3A_236 = tpu.memref_slice %arg4[%add3A_204, %dma_wait3A_235] : memref<4096x6400xf32, #tpu.memory_space<hbm>> -> memref<8x6400xf32, #tpu.memory_space<hbm>>
    tpu.wait_dma2 semaphore(%arg10 : memref<!tpu.dma_semaphore, #tpu.memory_space<semaphore_mem>>) src(%arg6 : memref<8x6400xf32, #tpu.memory_space<vmem>>) dst(%dma_wait3A_236 : memref<8x6400xf32, #tpu.memory_space<hbm>>)
    %dma_start3A_237 = arith.constant 10 : i32
    %dma_start3A_238 = arith.constant 0 : i32
    %dma_start3A_239 = tpu.memref_slice %arg5[%dma_start3A_237, %dma_start3A_238] : memref<16x8xi32, #tpu.memory_space<vmem>> -> memref<1x8xi32, #tpu.memory_space<vmem>>
    %dma_start3A_240 = tpu.memref_squeeze %dma_start3A_239 : memref<1x8xi32, #tpu.memory_space<vmem>> -> memref<8xi32, #tpu.memory_space<vmem>>
    %dma_start3A_241 = arith.constant 0 : i32
    %dma_start3A_242 = arith.constant 0 : i32
    %dma_start3A_243 = tpu.memref_slice %arg2[%dma_start3A_241, %dma_start3A_242] : memref<4352x6400xf32, #tpu.memory_space<hbm>> -> memref<4352x6400xf32, #tpu.memory_space<hbm>>
    tpu.enqueue_indirect_dma source(%dma_start3A_243 : memref<4352x6400xf32, #tpu.memory_space<hbm>>) target(%arg6 : memref<8x6400xf32, #tpu.memory_space<vmem>>) offsets(%dma_start3A_240 : memref<8xi32, #tpu.memory_space<vmem>>) semaphore(%arg8 : memref<!tpu.dma_semaphore, #tpu.memory_space<semaphore_mem>>)
    %dma_wait3A_244 = arith.constant 10 : i32
    %dma_wait3A_245 = arith.constant 0 : i32
    %dma_wait3A_246 = tpu.memref_slice %arg5[%dma_wait3A_244, %dma_wait3A_245] : memref<16x8xi32, #tpu.memory_space<vmem>> -> memref<1x8xi32, #tpu.memory_space<vmem>>
    %dma_wait3A_247 = tpu.memref_squeeze %dma_wait3A_246 : memref<1x8xi32, #tpu.memory_space<vmem>> -> memref<8xi32, #tpu.memory_space<vmem>>
    %dma_wait3A_248 = arith.constant 0 : i32
    %dma_wait3A_249 = arith.constant 0 : i32
    %dma_wait3A_250 = tpu.memref_slice %arg2[%dma_wait3A_248, %dma_wait3A_249] : memref<4352x6400xf32, #tpu.memory_space<hbm>> -> memref<4352x6400xf32, #tpu.memory_space<hbm>>
    tpu.wait_indirect_dma semaphore(%arg8 : memref<!tpu.dma_semaphore, #tpu.memory_space<semaphore_mem>>) src(%dma_wait3A_250 : memref<4352x6400xf32, #tpu.memory_space<hbm>>) dst(%arg6 : memref<8x6400xf32, #tpu.memory_space<vmem>>)
    %add3A_251 = arith.constant 80 : i32
    %add3A_252 = arith.addi %mul3A_2, %add3A_251 : i32
    %dma_start3A_253 = arith.constant 0 : i32
    %dma_start3A_254 = tpu.memref_slice %arg4[%add3A_252, %dma_start3A_253] : memref<4096x6400xf32, #tpu.memory_space<hbm>> -> memref<8x6400xf32, #tpu.memory_space<hbm>>
    %dma_start3A_255 = arith.constant 0 : i32
    %dma_start3A_256 = tpu.memref_slice %arg4[%add3A_252, %dma_start3A_255] : memref<4096x6400xf32, #tpu.memory_space<hbm>> -> memref<8x6400xf32, #tpu.memory_space<hbm>>
    tpu.enqueue_dma source(%arg6 : memref<8x6400xf32, #tpu.memory_space<vmem>>) target(%dma_start3A_256 : memref<8x6400xf32, #tpu.memory_space<hbm>>) target_semaphore(%arg10 : memref<!tpu.dma_semaphore, #tpu.memory_space<semaphore_mem>>)
    %dma_wait3A_257 = arith.constant 0 : i32
    %dma_wait3A_258 = tpu.memref_slice %arg4[%add3A_228, %dma_wait3A_257] : memref<4096x6400xf32, #tpu.memory_space<hbm>> -> memref<8x6400xf32, #tpu.memory_space<hbm>>
    %dma_wait3A_259 = arith.constant 0 : i32
    %dma_wait3A_260 = tpu.memref_slice %arg4[%add3A_228, %dma_wait3A_259] : memref<4096x6400xf32, #tpu.memory_space<hbm>> -> memref<8x6400xf32, #tpu.memory_space<hbm>>
    tpu.wait_dma2 semaphore(%arg11 : memref<!tpu.dma_semaphore, #tpu.memory_space<semaphore_mem>>) src(%arg7 : memref<8x6400xf32, #tpu.memory_space<vmem>>) dst(%dma_wait3A_260 : memref<8x6400xf32, #tpu.memory_space<hbm>>)
    %dma_start3A_261 = arith.constant 11 : i32
    %dma_start3A_262 = arith.constant 0 : i32
    %dma_start3A_263 = tpu.memref_slice %arg5[%dma_start3A_261, %dma_start3A_262] : memref<16x8xi32, #tpu.memory_space<vmem>> -> memref<1x8xi32, #tpu.memory_space<vmem>>
    %dma_start3A_264 = tpu.memref_squeeze %dma_start3A_263 : memref<1x8xi32, #tpu.memory_space<vmem>> -> memref<8xi32, #tpu.memory_space<vmem>>
    %dma_start3A_265 = arith.constant 0 : i32
    %dma_start3A_266 = arith.constant 0 : i32
    %dma_start3A_267 = tpu.memref_slice %arg2[%dma_start3A_265, %dma_start3A_266] : memref<4352x6400xf32, #tpu.memory_space<hbm>> -> memref<4352x6400xf32, #tpu.memory_space<hbm>>
    tpu.enqueue_indirect_dma source(%dma_start3A_267 : memref<4352x6400xf32, #tpu.memory_space<hbm>>) target(%arg7 : memref<8x6400xf32, #tpu.memory_space<vmem>>) offsets(%dma_start3A_264 : memref<8xi32, #tpu.memory_space<vmem>>) semaphore(%arg9 : memref<!tpu.dma_semaphore, #tpu.memory_space<semaphore_mem>>)
    %dma_wait3A_268 = arith.constant 11 : i32
    %dma_wait3A_269 = arith.constant 0 : i32
    %dma_wait3A_270 = tpu.memref_slice %arg5[%dma_wait3A_268, %dma_wait3A_269] : memref<16x8xi32, #tpu.memory_space<vmem>> -> memref<1x8xi32, #tpu.memory_space<vmem>>
    %dma_wait3A_271 = tpu.memref_squeeze %dma_wait3A_270 : memref<1x8xi32, #tpu.memory_space<vmem>> -> memref<8xi32, #tpu.memory_space<vmem>>
    %dma_wait3A_272 = arith.constant 0 : i32
    %dma_wait3A_273 = arith.constant 0 : i32
    %dma_wait3A_274 = tpu.memref_slice %arg2[%dma_wait3A_272, %dma_wait3A_273] : memref<4352x6400xf32, #tpu.memory_space<hbm>> -> memref<4352x6400xf32, #tpu.memory_space<hbm>>
    tpu.wait_indirect_dma semaphore(%arg9 : memref<!tpu.dma_semaphore, #tpu.memory_space<semaphore_mem>>) src(%dma_wait3A_274 : memref<4352x6400xf32, #tpu.memory_space<hbm>>) dst(%arg7 : memref<8x6400xf32, #tpu.memory_space<vmem>>)
    %add3A_275 = arith.constant 88 : i32
    %add3A_276 = arith.addi %mul3A_2, %add3A_275 : i32
    %dma_start3A_277 = arith.constant 0 : i32
    %dma_start3A_278 = tpu.memref_slice %arg4[%add3A_276, %dma_start3A_277] : memref<4096x6400xf32, #tpu.memory_space<hbm>> -> memref<8x6400xf32, #tpu.memory_space<hbm>>
    %dma_start3A_279 = arith.constant 0 : i32
    %dma_start3A_280 = tpu.memref_slice %arg4[%add3A_276, %dma_start3A_279] : memref<4096x6400xf32, #tpu.memory_space<hbm>> -> memref<8x6400xf32, #tpu.memory_space<hbm>>
    tpu.enqueue_dma source(%arg7 : memref<8x6400xf32, #tpu.memory_space<vmem>>) target(%dma_start3A_280 : memref<8x6400xf32, #tpu.memory_space<hbm>>) target_semaphore(%arg11 : memref<!tpu.dma_semaphore, #tpu.memory_space<semaphore_mem>>)
    %dma_wait3A_281 = arith.constant 0 : i32
    %dma_wait3A_282 = tpu.memref_slice %arg4[%add3A_252, %dma_wait3A_281] : memref<4096x6400xf32, #tpu.memory_space<hbm>> -> memref<8x6400xf32, #tpu.memory_space<hbm>>
    %dma_wait3A_283 = arith.constant 0 : i32
    %dma_wait3A_284 = tpu.memref_slice %arg4[%add3A_252, %dma_wait3A_283] : memref<4096x6400xf32, #tpu.memory_space<hbm>> -> memref<8x6400xf32, #tpu.memory_space<hbm>>
    tpu.wait_dma2 semaphore(%arg10 : memref<!tpu.dma_semaphore, #tpu.memory_space<semaphore_mem>>) src(%arg6 : memref<8x6400xf32, #tpu.memory_space<vmem>>) dst(%dma_wait3A_284 : memref<8x6400xf32, #tpu.memory_space<hbm>>)
    %dma_start3A_285 = arith.constant 12 : i32
    %dma_start3A_286 = arith.constant 0 : i32
    %dma_start3A_287 = tpu.memref_slice %arg5[%dma_start3A_285, %dma_start3A_286] : memref<16x8xi32, #tpu.memory_space<vmem>> -> memref<1x8xi32, #tpu.memory_space<vmem>>
    %dma_start3A_288 = tpu.memref_squeeze %dma_start3A_287 : memref<1x8xi32, #tpu.memory_space<vmem>> -> memref<8xi32, #tpu.memory_space<vmem>>
    %dma_start3A_289 = arith.constant 0 : i32
    %dma_start3A_290 = arith.constant 0 : i32
    %dma_start3A_291 = tpu.memref_slice %arg2[%dma_start3A_289, %dma_start3A_290] : memref<4352x6400xf32, #tpu.memory_space<hbm>> -> memref<4352x6400xf32, #tpu.memory_space<hbm>>
    tpu.enqueue_indirect_dma source(%dma_start3A_291 : memref<4352x6400xf32, #tpu.memory_space<hbm>>) target(%arg6 : memref<8x6400xf32, #tpu.memory_space<vmem>>) offsets(%dma_start3A_288 : memref<8xi32, #tpu.memory_space<vmem>>) semaphore(%arg8 : memref<!tpu.dma_semaphore, #tpu.memory_space<semaphore_mem>>)
    %dma_wait3A_292 = arith.constant 12 : i32
    %dma_wait3A_293 = arith.constant 0 : i32
    %dma_wait3A_294 = tpu.memref_slice %arg5[%dma_wait3A_292, %dma_wait3A_293] : memref<16x8xi32, #tpu.memory_space<vmem>> -> memref<1x8xi32, #tpu.memory_space<vmem>>
    %dma_wait3A_295 = tpu.memref_squeeze %dma_wait3A_294 : memref<1x8xi32, #tpu.memory_space<vmem>> -> memref<8xi32, #tpu.memory_space<vmem>>
    %dma_wait3A_296 = arith.constant 0 : i32
    %dma_wait3A_297 = arith.constant 0 : i32
    %dma_wait3A_298 = tpu.memref_slice %arg2[%dma_wait3A_296, %dma_wait3A_297] : memref<4352x6400xf32, #tpu.memory_space<hbm>> -> memref<4352x6400xf32, #tpu.memory_space<hbm>>
    tpu.wait_indirect_dma semaphore(%arg8 : memref<!tpu.dma_semaphore, #tpu.memory_space<semaphore_mem>>) src(%dma_wait3A_298 : memref<4352x6400xf32, #tpu.memory_space<hbm>>) dst(%arg6 : memref<8x6400xf32, #tpu.memory_space<vmem>>)
    %add3A_299 = arith.constant 96 : i32
    %add3A_300 = arith.addi %mul3A_2, %add3A_299 : i32
    %dma_start3A_301 = arith.constant 0 : i32
    %dma_start3A_302 = tpu.memref_slice %arg4[%add3A_300, %dma_start3A_301] : memref<4096x6400xf32, #tpu.memory_space<hbm>> -> memref<8x6400xf32, #tpu.memory_space<hbm>>
    %dma_start3A_303 = arith.constant 0 : i32
    %dma_start3A_304 = tpu.memref_slice %arg4[%add3A_300, %dma_start3A_303] : memref<4096x6400xf32, #tpu.memory_space<hbm>> -> memref<8x6400xf32, #tpu.memory_space<hbm>>
    tpu.enqueue_dma source(%arg6 : memref<8x6400xf32, #tpu.memory_space<vmem>>) target(%dma_start3A_304 : memref<8x6400xf32, #tpu.memory_space<hbm>>) target_semaphore(%arg10 : memref<!tpu.dma_semaphore, #tpu.memory_space<semaphore_mem>>)
    %dma_wait3A_305 = arith.constant 0 : i32
    %dma_wait3A_306 = tpu.memref_slice %arg4[%add3A_276, %dma_wait3A_305] : memref<4096x6400xf32, #tpu.memory_space<hbm>> -> memref<8x6400xf32, #tpu.memory_space<hbm>>
    %dma_wait3A_307 = arith.constant 0 : i32
    %dma_wait3A_308 = tpu.memref_slice %arg4[%add3A_276, %dma_wait3A_307] : memref<4096x6400xf32, #tpu.memory_space<hbm>> -> memref<8x6400xf32, #tpu.memory_space<hbm>>
    tpu.wait_dma2 semaphore(%arg11 : memref<!tpu.dma_semaphore, #tpu.memory_space<semaphore_mem>>) src(%arg7 : memref<8x6400xf32, #tpu.memory_space<vmem>>) dst(%dma_wait3A_308 : memref<8x6400xf32, #tpu.memory_space<hbm>>)
    %dma_start3A_309 = arith.constant 13 : i32
    %dma_start3A_310 = arith.constant 0 : i32
    %dma_start3A_311 = tpu.memref_slice %arg5[%dma_start3A_309, %dma_start3A_310] : memref<16x8xi32, #tpu.memory_space<vmem>> -> memref<1x8xi32, #tpu.memory_space<vmem>>
    %dma_start3A_312 = tpu.memref_squeeze %dma_start3A_311 : memref<1x8xi32, #tpu.memory_space<vmem>> -> memref<8xi32, #tpu.memory_space<vmem>>
    %dma_start3A_313 = arith.constant 0 : i32
    %dma_start3A_314 = arith.constant 0 : i32
    %dma_start3A_315 = tpu.memref_slice %arg2[%dma_start3A_313, %dma_start3A_314] : memref<4352x6400xf32, #tpu.memory_space<hbm>> -> memref<4352x6400xf32, #tpu.memory_space<hbm>>
    tpu.enqueue_indirect_dma source(%dma_start3A_315 : memref<4352x6400xf32, #tpu.memory_space<hbm>>) target(%arg7 : memref<8x6400xf32, #tpu.memory_space<vmem>>) offsets(%dma_start3A_312 : memref<8xi32, #tpu.memory_space<vmem>>) semaphore(%arg9 : memref<!tpu.dma_semaphore, #tpu.memory_space<semaphore_mem>>)
    %dma_wait3A_316 = arith.constant 13 : i32
    %dma_wait3A_317 = arith.constant 0 : i32
    %dma_wait3A_318 = tpu.memref_slice %arg5[%dma_wait3A_316, %dma_wait3A_317] : memref<16x8xi32, #tpu.memory_space<vmem>> -> memref<1x8xi32, #tpu.memory_space<vmem>>
    %dma_wait3A_319 = tpu.memref_squeeze %dma_wait3A_318 : memref<1x8xi32, #tpu.memory_space<vmem>> -> memref<8xi32, #tpu.memory_space<vmem>>
    %dma_wait3A_320 = arith.constant 0 : i32
    %dma_wait3A_321 = arith.constant 0 : i32
    %dma_wait3A_322 = tpu.memref_slice %arg2[%dma_wait3A_320, %dma_wait3A_321] : memref<4352x6400xf32, #tpu.memory_space<hbm>> -> memref<4352x6400xf32, #tpu.memory_space<hbm>>
    tpu.wait_indirect_dma semaphore(%arg9 : memref<!tpu.dma_semaphore, #tpu.memory_space<semaphore_mem>>) src(%dma_wait3A_322 : memref<4352x6400xf32, #tpu.memory_space<hbm>>) dst(%arg7 : memref<8x6400xf32, #tpu.memory_space<vmem>>)
    %add3A_323 = arith.constant 104 : i32
    %add3A_324 = arith.addi %mul3A_2, %add3A_323 : i32
    %dma_start3A_325 = arith.constant 0 : i32
    %dma_start3A_326 = tpu.memref_slice %arg4[%add3A_324, %dma_start3A_325] : memref<4096x6400xf32, #tpu.memory_space<hbm>> -> memref<8x6400xf32, #tpu.memory_space<hbm>>
    %dma_start3A_327 = arith.constant 0 : i32
    %dma_start3A_328 = tpu.memref_slice %arg4[%add3A_324, %dma_start3A_327] : memref<4096x6400xf32, #tpu.memory_space<hbm>> -> memref<8x6400xf32, #tpu.memory_space<hbm>>
    tpu.enqueue_dma source(%arg7 : memref<8x6400xf32, #tpu.memory_space<vmem>>) target(%dma_start3A_328 : memref<8x6400xf32, #tpu.memory_space<hbm>>) target_semaphore(%arg11 : memref<!tpu.dma_semaphore, #tpu.memory_space<semaphore_mem>>)
    %dma_wait3A_329 = arith.constant 0 : i32
    %dma_wait3A_330 = tpu.memref_slice %arg4[%add3A_300, %dma_wait3A_329] : memref<4096x6400xf32, #tpu.memory_space<hbm>> -> memref<8x6400xf32, #tpu.memory_space<hbm>>
    %dma_wait3A_331 = arith.constant 0 : i32
    %dma_wait3A_332 = tpu.memref_slice %arg4[%add3A_300, %dma_wait3A_331] : memref<4096x6400xf32, #tpu.memory_space<hbm>> -> memref<8x6400xf32, #tpu.memory_space<hbm>>
    tpu.wait_dma2 semaphore(%arg10 : memref<!tpu.dma_semaphore, #tpu.memory_space<semaphore_mem>>) src(%arg6 : memref<8x6400xf32, #tpu.memory_space<vmem>>) dst(%dma_wait3A_332 : memref<8x6400xf32, #tpu.memory_space<hbm>>)
    %dma_start3A_333 = arith.constant 14 : i32
    %dma_start3A_334 = arith.constant 0 : i32
    %dma_start3A_335 = tpu.memref_slice %arg5[%dma_start3A_333, %dma_start3A_334] : memref<16x8xi32, #tpu.memory_space<vmem>> -> memref<1x8xi32, #tpu.memory_space<vmem>>
    %dma_start3A_336 = tpu.memref_squeeze %dma_start3A_335 : memref<1x8xi32, #tpu.memory_space<vmem>> -> memref<8xi32, #tpu.memory_space<vmem>>
    %dma_start3A_337 = arith.constant 0 : i32
    %dma_start3A_338 = arith.constant 0 : i32
    %dma_start3A_339 = tpu.memref_slice %arg2[%dma_start3A_337, %dma_start3A_338] : memref<4352x6400xf32, #tpu.memory_space<hbm>> -> memref<4352x6400xf32, #tpu.memory_space<hbm>>
    tpu.enqueue_indirect_dma source(%dma_start3A_339 : memref<4352x6400xf32, #tpu.memory_space<hbm>>) target(%arg6 : memref<8x6400xf32, #tpu.memory_space<vmem>>) offsets(%dma_start3A_336 : memref<8xi32, #tpu.memory_space<vmem>>) semaphore(%arg8 : memref<!tpu.dma_semaphore, #tpu.memory_space<semaphore_mem>>)
    %dma_wait3A_340 = arith.constant 14 : i32
    %dma_wait3A_341 = arith.constant 0 : i32
    %dma_wait3A_342 = tpu.memref_slice %arg5[%dma_wait3A_340, %dma_wait3A_341] : memref<16x8xi32, #tpu.memory_space<vmem>> -> memref<1x8xi32, #tpu.memory_space<vmem>>
    %dma_wait3A_343 = tpu.memref_squeeze %dma_wait3A_342 : memref<1x8xi32, #tpu.memory_space<vmem>> -> memref<8xi32, #tpu.memory_space<vmem>>
    %dma_wait3A_344 = arith.constant 0 : i32
    %dma_wait3A_345 = arith.constant 0 : i32
    %dma_wait3A_346 = tpu.memref_slice %arg2[%dma_wait3A_344, %dma_wait3A_345] : memref<4352x6400xf32, #tpu.memory_space<hbm>> -> memref<4352x6400xf32, #tpu.memory_space<hbm>>
    tpu.wait_indirect_dma semaphore(%arg8 : memref<!tpu.dma_semaphore, #tpu.memory_space<semaphore_mem>>) src(%dma_wait3A_346 : memref<4352x6400xf32, #tpu.memory_space<hbm>>) dst(%arg6 : memref<8x6400xf32, #tpu.memory_space<vmem>>)
    %add3A_347 = arith.constant 112 : i32
    %add3A_348 = arith.addi %mul3A_2, %add3A_347 : i32
    %dma_start3A_349 = arith.constant 0 : i32
    %dma_start3A_350 = tpu.memref_slice %arg4[%add3A_348, %dma_start3A_349] : memref<4096x6400xf32, #tpu.memory_space<hbm>> -> memref<8x6400xf32, #tpu.memory_space<hbm>>
    %dma_start3A_351 = arith.constant 0 : i32
    %dma_start3A_352 = tpu.memref_slice %arg4[%add3A_348, %dma_start3A_351] : memref<4096x6400xf32, #tpu.memory_space<hbm>> -> memref<8x6400xf32, #tpu.memory_space<hbm>>
    tpu.enqueue_dma source(%arg6 : memref<8x6400xf32, #tpu.memory_space<vmem>>) target(%dma_start3A_352 : memref<8x6400xf32, #tpu.memory_space<hbm>>) target_semaphore(%arg10 : memref<!tpu.dma_semaphore, #tpu.memory_space<semaphore_mem>>)
    %dma_wait3A_353 = arith.constant 0 : i32
    %dma_wait3A_354 = tpu.memref_slice %arg4[%add3A_324, %dma_wait3A_353] : memref<4096x6400xf32, #tpu.memory_space<hbm>> -> memref<8x6400xf32, #tpu.memory_space<hbm>>
    %dma_wait3A_355 = arith.constant 0 : i32
    %dma_wait3A_356 = tpu.memref_slice %arg4[%add3A_324, %dma_wait3A_355] : memref<4096x6400xf32, #tpu.memory_space<hbm>> -> memref<8x6400xf32, #tpu.memory_space<hbm>>
    tpu.wait_dma2 semaphore(%arg11 : memref<!tpu.dma_semaphore, #tpu.memory_space<semaphore_mem>>) src(%arg7 : memref<8x6400xf32, #tpu.memory_space<vmem>>) dst(%dma_wait3A_356 : memref<8x6400xf32, #tpu.memory_space<hbm>>)
    %dma_start3A_357 = arith.constant 15 : i32
    %dma_start3A_358 = arith.constant 0 : i32
    %dma_start3A_359 = tpu.memref_slice %arg5[%dma_start3A_357, %dma_start3A_358] : memref<16x8xi32, #tpu.memory_space<vmem>> -> memref<1x8xi32, #tpu.memory_space<vmem>>
    %dma_start3A_360 = tpu.memref_squeeze %dma_start3A_359 : memref<1x8xi32, #tpu.memory_space<vmem>> -> memref<8xi32, #tpu.memory_space<vmem>>
    %dma_start3A_361 = arith.constant 0 : i32
    %dma_start3A_362 = arith.constant 0 : i32
    %dma_start3A_363 = tpu.memref_slice %arg2[%dma_start3A_361, %dma_start3A_362] : memref<4352x6400xf32, #tpu.memory_space<hbm>> -> memref<4352x6400xf32, #tpu.memory_space<hbm>>
    tpu.enqueue_indirect_dma source(%dma_start3A_363 : memref<4352x6400xf32, #tpu.memory_space<hbm>>) target(%arg7 : memref<8x6400xf32, #tpu.memory_space<vmem>>) offsets(%dma_start3A_360 : memref<8xi32, #tpu.memory_space<vmem>>) semaphore(%arg9 : memref<!tpu.dma_semaphore, #tpu.memory_space<semaphore_mem>>)
    %dma_wait3A_364 = arith.constant 15 : i32
    %dma_wait3A_365 = arith.constant 0 : i32
    %dma_wait3A_366 = tpu.memref_slice %arg5[%dma_wait3A_364, %dma_wait3A_365] : memref<16x8xi32, #tpu.memory_space<vmem>> -> memref<1x8xi32, #tpu.memory_space<vmem>>
    %dma_wait3A_367 = tpu.memref_squeeze %dma_wait3A_366 : memref<1x8xi32, #tpu.memory_space<vmem>> -> memref<8xi32, #tpu.memory_space<vmem>>
    %dma_wait3A_368 = arith.constant 0 : i32
    %dma_wait3A_369 = arith.constant 0 : i32
    %dma_wait3A_370 = tpu.memref_slice %arg2[%dma_wait3A_368, %dma_wait3A_369] : memref<4352x6400xf32, #tpu.memory_space<hbm>> -> memref<4352x6400xf32, #tpu.memory_space<hbm>>
    tpu.wait_indirect_dma semaphore(%arg9 : memref<!tpu.dma_semaphore, #tpu.memory_space<semaphore_mem>>) src(%dma_wait3A_370 : memref<4352x6400xf32, #tpu.memory_space<hbm>>) dst(%arg7 : memref<8x6400xf32, #tpu.memory_space<vmem>>)
    %add3A_371 = arith.constant 120 : i32
    %add3A_372 = arith.addi %mul3A_2, %add3A_371 : i32
    %dma_start3A_373 = arith.constant 0 : i32
    %dma_start3A_374 = tpu.memref_slice %arg4[%add3A_372, %dma_start3A_373] : memref<4096x6400xf32, #tpu.memory_space<hbm>> -> memref<8x6400xf32, #tpu.memory_space<hbm>>
    %dma_start3A_375 = arith.constant 0 : i32
    %dma_start3A_376 = tpu.memref_slice %arg4[%add3A_372, %dma_start3A_375] : memref<4096x6400xf32, #tpu.memory_space<hbm>> -> memref<8x6400xf32, #tpu.memory_space<hbm>>
    tpu.enqueue_dma source(%arg7 : memref<8x6400xf32, #tpu.memory_space<vmem>>) target(%dma_start3A_376 : memref<8x6400xf32, #tpu.memory_space<hbm>>) target_semaphore(%arg11 : memref<!tpu.dma_semaphore, #tpu.memory_space<semaphore_mem>>)
    %dma_wait3A_377 = arith.constant 0 : i32
    %dma_wait3A_378 = tpu.memref_slice %arg4[%add3A_348, %dma_wait3A_377] : memref<4096x6400xf32, #tpu.memory_space<hbm>> -> memref<8x6400xf32, #tpu.memory_space<hbm>>
    %dma_wait3A_379 = arith.constant 0 : i32
    %dma_wait3A_380 = tpu.memref_slice %arg4[%add3A_348, %dma_wait3A_379] : memref<4096x6400xf32, #tpu.memory_space<hbm>> -> memref<8x6400xf32, #tpu.memory_space<hbm>>
    tpu.wait_dma2 semaphore(%arg10 : memref<!tpu.dma_semaphore, #tpu.memory_space<semaphore_mem>>) src(%arg6 : memref<8x6400xf32, #tpu.memory_space<vmem>>) dst(%dma_wait3A_380 : memref<8x6400xf32, #tpu.memory_space<hbm>>)
    %dma_wait3A_381 = arith.constant 0 : i32
    %dma_wait3A_382 = tpu.memref_slice %arg4[%add3A_372, %dma_wait3A_381] : memref<4096x6400xf32, #tpu.memory_space<hbm>> -> memref<8x6400xf32, #tpu.memory_space<hbm>>
    %dma_wait3A_383 = arith.constant 0 : i32
    %dma_wait3A_384 = tpu.memref_slice %arg4[%add3A_372, %dma_wait3A_383] : memref<4096x6400xf32, #tpu.memory_space<hbm>> -> memref<8x6400xf32, #tpu.memory_space<hbm>>
    tpu.wait_dma2 semaphore(%arg11 : memref<!tpu.dma_semaphore, #tpu.memory_space<semaphore_mem>>) src(%arg7 : memref<8x6400xf32, #tpu.memory_space<vmem>>) dst(%dma_wait3A_384 : memref<8x6400xf32, #tpu.memory_space<hbm>>)
    return
  }
}

#map = affine_map<(d0, d1) -> (0, 0)>
#map1 = affine_map<(d0, d1) -> (0, 0, 0)>
module attributes {stable_mosaic.version = 14 : i64} {
  func.func @k(%arg0: i32, %arg1: i32, %arg2: memref<4096x3200xf32, #tpu.memory_space<hbm>>, %arg3: memref<32x8x16xi32, #tpu.memory_space<hbm>>, %arg4: memref<4352x3200xf32, #tpu.memory_space<hbm>>, %arg5: memref<8x16xi32, #tpu.memory_space<vmem>>, %arg6: memref<16x3200xf32, #tpu.memory_space<vmem>>, %arg7: memref<16x3200xf32, #tpu.memory_space<vmem>>, %arg8: memref<!tpu.dma_semaphore, #tpu.memory_space<semaphore_mem>>, %arg9: memref<!tpu.dma_semaphore, #tpu.memory_space<semaphore_mem>>, %arg10: memref<!tpu.dma_semaphore, #tpu.memory_space<semaphore_mem>>, %arg11: memref<!tpu.dma_semaphore, #tpu.memory_space<semaphore_mem>>) attributes {dimension_semantics = [#tpu.dimension_semantics<core_parallel>, #tpu.dimension_semantics<subcore_parallel>], iteration_bounds = array<i64: 2, 16>, scalar_prefetch = 0 : i64, scratch_operands = 7 : i64, tpu.core_type = #tpu.core_type<sc_vector_subcore>, window_params = [{transform_indices = #map}, {transform_indices = #map1}, {transform_indices = #map}]} {
    %mul3A = arith.constant 2 : i32
    %mul3A_0 = arith.muli %arg1, %mul3A : i32
    %add3A = arith.addi %mul3A_0, %arg0 : i32
    %mul3A_1 = arith.constant 128 : i32
    %mul3A_2 = arith.muli %add3A, %mul3A_1 : i32
    "tpu.region"() ({
      %run_scoped3A = tpu.sem_alloc : memref<!tpu.dma_semaphore, #tpu.memory_space<semaphore_mem>>
      %dma_start3A_193 = arith.constant 0 : i32
      %dma_start3A_194 = arith.constant 0 : i32
      %dma_start3A_195 = tpu.memref_slice %arg3[%add3A, %dma_start3A_193, %dma_start3A_194] : memref<32x8x16xi32, #tpu.memory_space<hbm>> -> memref<1x8x16xi32, #tpu.memory_space<hbm>>
      %dma_start3A_196 = tpu.memref_squeeze %dma_start3A_195 : memref<1x8x16xi32, #tpu.memory_space<hbm>> -> memref<8x16xi32, #tpu.memory_space<hbm>>
      %dma_start3A_197 = arith.constant 0 : i32
      %dma_start3A_198 = arith.constant 0 : i32
      %dma_start3A_199 = tpu.memref_slice %arg3[%add3A, %dma_start3A_197, %dma_start3A_198] : memref<32x8x16xi32, #tpu.memory_space<hbm>> -> memref<1x8x16xi32, #tpu.memory_space<hbm>>
      %dma_start3A_200 = tpu.memref_squeeze %dma_start3A_199 : memref<1x8x16xi32, #tpu.memory_space<hbm>> -> memref<8x16xi32, #tpu.memory_space<hbm>>
      tpu.enqueue_dma source(%dma_start3A_200 : memref<8x16xi32, #tpu.memory_space<hbm>>) target(%arg5 : memref<8x16xi32, #tpu.memory_space<vmem>>) target_semaphore(%run_scoped3A : memref<!tpu.dma_semaphore, #tpu.memory_space<semaphore_mem>>)
      %dma_wait3A_201 = arith.constant 0 : i32
      %dma_wait3A_202 = arith.constant 0 : i32
      %dma_wait3A_203 = tpu.memref_slice %arg3[%add3A, %dma_wait3A_201, %dma_wait3A_202] : memref<32x8x16xi32, #tpu.memory_space<hbm>> -> memref<1x8x16xi32, #tpu.memory_space<hbm>>
      %dma_wait3A_204 = tpu.memref_squeeze %dma_wait3A_203 : memref<1x8x16xi32, #tpu.memory_space<hbm>> -> memref<8x16xi32, #tpu.memory_space<hbm>>
      %dma_wait3A_205 = arith.constant 0 : i32
      %dma_wait3A_206 = arith.constant 0 : i32
      %dma_wait3A_207 = tpu.memref_slice %arg3[%add3A, %dma_wait3A_205, %dma_wait3A_206] : memref<32x8x16xi32, #tpu.memory_space<hbm>> -> memref<1x8x16xi32, #tpu.memory_space<hbm>>
      %dma_wait3A_208 = tpu.memref_squeeze %dma_wait3A_207 : memref<1x8x16xi32, #tpu.memory_space<hbm>> -> memref<8x16xi32, #tpu.memory_space<hbm>>
      tpu.wait_dma2 semaphore(%run_scoped3A : memref<!tpu.dma_semaphore, #tpu.memory_space<semaphore_mem>>) src(%dma_wait3A_208 : memref<8x16xi32, #tpu.memory_space<hbm>>) dst(%arg5 : memref<8x16xi32, #tpu.memory_space<vmem>>)
      tpu.yield
    }) : () -> ()
    %add3A_3 = arith.constant 0 : i32
    %add3A_4 = arith.addi %mul3A_2, %add3A_3 : i32
    %dma_start3A = arith.constant 0 : i32
    %dma_start3A_5 = tpu.memref_slice %arg2[%add3A_4, %dma_start3A] : memref<4096x3200xf32, #tpu.memory_space<hbm>> -> memref<16x3200xf32, #tpu.memory_space<hbm>>
    %dma_start3A_6 = arith.constant 0 : i32
    %dma_start3A_7 = tpu.memref_slice %arg2[%add3A_4, %dma_start3A_6] : memref<4096x3200xf32, #tpu.memory_space<hbm>> -> memref<16x3200xf32, #tpu.memory_space<hbm>>
    tpu.enqueue_dma source(%dma_start3A_7 : memref<16x3200xf32, #tpu.memory_space<hbm>>) target(%arg6 : memref<16x3200xf32, #tpu.memory_space<vmem>>) target_semaphore(%arg8 : memref<!tpu.dma_semaphore, #tpu.memory_space<semaphore_mem>>)
    %dma_wait3A = arith.constant 0 : i32
    %dma_wait3A_8 = tpu.memref_slice %arg2[%add3A_4, %dma_wait3A] : memref<4096x3200xf32, #tpu.memory_space<hbm>> -> memref<16x3200xf32, #tpu.memory_space<hbm>>
    %dma_wait3A_9 = arith.constant 0 : i32
    %dma_wait3A_10 = tpu.memref_slice %arg2[%add3A_4, %dma_wait3A_9] : memref<4096x3200xf32, #tpu.memory_space<hbm>> -> memref<16x3200xf32, #tpu.memory_space<hbm>>
    tpu.wait_dma2 semaphore(%arg8 : memref<!tpu.dma_semaphore, #tpu.memory_space<semaphore_mem>>) src(%dma_wait3A_10 : memref<16x3200xf32, #tpu.memory_space<hbm>>) dst(%arg6 : memref<16x3200xf32, #tpu.memory_space<vmem>>)
    %dma_start3A_11 = arith.constant 0 : i32
    %dma_start3A_12 = arith.constant 0 : i32
    %dma_start3A_13 = tpu.memref_slice %arg5[%dma_start3A_11, %dma_start3A_12] : memref<8x16xi32, #tpu.memory_space<vmem>> -> memref<1x16xi32, #tpu.memory_space<vmem>>
    %dma_start3A_14 = tpu.memref_squeeze %dma_start3A_13 : memref<1x16xi32, #tpu.memory_space<vmem>> -> memref<16xi32, #tpu.memory_space<vmem>>
    %dma_start3A_15 = arith.constant 0 : i32
    %dma_start3A_16 = arith.constant 0 : i32
    %dma_start3A_17 = tpu.memref_slice %arg4[%dma_start3A_15, %dma_start3A_16] : memref<4352x3200xf32, #tpu.memory_space<hbm>> -> memref<4352x3200xf32, #tpu.memory_space<hbm>>
    tpu.enqueue_indirect_dma source(%arg6 : memref<16x3200xf32, #tpu.memory_space<vmem>>) target(%dma_start3A_17 : memref<4352x3200xf32, #tpu.memory_space<hbm>>) offsets(%dma_start3A_14 : memref<16xi32, #tpu.memory_space<vmem>>) semaphore(%arg10 : memref<!tpu.dma_semaphore, #tpu.memory_space<semaphore_mem>>)
    %add3A_18 = arith.constant 16 : i32
    %add3A_19 = arith.addi %mul3A_2, %add3A_18 : i32
    %dma_start3A_20 = arith.constant 0 : i32
    %dma_start3A_21 = tpu.memref_slice %arg2[%add3A_19, %dma_start3A_20] : memref<4096x3200xf32, #tpu.memory_space<hbm>> -> memref<16x3200xf32, #tpu.memory_space<hbm>>
    %dma_start3A_22 = arith.constant 0 : i32
    %dma_start3A_23 = tpu.memref_slice %arg2[%add3A_19, %dma_start3A_22] : memref<4096x3200xf32, #tpu.memory_space<hbm>> -> memref<16x3200xf32, #tpu.memory_space<hbm>>
    tpu.enqueue_dma source(%dma_start3A_23 : memref<16x3200xf32, #tpu.memory_space<hbm>>) target(%arg7 : memref<16x3200xf32, #tpu.memory_space<vmem>>) target_semaphore(%arg9 : memref<!tpu.dma_semaphore, #tpu.memory_space<semaphore_mem>>)
    %dma_wait3A_24 = arith.constant 0 : i32
    %dma_wait3A_25 = tpu.memref_slice %arg2[%add3A_19, %dma_wait3A_24] : memref<4096x3200xf32, #tpu.memory_space<hbm>> -> memref<16x3200xf32, #tpu.memory_space<hbm>>
    %dma_wait3A_26 = arith.constant 0 : i32
    %dma_wait3A_27 = tpu.memref_slice %arg2[%add3A_19, %dma_wait3A_26] : memref<4096x3200xf32, #tpu.memory_space<hbm>> -> memref<16x3200xf32, #tpu.memory_space<hbm>>
    tpu.wait_dma2 semaphore(%arg9 : memref<!tpu.dma_semaphore, #tpu.memory_space<semaphore_mem>>) src(%dma_wait3A_27 : memref<16x3200xf32, #tpu.memory_space<hbm>>) dst(%arg7 : memref<16x3200xf32, #tpu.memory_space<vmem>>)
    %dma_start3A_28 = arith.constant 1 : i32
    %dma_start3A_29 = arith.constant 0 : i32
    %dma_start3A_30 = tpu.memref_slice %arg5[%dma_start3A_28, %dma_start3A_29] : memref<8x16xi32, #tpu.memory_space<vmem>> -> memref<1x16xi32, #tpu.memory_space<vmem>>
    %dma_start3A_31 = tpu.memref_squeeze %dma_start3A_30 : memref<1x16xi32, #tpu.memory_space<vmem>> -> memref<16xi32, #tpu.memory_space<vmem>>
    %dma_start3A_32 = arith.constant 0 : i32
    %dma_start3A_33 = arith.constant 0 : i32
    %dma_start3A_34 = tpu.memref_slice %arg4[%dma_start3A_32, %dma_start3A_33] : memref<4352x3200xf32, #tpu.memory_space<hbm>> -> memref<4352x3200xf32, #tpu.memory_space<hbm>>
    tpu.enqueue_indirect_dma source(%arg7 : memref<16x3200xf32, #tpu.memory_space<vmem>>) target(%dma_start3A_34 : memref<4352x3200xf32, #tpu.memory_space<hbm>>) offsets(%dma_start3A_31 : memref<16xi32, #tpu.memory_space<vmem>>) semaphore(%arg11 : memref<!tpu.dma_semaphore, #tpu.memory_space<semaphore_mem>>)
    %dma_wait3A_35 = arith.constant 0 : i32
    %dma_wait3A_36 = arith.constant 0 : i32
    %dma_wait3A_37 = tpu.memref_slice %arg5[%dma_wait3A_35, %dma_wait3A_36] : memref<8x16xi32, #tpu.memory_space<vmem>> -> memref<1x16xi32, #tpu.memory_space<vmem>>
    %dma_wait3A_38 = tpu.memref_squeeze %dma_wait3A_37 : memref<1x16xi32, #tpu.memory_space<vmem>> -> memref<16xi32, #tpu.memory_space<vmem>>
    %dma_wait3A_39 = arith.constant 0 : i32
    %dma_wait3A_40 = arith.constant 0 : i32
    %dma_wait3A_41 = tpu.memref_slice %arg4[%dma_wait3A_39, %dma_wait3A_40] : memref<4352x3200xf32, #tpu.memory_space<hbm>> -> memref<4352x3200xf32, #tpu.memory_space<hbm>>
    tpu.wait_indirect_dma semaphore(%arg10 : memref<!tpu.dma_semaphore, #tpu.memory_space<semaphore_mem>>) src(%arg6 : memref<16x3200xf32, #tpu.memory_space<vmem>>) dst(%dma_wait3A_41 : memref<4352x3200xf32, #tpu.memory_space<hbm>>)
    %add3A_42 = arith.constant 32 : i32
    %add3A_43 = arith.addi %mul3A_2, %add3A_42 : i32
    %dma_start3A_44 = arith.constant 0 : i32
    %dma_start3A_45 = tpu.memref_slice %arg2[%add3A_43, %dma_start3A_44] : memref<4096x3200xf32, #tpu.memory_space<hbm>> -> memref<16x3200xf32, #tpu.memory_space<hbm>>
    %dma_start3A_46 = arith.constant 0 : i32
    %dma_start3A_47 = tpu.memref_slice %arg2[%add3A_43, %dma_start3A_46] : memref<4096x3200xf32, #tpu.memory_space<hbm>> -> memref<16x3200xf32, #tpu.memory_space<hbm>>
    tpu.enqueue_dma source(%dma_start3A_47 : memref<16x3200xf32, #tpu.memory_space<hbm>>) target(%arg6 : memref<16x3200xf32, #tpu.memory_space<vmem>>) target_semaphore(%arg8 : memref<!tpu.dma_semaphore, #tpu.memory_space<semaphore_mem>>)
    %dma_wait3A_48 = arith.constant 0 : i32
    %dma_wait3A_49 = tpu.memref_slice %arg2[%add3A_43, %dma_wait3A_48] : memref<4096x3200xf32, #tpu.memory_space<hbm>> -> memref<16x3200xf32, #tpu.memory_space<hbm>>
    %dma_wait3A_50 = arith.constant 0 : i32
    %dma_wait3A_51 = tpu.memref_slice %arg2[%add3A_43, %dma_wait3A_50] : memref<4096x3200xf32, #tpu.memory_space<hbm>> -> memref<16x3200xf32, #tpu.memory_space<hbm>>
    tpu.wait_dma2 semaphore(%arg8 : memref<!tpu.dma_semaphore, #tpu.memory_space<semaphore_mem>>) src(%dma_wait3A_51 : memref<16x3200xf32, #tpu.memory_space<hbm>>) dst(%arg6 : memref<16x3200xf32, #tpu.memory_space<vmem>>)
    %dma_start3A_52 = arith.constant 2 : i32
    %dma_start3A_53 = arith.constant 0 : i32
    %dma_start3A_54 = tpu.memref_slice %arg5[%dma_start3A_52, %dma_start3A_53] : memref<8x16xi32, #tpu.memory_space<vmem>> -> memref<1x16xi32, #tpu.memory_space<vmem>>
    %dma_start3A_55 = tpu.memref_squeeze %dma_start3A_54 : memref<1x16xi32, #tpu.memory_space<vmem>> -> memref<16xi32, #tpu.memory_space<vmem>>
    %dma_start3A_56 = arith.constant 0 : i32
    %dma_start3A_57 = arith.constant 0 : i32
    %dma_start3A_58 = tpu.memref_slice %arg4[%dma_start3A_56, %dma_start3A_57] : memref<4352x3200xf32, #tpu.memory_space<hbm>> -> memref<4352x3200xf32, #tpu.memory_space<hbm>>
    tpu.enqueue_indirect_dma source(%arg6 : memref<16x3200xf32, #tpu.memory_space<vmem>>) target(%dma_start3A_58 : memref<4352x3200xf32, #tpu.memory_space<hbm>>) offsets(%dma_start3A_55 : memref<16xi32, #tpu.memory_space<vmem>>) semaphore(%arg10 : memref<!tpu.dma_semaphore, #tpu.memory_space<semaphore_mem>>)
    %dma_wait3A_59 = arith.constant 1 : i32
    %dma_wait3A_60 = arith.constant 0 : i32
    %dma_wait3A_61 = tpu.memref_slice %arg5[%dma_wait3A_59, %dma_wait3A_60] : memref<8x16xi32, #tpu.memory_space<vmem>> -> memref<1x16xi32, #tpu.memory_space<vmem>>
    %dma_wait3A_62 = tpu.memref_squeeze %dma_wait3A_61 : memref<1x16xi32, #tpu.memory_space<vmem>> -> memref<16xi32, #tpu.memory_space<vmem>>
    %dma_wait3A_63 = arith.constant 0 : i32
    %dma_wait3A_64 = arith.constant 0 : i32
    %dma_wait3A_65 = tpu.memref_slice %arg4[%dma_wait3A_63, %dma_wait3A_64] : memref<4352x3200xf32, #tpu.memory_space<hbm>> -> memref<4352x3200xf32, #tpu.memory_space<hbm>>
    tpu.wait_indirect_dma semaphore(%arg11 : memref<!tpu.dma_semaphore, #tpu.memory_space<semaphore_mem>>) src(%arg7 : memref<16x3200xf32, #tpu.memory_space<vmem>>) dst(%dma_wait3A_65 : memref<4352x3200xf32, #tpu.memory_space<hbm>>)
    %add3A_66 = arith.constant 48 : i32
    %add3A_67 = arith.addi %mul3A_2, %add3A_66 : i32
    %dma_start3A_68 = arith.constant 0 : i32
    %dma_start3A_69 = tpu.memref_slice %arg2[%add3A_67, %dma_start3A_68] : memref<4096x3200xf32, #tpu.memory_space<hbm>> -> memref<16x3200xf32, #tpu.memory_space<hbm>>
    %dma_start3A_70 = arith.constant 0 : i32
    %dma_start3A_71 = tpu.memref_slice %arg2[%add3A_67, %dma_start3A_70] : memref<4096x3200xf32, #tpu.memory_space<hbm>> -> memref<16x3200xf32, #tpu.memory_space<hbm>>
    tpu.enqueue_dma source(%dma_start3A_71 : memref<16x3200xf32, #tpu.memory_space<hbm>>) target(%arg7 : memref<16x3200xf32, #tpu.memory_space<vmem>>) target_semaphore(%arg9 : memref<!tpu.dma_semaphore, #tpu.memory_space<semaphore_mem>>)
    %dma_wait3A_72 = arith.constant 0 : i32
    %dma_wait3A_73 = tpu.memref_slice %arg2[%add3A_67, %dma_wait3A_72] : memref<4096x3200xf32, #tpu.memory_space<hbm>> -> memref<16x3200xf32, #tpu.memory_space<hbm>>
    %dma_wait3A_74 = arith.constant 0 : i32
    %dma_wait3A_75 = tpu.memref_slice %arg2[%add3A_67, %dma_wait3A_74] : memref<4096x3200xf32, #tpu.memory_space<hbm>> -> memref<16x3200xf32, #tpu.memory_space<hbm>>
    tpu.wait_dma2 semaphore(%arg9 : memref<!tpu.dma_semaphore, #tpu.memory_space<semaphore_mem>>) src(%dma_wait3A_75 : memref<16x3200xf32, #tpu.memory_space<hbm>>) dst(%arg7 : memref<16x3200xf32, #tpu.memory_space<vmem>>)
    %dma_start3A_76 = arith.constant 3 : i32
    %dma_start3A_77 = arith.constant 0 : i32
    %dma_start3A_78 = tpu.memref_slice %arg5[%dma_start3A_76, %dma_start3A_77] : memref<8x16xi32, #tpu.memory_space<vmem>> -> memref<1x16xi32, #tpu.memory_space<vmem>>
    %dma_start3A_79 = tpu.memref_squeeze %dma_start3A_78 : memref<1x16xi32, #tpu.memory_space<vmem>> -> memref<16xi32, #tpu.memory_space<vmem>>
    %dma_start3A_80 = arith.constant 0 : i32
    %dma_start3A_81 = arith.constant 0 : i32
    %dma_start3A_82 = tpu.memref_slice %arg4[%dma_start3A_80, %dma_start3A_81] : memref<4352x3200xf32, #tpu.memory_space<hbm>> -> memref<4352x3200xf32, #tpu.memory_space<hbm>>
    tpu.enqueue_indirect_dma source(%arg7 : memref<16x3200xf32, #tpu.memory_space<vmem>>) target(%dma_start3A_82 : memref<4352x3200xf32, #tpu.memory_space<hbm>>) offsets(%dma_start3A_79 : memref<16xi32, #tpu.memory_space<vmem>>) semaphore(%arg11 : memref<!tpu.dma_semaphore, #tpu.memory_space<semaphore_mem>>)
    %dma_wait3A_83 = arith.constant 2 : i32
    %dma_wait3A_84 = arith.constant 0 : i32
    %dma_wait3A_85 = tpu.memref_slice %arg5[%dma_wait3A_83, %dma_wait3A_84] : memref<8x16xi32, #tpu.memory_space<vmem>> -> memref<1x16xi32, #tpu.memory_space<vmem>>
    %dma_wait3A_86 = tpu.memref_squeeze %dma_wait3A_85 : memref<1x16xi32, #tpu.memory_space<vmem>> -> memref<16xi32, #tpu.memory_space<vmem>>
    %dma_wait3A_87 = arith.constant 0 : i32
    %dma_wait3A_88 = arith.constant 0 : i32
    %dma_wait3A_89 = tpu.memref_slice %arg4[%dma_wait3A_87, %dma_wait3A_88] : memref<4352x3200xf32, #tpu.memory_space<hbm>> -> memref<4352x3200xf32, #tpu.memory_space<hbm>>
    tpu.wait_indirect_dma semaphore(%arg10 : memref<!tpu.dma_semaphore, #tpu.memory_space<semaphore_mem>>) src(%arg6 : memref<16x3200xf32, #tpu.memory_space<vmem>>) dst(%dma_wait3A_89 : memref<4352x3200xf32, #tpu.memory_space<hbm>>)
    %add3A_90 = arith.constant 64 : i32
    %add3A_91 = arith.addi %mul3A_2, %add3A_90 : i32
    %dma_start3A_92 = arith.constant 0 : i32
    %dma_start3A_93 = tpu.memref_slice %arg2[%add3A_91, %dma_start3A_92] : memref<4096x3200xf32, #tpu.memory_space<hbm>> -> memref<16x3200xf32, #tpu.memory_space<hbm>>
    %dma_start3A_94 = arith.constant 0 : i32
    %dma_start3A_95 = tpu.memref_slice %arg2[%add3A_91, %dma_start3A_94] : memref<4096x3200xf32, #tpu.memory_space<hbm>> -> memref<16x3200xf32, #tpu.memory_space<hbm>>
    tpu.enqueue_dma source(%dma_start3A_95 : memref<16x3200xf32, #tpu.memory_space<hbm>>) target(%arg6 : memref<16x3200xf32, #tpu.memory_space<vmem>>) target_semaphore(%arg8 : memref<!tpu.dma_semaphore, #tpu.memory_space<semaphore_mem>>)
    %dma_wait3A_96 = arith.constant 0 : i32
    %dma_wait3A_97 = tpu.memref_slice %arg2[%add3A_91, %dma_wait3A_96] : memref<4096x3200xf32, #tpu.memory_space<hbm>> -> memref<16x3200xf32, #tpu.memory_space<hbm>>
    %dma_wait3A_98 = arith.constant 0 : i32
    %dma_wait3A_99 = tpu.memref_slice %arg2[%add3A_91, %dma_wait3A_98] : memref<4096x3200xf32, #tpu.memory_space<hbm>> -> memref<16x3200xf32, #tpu.memory_space<hbm>>
    tpu.wait_dma2 semaphore(%arg8 : memref<!tpu.dma_semaphore, #tpu.memory_space<semaphore_mem>>) src(%dma_wait3A_99 : memref<16x3200xf32, #tpu.memory_space<hbm>>) dst(%arg6 : memref<16x3200xf32, #tpu.memory_space<vmem>>)
    %dma_start3A_100 = arith.constant 4 : i32
    %dma_start3A_101 = arith.constant 0 : i32
    %dma_start3A_102 = tpu.memref_slice %arg5[%dma_start3A_100, %dma_start3A_101] : memref<8x16xi32, #tpu.memory_space<vmem>> -> memref<1x16xi32, #tpu.memory_space<vmem>>
    %dma_start3A_103 = tpu.memref_squeeze %dma_start3A_102 : memref<1x16xi32, #tpu.memory_space<vmem>> -> memref<16xi32, #tpu.memory_space<vmem>>
    %dma_start3A_104 = arith.constant 0 : i32
    %dma_start3A_105 = arith.constant 0 : i32
    %dma_start3A_106 = tpu.memref_slice %arg4[%dma_start3A_104, %dma_start3A_105] : memref<4352x3200xf32, #tpu.memory_space<hbm>> -> memref<4352x3200xf32, #tpu.memory_space<hbm>>
    tpu.enqueue_indirect_dma source(%arg6 : memref<16x3200xf32, #tpu.memory_space<vmem>>) target(%dma_start3A_106 : memref<4352x3200xf32, #tpu.memory_space<hbm>>) offsets(%dma_start3A_103 : memref<16xi32, #tpu.memory_space<vmem>>) semaphore(%arg10 : memref<!tpu.dma_semaphore, #tpu.memory_space<semaphore_mem>>)
    %dma_wait3A_107 = arith.constant 3 : i32
    %dma_wait3A_108 = arith.constant 0 : i32
    %dma_wait3A_109 = tpu.memref_slice %arg5[%dma_wait3A_107, %dma_wait3A_108] : memref<8x16xi32, #tpu.memory_space<vmem>> -> memref<1x16xi32, #tpu.memory_space<vmem>>
    %dma_wait3A_110 = tpu.memref_squeeze %dma_wait3A_109 : memref<1x16xi32, #tpu.memory_space<vmem>> -> memref<16xi32, #tpu.memory_space<vmem>>
    %dma_wait3A_111 = arith.constant 0 : i32
    %dma_wait3A_112 = arith.constant 0 : i32
    %dma_wait3A_113 = tpu.memref_slice %arg4[%dma_wait3A_111, %dma_wait3A_112] : memref<4352x3200xf32, #tpu.memory_space<hbm>> -> memref<4352x3200xf32, #tpu.memory_space<hbm>>
    tpu.wait_indirect_dma semaphore(%arg11 : memref<!tpu.dma_semaphore, #tpu.memory_space<semaphore_mem>>) src(%arg7 : memref<16x3200xf32, #tpu.memory_space<vmem>>) dst(%dma_wait3A_113 : memref<4352x3200xf32, #tpu.memory_space<hbm>>)
    %add3A_114 = arith.constant 80 : i32
    %add3A_115 = arith.addi %mul3A_2, %add3A_114 : i32
    %dma_start3A_116 = arith.constant 0 : i32
    %dma_start3A_117 = tpu.memref_slice %arg2[%add3A_115, %dma_start3A_116] : memref<4096x3200xf32, #tpu.memory_space<hbm>> -> memref<16x3200xf32, #tpu.memory_space<hbm>>
    %dma_start3A_118 = arith.constant 0 : i32
    %dma_start3A_119 = tpu.memref_slice %arg2[%add3A_115, %dma_start3A_118] : memref<4096x3200xf32, #tpu.memory_space<hbm>> -> memref<16x3200xf32, #tpu.memory_space<hbm>>
    tpu.enqueue_dma source(%dma_start3A_119 : memref<16x3200xf32, #tpu.memory_space<hbm>>) target(%arg7 : memref<16x3200xf32, #tpu.memory_space<vmem>>) target_semaphore(%arg9 : memref<!tpu.dma_semaphore, #tpu.memory_space<semaphore_mem>>)
    %dma_wait3A_120 = arith.constant 0 : i32
    %dma_wait3A_121 = tpu.memref_slice %arg2[%add3A_115, %dma_wait3A_120] : memref<4096x3200xf32, #tpu.memory_space<hbm>> -> memref<16x3200xf32, #tpu.memory_space<hbm>>
    %dma_wait3A_122 = arith.constant 0 : i32
    %dma_wait3A_123 = tpu.memref_slice %arg2[%add3A_115, %dma_wait3A_122] : memref<4096x3200xf32, #tpu.memory_space<hbm>> -> memref<16x3200xf32, #tpu.memory_space<hbm>>
    tpu.wait_dma2 semaphore(%arg9 : memref<!tpu.dma_semaphore, #tpu.memory_space<semaphore_mem>>) src(%dma_wait3A_123 : memref<16x3200xf32, #tpu.memory_space<hbm>>) dst(%arg7 : memref<16x3200xf32, #tpu.memory_space<vmem>>)
    %dma_start3A_124 = arith.constant 5 : i32
    %dma_start3A_125 = arith.constant 0 : i32
    %dma_start3A_126 = tpu.memref_slice %arg5[%dma_start3A_124, %dma_start3A_125] : memref<8x16xi32, #tpu.memory_space<vmem>> -> memref<1x16xi32, #tpu.memory_space<vmem>>
    %dma_start3A_127 = tpu.memref_squeeze %dma_start3A_126 : memref<1x16xi32, #tpu.memory_space<vmem>> -> memref<16xi32, #tpu.memory_space<vmem>>
    %dma_start3A_128 = arith.constant 0 : i32
    %dma_start3A_129 = arith.constant 0 : i32
    %dma_start3A_130 = tpu.memref_slice %arg4[%dma_start3A_128, %dma_start3A_129] : memref<4352x3200xf32, #tpu.memory_space<hbm>> -> memref<4352x3200xf32, #tpu.memory_space<hbm>>
    tpu.enqueue_indirect_dma source(%arg7 : memref<16x3200xf32, #tpu.memory_space<vmem>>) target(%dma_start3A_130 : memref<4352x3200xf32, #tpu.memory_space<hbm>>) offsets(%dma_start3A_127 : memref<16xi32, #tpu.memory_space<vmem>>) semaphore(%arg11 : memref<!tpu.dma_semaphore, #tpu.memory_space<semaphore_mem>>)
    %dma_wait3A_131 = arith.constant 4 : i32
    %dma_wait3A_132 = arith.constant 0 : i32
    %dma_wait3A_133 = tpu.memref_slice %arg5[%dma_wait3A_131, %dma_wait3A_132] : memref<8x16xi32, #tpu.memory_space<vmem>> -> memref<1x16xi32, #tpu.memory_space<vmem>>
    %dma_wait3A_134 = tpu.memref_squeeze %dma_wait3A_133 : memref<1x16xi32, #tpu.memory_space<vmem>> -> memref<16xi32, #tpu.memory_space<vmem>>
    %dma_wait3A_135 = arith.constant 0 : i32
    %dma_wait3A_136 = arith.constant 0 : i32
    %dma_wait3A_137 = tpu.memref_slice %arg4[%dma_wait3A_135, %dma_wait3A_136] : memref<4352x3200xf32, #tpu.memory_space<hbm>> -> memref<4352x3200xf32, #tpu.memory_space<hbm>>
    tpu.wait_indirect_dma semaphore(%arg10 : memref<!tpu.dma_semaphore, #tpu.memory_space<semaphore_mem>>) src(%arg6 : memref<16x3200xf32, #tpu.memory_space<vmem>>) dst(%dma_wait3A_137 : memref<4352x3200xf32, #tpu.memory_space<hbm>>)
    %add3A_138 = arith.constant 96 : i32
    %add3A_139 = arith.addi %mul3A_2, %add3A_138 : i32
    %dma_start3A_140 = arith.constant 0 : i32
    %dma_start3A_141 = tpu.memref_slice %arg2[%add3A_139, %dma_start3A_140] : memref<4096x3200xf32, #tpu.memory_space<hbm>> -> memref<16x3200xf32, #tpu.memory_space<hbm>>
    %dma_start3A_142 = arith.constant 0 : i32
    %dma_start3A_143 = tpu.memref_slice %arg2[%add3A_139, %dma_start3A_142] : memref<4096x3200xf32, #tpu.memory_space<hbm>> -> memref<16x3200xf32, #tpu.memory_space<hbm>>
    tpu.enqueue_dma source(%dma_start3A_143 : memref<16x3200xf32, #tpu.memory_space<hbm>>) target(%arg6 : memref<16x3200xf32, #tpu.memory_space<vmem>>) target_semaphore(%arg8 : memref<!tpu.dma_semaphore, #tpu.memory_space<semaphore_mem>>)
    %dma_wait3A_144 = arith.constant 0 : i32
    %dma_wait3A_145 = tpu.memref_slice %arg2[%add3A_139, %dma_wait3A_144] : memref<4096x3200xf32, #tpu.memory_space<hbm>> -> memref<16x3200xf32, #tpu.memory_space<hbm>>
    %dma_wait3A_146 = arith.constant 0 : i32
    %dma_wait3A_147 = tpu.memref_slice %arg2[%add3A_139, %dma_wait3A_146] : memref<4096x3200xf32, #tpu.memory_space<hbm>> -> memref<16x3200xf32, #tpu.memory_space<hbm>>
    tpu.wait_dma2 semaphore(%arg8 : memref<!tpu.dma_semaphore, #tpu.memory_space<semaphore_mem>>) src(%dma_wait3A_147 : memref<16x3200xf32, #tpu.memory_space<hbm>>) dst(%arg6 : memref<16x3200xf32, #tpu.memory_space<vmem>>)
    %dma_start3A_148 = arith.constant 6 : i32
    %dma_start3A_149 = arith.constant 0 : i32
    %dma_start3A_150 = tpu.memref_slice %arg5[%dma_start3A_148, %dma_start3A_149] : memref<8x16xi32, #tpu.memory_space<vmem>> -> memref<1x16xi32, #tpu.memory_space<vmem>>
    %dma_start3A_151 = tpu.memref_squeeze %dma_start3A_150 : memref<1x16xi32, #tpu.memory_space<vmem>> -> memref<16xi32, #tpu.memory_space<vmem>>
    %dma_start3A_152 = arith.constant 0 : i32
    %dma_start3A_153 = arith.constant 0 : i32
    %dma_start3A_154 = tpu.memref_slice %arg4[%dma_start3A_152, %dma_start3A_153] : memref<4352x3200xf32, #tpu.memory_space<hbm>> -> memref<4352x3200xf32, #tpu.memory_space<hbm>>
    tpu.enqueue_indirect_dma source(%arg6 : memref<16x3200xf32, #tpu.memory_space<vmem>>) target(%dma_start3A_154 : memref<4352x3200xf32, #tpu.memory_space<hbm>>) offsets(%dma_start3A_151 : memref<16xi32, #tpu.memory_space<vmem>>) semaphore(%arg10 : memref<!tpu.dma_semaphore, #tpu.memory_space<semaphore_mem>>)
    %dma_wait3A_155 = arith.constant 5 : i32
    %dma_wait3A_156 = arith.constant 0 : i32
    %dma_wait3A_157 = tpu.memref_slice %arg5[%dma_wait3A_155, %dma_wait3A_156] : memref<8x16xi32, #tpu.memory_space<vmem>> -> memref<1x16xi32, #tpu.memory_space<vmem>>
    %dma_wait3A_158 = tpu.memref_squeeze %dma_wait3A_157 : memref<1x16xi32, #tpu.memory_space<vmem>> -> memref<16xi32, #tpu.memory_space<vmem>>
    %dma_wait3A_159 = arith.constant 0 : i32
    %dma_wait3A_160 = arith.constant 0 : i32
    %dma_wait3A_161 = tpu.memref_slice %arg4[%dma_wait3A_159, %dma_wait3A_160] : memref<4352x3200xf32, #tpu.memory_space<hbm>> -> memref<4352x3200xf32, #tpu.memory_space<hbm>>
    tpu.wait_indirect_dma semaphore(%arg11 : memref<!tpu.dma_semaphore, #tpu.memory_space<semaphore_mem>>) src(%arg7 : memref<16x3200xf32, #tpu.memory_space<vmem>>) dst(%dma_wait3A_161 : memref<4352x3200xf32, #tpu.memory_space<hbm>>)
    %add3A_162 = arith.constant 112 : i32
    %add3A_163 = arith.addi %mul3A_2, %add3A_162 : i32
    %dma_start3A_164 = arith.constant 0 : i32
    %dma_start3A_165 = tpu.memref_slice %arg2[%add3A_163, %dma_start3A_164] : memref<4096x3200xf32, #tpu.memory_space<hbm>> -> memref<16x3200xf32, #tpu.memory_space<hbm>>
    %dma_start3A_166 = arith.constant 0 : i32
    %dma_start3A_167 = tpu.memref_slice %arg2[%add3A_163, %dma_start3A_166] : memref<4096x3200xf32, #tpu.memory_space<hbm>> -> memref<16x3200xf32, #tpu.memory_space<hbm>>
    tpu.enqueue_dma source(%dma_start3A_167 : memref<16x3200xf32, #tpu.memory_space<hbm>>) target(%arg7 : memref<16x3200xf32, #tpu.memory_space<vmem>>) target_semaphore(%arg9 : memref<!tpu.dma_semaphore, #tpu.memory_space<semaphore_mem>>)
    %dma_wait3A_168 = arith.constant 0 : i32
    %dma_wait3A_169 = tpu.memref_slice %arg2[%add3A_163, %dma_wait3A_168] : memref<4096x3200xf32, #tpu.memory_space<hbm>> -> memref<16x3200xf32, #tpu.memory_space<hbm>>
    %dma_wait3A_170 = arith.constant 0 : i32
    %dma_wait3A_171 = tpu.memref_slice %arg2[%add3A_163, %dma_wait3A_170] : memref<4096x3200xf32, #tpu.memory_space<hbm>> -> memref<16x3200xf32, #tpu.memory_space<hbm>>
    tpu.wait_dma2 semaphore(%arg9 : memref<!tpu.dma_semaphore, #tpu.memory_space<semaphore_mem>>) src(%dma_wait3A_171 : memref<16x3200xf32, #tpu.memory_space<hbm>>) dst(%arg7 : memref<16x3200xf32, #tpu.memory_space<vmem>>)
    %dma_start3A_172 = arith.constant 7 : i32
    %dma_start3A_173 = arith.constant 0 : i32
    %dma_start3A_174 = tpu.memref_slice %arg5[%dma_start3A_172, %dma_start3A_173] : memref<8x16xi32, #tpu.memory_space<vmem>> -> memref<1x16xi32, #tpu.memory_space<vmem>>
    %dma_start3A_175 = tpu.memref_squeeze %dma_start3A_174 : memref<1x16xi32, #tpu.memory_space<vmem>> -> memref<16xi32, #tpu.memory_space<vmem>>
    %dma_start3A_176 = arith.constant 0 : i32
    %dma_start3A_177 = arith.constant 0 : i32
    %dma_start3A_178 = tpu.memref_slice %arg4[%dma_start3A_176, %dma_start3A_177] : memref<4352x3200xf32, #tpu.memory_space<hbm>> -> memref<4352x3200xf32, #tpu.memory_space<hbm>>
    tpu.enqueue_indirect_dma source(%arg7 : memref<16x3200xf32, #tpu.memory_space<vmem>>) target(%dma_start3A_178 : memref<4352x3200xf32, #tpu.memory_space<hbm>>) offsets(%dma_start3A_175 : memref<16xi32, #tpu.memory_space<vmem>>) semaphore(%arg11 : memref<!tpu.dma_semaphore, #tpu.memory_space<semaphore_mem>>)
    %dma_wait3A_179 = arith.constant 6 : i32
    %dma_wait3A_180 = arith.constant 0 : i32
    %dma_wait3A_181 = tpu.memref_slice %arg5[%dma_wait3A_179, %dma_wait3A_180] : memref<8x16xi32, #tpu.memory_space<vmem>> -> memref<1x16xi32, #tpu.memory_space<vmem>>
    %dma_wait3A_182 = tpu.memref_squeeze %dma_wait3A_181 : memref<1x16xi32, #tpu.memory_space<vmem>> -> memref<16xi32, #tpu.memory_space<vmem>>
    %dma_wait3A_183 = arith.constant 0 : i32
    %dma_wait3A_184 = arith.constant 0 : i32
    %dma_wait3A_185 = tpu.memref_slice %arg4[%dma_wait3A_183, %dma_wait3A_184] : memref<4352x3200xf32, #tpu.memory_space<hbm>> -> memref<4352x3200xf32, #tpu.memory_space<hbm>>
    tpu.wait_indirect_dma semaphore(%arg10 : memref<!tpu.dma_semaphore, #tpu.memory_space<semaphore_mem>>) src(%arg6 : memref<16x3200xf32, #tpu.memory_space<vmem>>) dst(%dma_wait3A_185 : memref<4352x3200xf32, #tpu.memory_space<hbm>>)
    %dma_wait3A_186 = arith.constant 7 : i32
    %dma_wait3A_187 = arith.constant 0 : i32
    %dma_wait3A_188 = tpu.memref_slice %arg5[%dma_wait3A_186, %dma_wait3A_187] : memref<8x16xi32, #tpu.memory_space<vmem>> -> memref<1x16xi32, #tpu.memory_space<vmem>>
    %dma_wait3A_189 = tpu.memref_squeeze %dma_wait3A_188 : memref<1x16xi32, #tpu.memory_space<vmem>> -> memref<16xi32, #tpu.memory_space<vmem>>
    %dma_wait3A_190 = arith.constant 0 : i32
    %dma_wait3A_191 = arith.constant 0 : i32
    %dma_wait3A_192 = tpu.memref_slice %arg4[%dma_wait3A_190, %dma_wait3A_191] : memref<4352x3200xf32, #tpu.memory_space<hbm>> -> memref<4352x3200xf32, #tpu.memory_space<hbm>>
    tpu.wait_indirect_dma semaphore(%arg11 : memref<!tpu.dma_semaphore, #tpu.memory_space<semaphore_mem>>) src(%arg7 : memref<16x3200xf32, #tpu.memory_space<vmem>>) dst(%dma_wait3A_192 : memref<4352x3200xf32, #tpu.memory_space<hbm>>)
    return
  }
}

module attributes {stable_mosaic.version = 14 : i64} {
  func.func @_tc_encode_kernel(%arg0: i32, %arg1: memref<136xi32, #tpu.memory_space<smem>>, %arg2: memref<3200x32xf32, #tpu.memory_space<vmem>>, %arg3: memref<8x32x64xf32, #tpu.memory_space<vmem>>, %arg4: memref<8x64xf32, #tpu.memory_space<vmem>>, %arg5: memref<8x64x64xf32, #tpu.memory_space<vmem>>, %arg6: memref<8x64xf32, #tpu.memory_space<vmem>>, %arg7: memref<3200x64xf32, #tpu.memory_space<vmem>>) attributes {dimension_semantics = [#tpu.dimension_semantics<arbitrary>], iteration_bounds = array<i64: 136>, scalar_prefetch = 1 : i64, scratch_operands = 0 : i64, tpu.core_type = #tpu.core_type<tc>, window_params = [{transform_indices = @transform_0, window_bounds = array<i64: 3200, 32>}, {pipeline_mode = #tpu.pipeline_mode<synchronous>, transform_indices = @transform_1, window_bounds = array<i64: 8, 32, 64>}, {pipeline_mode = #tpu.pipeline_mode<synchronous>, transform_indices = @transform_2, window_bounds = array<i64: 8, 64>}, {pipeline_mode = #tpu.pipeline_mode<synchronous>, transform_indices = @transform_3, window_bounds = array<i64: 8, 64, 64>}, {pipeline_mode = #tpu.pipeline_mode<synchronous>, transform_indices = @transform_4, window_bounds = array<i64: 8, 64>}, {transform_indices = @transform_5, window_bounds = array<i64: 3200, 64>}]} {
    %get3A = arith.index_cast %arg0 : i32 to index
    %get3A_0 = memref.load %arg1[%get3A] : memref<136xi32, #tpu.memory_space<smem>>
    %get3A_1 = arith.constant 0 : index
    %get3A_2 = arith.constant 0 : index
    %get3A_3 = vector.load %arg2[%get3A_1, %get3A_2] : memref<3200x32xf32, #tpu.memory_space<vmem>>, vector<3200x32xf32>
    %get3A_4 = arith.index_cast %get3A_0 : i32 to index
    %get3A_5 = arith.constant 0 : index
    %get3A_6 = arith.constant 0 : index
    %get3A_7 = vector.load %arg3[%get3A_4, %get3A_5, %get3A_6] : memref<8x32x64xf32, #tpu.memory_space<vmem>>, vector<1x32x64xf32>
    %get3A_8 = vector.shape_cast %get3A_7 : vector<1x32x64xf32> to vector<32x64xf32>
    %dot_general3A = arith.constant dense<0.000000e+00> : vector<3200x64xf32>
    %dot_general3A_9 = tpu.matmul %get3A_3, %get3A_8, %dot_general3A {dimension_numbers = #tpu.dot_dimension_numbers<[1], [0], [0], [1], [0, 0, 1, 1], [], []>, transpose_lhs_hint = false} : vector<3200x32xf32>, vector<32x64xf32>, vector<3200x64xf32> -> vector<3200x64xf32>
    %get3A_10 = arith.index_cast %get3A_0 : i32 to index
    %get3A_11 = arith.constant 0 : index
    %get3A_12 = vector.load %arg4[%get3A_10, %get3A_11] : memref<8x64xf32, #tpu.memory_space<vmem>>, vector<1x64xf32>
    %add3A = vector.broadcast %get3A_12 : vector<1x64xf32> to vector<3200x64xf32>
    %add3A_13 = arith.addf %dot_general3A_9, %add3A : vector<3200x64xf32>
    %abs3A = math.absf %add3A_13 : vector<3200x64xf32>
    %add3A_14 = arith.constant 1.000000e+00 : f32
    %add3A_15 = vector.broadcast %add3A_14 : f32 to vector<3200x64xf32>
    %add3A_16 = arith.addf %add3A_15, %abs3A : vector<3200x64xf32>
    %div3A = arith.divf %add3A_13, %add3A_16 : vector<3200x64xf32>
    %get3A_17 = arith.index_cast %get3A_0 : i32 to index
    %get3A_18 = arith.constant 0 : index
    %get3A_19 = arith.constant 0 : index
    %get3A_20 = vector.load %arg5[%get3A_17, %get3A_18, %get3A_19] : memref<8x64x64xf32, #tpu.memory_space<vmem>>, vector<1x64x64xf32>
    %get3A_21 = vector.shape_cast %get3A_20 : vector<1x64x64xf32> to vector<64x64xf32>
    %dot_general3A_22 = arith.constant dense<0.000000e+00> : vector<3200x64xf32>
    %dot_general3A_23 = tpu.matmul %div3A, %get3A_21, %dot_general3A_22 {dimension_numbers = #tpu.dot_dimension_numbers<[1], [0], [0], [1], [0, 0, 1, 1], [], []>, transpose_lhs_hint = false} : vector<3200x64xf32>, vector<64x64xf32>, vector<3200x64xf32> -> vector<3200x64xf32>
    %get3A_24 = arith.index_cast %get3A_0 : i32 to index
    %get3A_25 = arith.constant 0 : index
    %get3A_26 = vector.load %arg6[%get3A_24, %get3A_25] : memref<8x64xf32, #tpu.memory_space<vmem>>, vector<1x64xf32>
    %add3A_27 = vector.broadcast %get3A_26 : vector<1x64xf32> to vector<3200x64xf32>
    %add3A_28 = arith.addf %dot_general3A_23, %add3A_27 : vector<3200x64xf32>
    %swap3A = arith.constant 0 : index
    %swap3A_29 = arith.constant 0 : index
    %swap3A_30 = vector.load %arg7[%swap3A, %swap3A_29] : memref<3200x64xf32, #tpu.memory_space<vmem>>, vector<3200x64xf32>
    tpu.vector_store %arg7[%swap3A, %swap3A_29], %add3A_28 {strides = array<i32>} : memref<3200x64xf32, #tpu.memory_space<vmem>>, vector<3200x64xf32>,
    return
  }
  func.func @transform_0(%arg0: i32, %arg1: memref<136xi32, #tpu.memory_space<smem>>) -> (i32, i32) {
    %c0_i32 = arith.constant 0 : i32
    %c0_i32_0 = arith.constant 0 : i32
    return %arg0, %c0_i32 : i32, i32
  }
  func.func @transform_1(%arg0: i32, %arg1: memref<136xi32, #tpu.memory_space<smem>>) -> (i32, i32, i32) {
    %c0_i32 = arith.constant 0 : i32
    %c0_i32_0 = arith.constant 0 : i32
    %c0_i32_1 = arith.constant 0 : i32
    %c0_i32_2 = arith.constant 0 : i32
    return %c0_i32, %c0_i32_0, %c0_i32_1 : i32, i32, i32
  }
  func.func @transform_2(%arg0: i32, %arg1: memref<136xi32, #tpu.memory_space<smem>>) -> (i32, i32) {
    %c0_i32 = arith.constant 0 : i32
    %c0_i32_0 = arith.constant 0 : i32
    %c0_i32_1 = arith.constant 0 : i32
    return %c0_i32, %c0_i32_0 : i32, i32
  }
  func.func @transform_3(%arg0: i32, %arg1: memref<136xi32, #tpu.memory_space<smem>>) -> (i32, i32, i32) {
    %c0_i32 = arith.constant 0 : i32
    %c0_i32_0 = arith.constant 0 : i32
    %c0_i32_1 = arith.constant 0 : i32
    %c0_i32_2 = arith.constant 0 : i32
    return %c0_i32, %c0_i32_0, %c0_i32_1 : i32, i32, i32
  }
  func.func @transform_4(%arg0: i32, %arg1: memref<136xi32, #tpu.memory_space<smem>>) -> (i32, i32) {
    %c0_i32 = arith.constant 0 : i32
    %c0_i32_0 = arith.constant 0 : i32
    %c0_i32_1 = arith.constant 0 : i32
    return %c0_i32, %c0_i32_0 : i32, i32
  }
  func.func @transform_5(%arg0: i32, %arg1: memref<136xi32, #tpu.memory_space<smem>>) -> (i32, i32) {
    %c0_i32 = arith.constant 0 : i32
    %c0_i32_0 = arith.constant 0 : i32
    return %arg0, %c0_i32 : i32, i32
  }
}

</mosaic_0001>

<sc_bundles>
// kernel: kernel.5.cloned.1.call-start
scs
__scs_entry_jumppad:
0x0: {  	(pc) =	sbr.rel $0x88, $3  }
0x1: {  	(tag) =	ssettag $0x0;
	lr =	simm.s32 $0x1  }
0x2: {  	[smem:$0x3F9B] =	sst lr;
	_ =	strace $0xD0000000  }
0x3: {  	_ = 	snop  }
0x4: {  	_ = 	snop  }
0x5: {  	_ = 	snop  }
0x6: {  	_ = 	snop  }
0x7: {  	_ = 	snop  }
__scs_overlays_trampoline_lowered:
0x8: {  	[smem:$0x3FAA] =	sst s0  }
0x9: {  	[smem:$0x3FAB] =	sst s1  }
0xa: {  	[smem:$0x3FAC] =	sst s2  }
0xb: {  	[smem:$0x3FAD] =	sst s3  }
0xc: {  	[smem:$0x3FAE] =	sst s4  }
0xd: {  	[smem:$0x3FAF] =	sst s5  }
0xe: {  	[smem:$0x3FB0] =	sst s6  }
0xf: {  	[smem:$0x3FB1] =	sst s7  }
0x10: {  	[smem:$0x3FB2] =	sst s8  }
0x11: {  	[smem:$0x3FB3] =	sst s9;
	s0 =	simm.s32 @!p0 $0x0  }
0x12: {  	s1 =	sld [smem:$0x3F99];
	s0 =	simm.s32 @p0 $0x1  }
0x13: {  	[smem:$0x3FB4] =	sst s0;
	s0 =	simm.s32 @!p1 $0x0  }
0x14: {  	s2 =	sld [smem:$0x3F98];
	s0 =	simm.s32 @p1 $0x1  }
0x15: {  	[smem:$0x3FB5] =	sst s0;
	s0 =	simm.s32 @!p2 $0x0  }
0x16: {  	s3 =	sld [smem:$0x3FDB];
	s0 =	simm.s32 @p2 $0x1  }
0x17: {  	s4 =	simm.s32 $0x1BF5;
	[smem:$0x3FB7] =	sst s0  }
0x18: {  	s0 =	sld [smem:$0x3F9A];
	_ =	swait.ge [sflag:s4], $0x0  }
0x19: {  	s7 =	sld [smem:$0x3F9B]  }
0x1a: {  	s8 =	sadd.s32 $0xFFFFE003, lr  }
0x1b: {  	s9 =	sadd.s32 $0xFFFFFEF7, lr;
	s5 =	simm.s32 $0xFFFFFFFF;
	p2 =	slt.u32 s8, $0xFFFFF086  }
0x1c: {  	p1 =	slt.u32 s9, $0xF7A;
	s5 =	simm.s32 @!p2 $0x0  }
0x1d: {  	s5 =	simm.s32 @p1 $0x1;
	p0 =	seq.s32 s7, s2  }
0x1e: {  	s7 =	smul.u32 @!p0 $0xF7A, s2;
	p2 =	seq.s32 @!p0 s5, $0x0  }
0x1f: {  	s9 =	smul.u32 $0xF7A, s1;
	s8 =	simm.s32 @!p0 $0x1BF5;
	p2 =	por !p2, p0  }
0x20: {  	[sflag:s8] =	ssyncset.s32 @!p0 $0xFFFFF086;
	s6 =	sadd.s32 @!p0 s3, s7;
	s7 =	simm.s32 @!p0 $0x108  }
0x21: {  	s3 =	sadd.s32 s3, s9;
	s6 =	sadd.s32 @!p0 $0x88, s6;
	s7 =	simm.s32 @p2 $0x1082  }
0x22: {  	[simem:s7], [sflag:s8] =	dma.local @!p0 [hbm:s6], $0xF7A  }
0x23: {  	s9 =	sor.u32 $0xD0000000, s2;
	s6 =	simm.s32 $0x108;
	_ =	swait.ge @!p0 [sflag:s8], $0x0  }
0x24: {  	s3 =	sadd.s32 $0x88, s3;
	s6 =	simm.s32 @!p1 $0x1082;
	[sflag:s4] =	ssyncset.s32 $0xFFFFF086  }
0x25: {  	[simem:s6], [sflag:s4] =	dma.local [hbm:s3], $0xF7A  }
0x26: {  	[smem:$0x3F9B] =	sst s1;
	(tag) =	ssettag s2;
	_ =	strace s9  }
0x27: {  	s1 =	sld [smem:$0x3FAB]  }
0x28: {  	s2 =	sld [smem:$0x3FAC]  }
0x29: {  	s4 =	sld [smem:$0x3FAE]  }
0x2a: {  	p0 =	seq.s32 s5, $0x0;
	s5 =	sld [smem:$0x3FAF]  }
0x2b: {  	s6 =	sld [smem:$0x3FB0]  }
0x2c: {  	s7 =	sld [smem:$0x3FB1]  }
0x2d: {  	s3 =	simm.s32 $0x108;
	s8 =	sld [smem:$0x3FB2]  }
0x2e: {  	s3 =	simm.s32 @!p0 $0x1082;
	s9 =	sld [smem:$0x3FB3]  }
0x2f: {  	lr =	sadd.s32 s0, s3;
	s0 =	sld [smem:$0x3FAA]  }
0x30: {  	s3 =	sld [smem:$0x3FAD]  }
0x31: {  	[smem:$0x3FB6] =	sst s10  }
0x32: {  	s10 =	sld [smem:$0x3FB4];
	_ =	sdelay $0x3  }
0x33: {  	p0 =	seq.s32 s10, $0x1;
	s10 =	sld [smem:$0x3FB6];
	_ =	sdelay $0x3  }
0x34: {  	[smem:$0x3FB6] =	sst s10  }
0x35: {  	s10 =	sld [smem:$0x3FB5];
	_ =	sdelay $0x3  }
0x36: {  	p1 =	seq.s32 s10, $0x1;
	s10 =	sld [smem:$0x3FB6];
	_ =	sdelay $0x3  }
0x37: {  	[smem:$0x3FB6] =	sst s10  }
0x38: {  	s10 =	sld [smem:$0x3FB7]  }
0x39: {  	_ = 	snop;
	(pc) =	sbr.ind lr, $3  }
0x3a: {  	_ = 	snop  }
0x3b: {  	_ = 	snop  }
0x3c: {  	p2 =	seq.s32 s10, $0x1;
	s10 =	sld [smem:$0x3FB6]  }
0x3d: {  	_ =	shalt  }
0x3e: {  	_ =	shalt  }
0x3f: {  	_ =	shalt  }
0x40: {  	_ =	shalt  }
0x41: {  	_ =	shalt  }
0x42: {  	_ =	shalt  }
0x43: {  	_ =	shalt  }
0x44: {  	_ =	shalt  }
0x45: {  	_ =	shalt  }
0x46: {  	_ =	shalt  }
0x47: {  	_ =	shalt  }
0x48: {  	_ =	shalt  }
0x49: {  	_ =	shalt  }
0x4a: {  	_ =	shalt  }
0x4b: {  	_ =	shalt  }
0x4c: {  	_ =	shalt  }
0x4d: {  	_ =	shalt  }
0x4e: {  	_ =	shalt  }
0x4f: {  	_ =	shalt  }
0x50: {  	_ =	shalt  }
0x51: {  	_ =	shalt  }
0x52: {  	_ =	shalt  }
0x53: {  	_ =	shalt  }
0x54: {  	_ =	shalt  }
0x55: {  	_ =	shalt  }
0x56: {  	_ =	shalt  }
0x57: {  	_ =	shalt  }
0x58: {  	_ =	shalt  }
0x59: {  	_ =	shalt  }
0x5a: {  	_ =	shalt  }
0x5b: {  	_ =	shalt  }
0x5c: {  	_ =	shalt  }
0x5d: {  	_ =	shalt  }
0x5e: {  	_ =	shalt  }
0x5f: {  	_ =	shalt  }
0x60: {  	_ =	shalt  }
0x61: {  	_ =	shalt  }
0x62: {  	_ =	shalt  }
0x63: {  	_ =	shalt  }
0x64: {  	_ =	shalt  }
0x65: {  	_ =	shalt  }
0x66: {  	_ =	shalt  }
0x67: {  	_ =	shalt  }
0x68: {  	_ =	shalt  }
0x69: {  	_ =	shalt  }
0x6a: {  	_ =	shalt  }
0x6b: {  	_ =	shalt  }
0x6c: {  	_ =	shalt  }
0x6d: {  	_ =	shalt  }
0x6e: {  	_ =	shalt  }
0x6f: {  	_ =	shalt  }
0x70: {  	_ =	shalt  }
0x71: {  	_ =	shalt  }
0x72: {  	_ =	shalt  }
0x73: {  	_ =	shalt  }
0x74: {  	_ =	shalt  }
0x75: {  	_ =	shalt  }
0x76: {  	_ =	shalt  }
0x77: {  	_ =	shalt  }
0x78: {  	_ =	shalt  }
0x79: {  	_ =	shalt  }
0x7a: {  	_ =	shalt  }
0x7b: {  	_ =	shalt  }
0x7c: {  	_ =	shalt  }
0x7d: {  	_ =	shalt  }
0x7e: {  	_ =	shalt  }
0x7f: {  	_ =	shalt  }
0x80: {  	_ =	shalt  }
0x81: {  	_ =	shalt  }
0x82: {  	_ =	shalt  }
0x83: {  	_ =	shalt  }
0x84: {  	_ =	shalt  }
0x85: {  	_ =	shalt  }
0x86: {  	_ =	shalt  }
0x87: {  	_ =	shalt  }
.Lfunc_end0:
.L_simem_size_0:
called_computation_lowered:
.L_overlay_start_0:
0x88: {  	s2 =	sld [smem:$0x3FD9]  }
0x89: {  	s3 =	sld [smem:$0x3FFE];
	_ =	sdelay $0x1  }
0x8a: {  	s1 =	srdreg.scid  }
0x8b: {  	s0 =	sand.u32 $0x1, s1  }
0x8c: {  	s17 =	sshll.u32 s0, $0xA;
	s2 =	sadd.s32 s3, s2  }
0x8d: {  	s2 =	sadd.s32 s2, s17  }
0x8e: {  	[smem:$0x3FC2] =	sst s2  }
0x8f: {  	_ = 	snop  }
0x90: {  	s2 =	sld [smem:$0x3FD0];
	(tm) =	ssettm $0x1  }
0x91: {  	s18 =	sld [smem:$0x3FFB];
	_ =	sdelay $0x3  }
0x92: {  	_ =	strace s18  }
0x93: {  	s3 =	sld [smem:$0x3FFC];
	_ =	sdelay $0x3  }
0x94: {  	_ =	strace s3  }
0x95: {  	s3 =	sld [smem:$0x3FFD];
	_ =	sdelay $0x3  }
0x96: {  	_ =	strace s3  }
0x97: {  	_ =	strace $0x8FFFFFFF  }
0x98: {  	s19 =	sld [smem:$0x3FDB];
	_ =	sdelay $0x1  }
0x99: {  	s4 =	simm.s32 $_scs_section_size  }
0x9a: {  	s5 =	simm.s32 $_size__tile_overlayer_lowered;
	s6 =	simm.s32 $_tile_overlayer_lowered  }
0x9b: {  	s22 =	simm.s32 $0x1BFF;
	s21 =	sshll.u32 s6, $0x1;
	s3 =	sadd.s32 s4, s19  }
0x9c: {  	s7 =	simm.s32 $0x0;
	s20 =	sshll.u32 s5, $0x1;
	s5 =	sadd.s32 s21, s3  }
0x9d: {  	[timem:s7], [sflag:s22] =	dma.local [hbm:s5], s20  }
0x9e: {  	_ =	swait.ge [sflag:s22], s20  }
0x9f: {  	s4 =	ssub.s32 $0x0, s20;
	[sflag:s22] =	ssyncset.done $0x0  }
0xa0: {  	[sflag:s22] =	ssyncadd.s32 s4;
	_ =	sdelay $0x1  }
0xa1: {  	s23 =	simm.s32 $0x1B8B  }
0xa2: {  	_ =	swait.ge [sflag:s23], $0x1  }
0xa3: {  	[sflag:s23] =	ssyncset.done $0x0  }
0xa4: {  	s25 =	simm.s32 $0x1B8E;
	s24 =	sld [smem:$0x3FFE];
	[sflag:s23] =	ssyncadd.s32 $0xFFFFFFFF  }
0xa5: {  	s26 =	simm.s32 $execute0_lowered;
	[smem:$0x3FD2] =	sst s25  }
0xa6: {  	s5 =	sshll.u32 s26, $0x1;
	_ =	strace $0x80000046;
	[dreg:$0x1] =	wrdreg $0xFFFFFFFF  }
0xa7: {  	s28 =	simm.s32 $_size_execute0_lowered;
	s3 =	sadd.s32 s3, s5;
	[dreg:$0x0] =	wrdreg $0x0  }
0xa8: {  	s5 =	sshll.u32 s28, $0x1;
	[dreg:$0x2] =	wrdreg s3  }
0xa9: {  	[dreg:$0x3] =	wrdreg s5  }
0xaa: {  	[dreg:$0x4] =	wrdreg $0xC0  }
0xab: {  	_ =	task [dreg:s7], $0x5FFFF  }
0xac: {  	[dreg:$0x1] =	wrdreg $0xFFFFFFFF  }
0xad: {  	[dreg:$0x0] =	wrdreg $0x60  }
0xae: {  	[dreg:$0x2] =	wrdreg s24  }
0xaf: {  	[dreg:$0x3] =	wrdreg s2  }
0xb0: {  	[dreg:$0x4] =	wrdreg $0x9  }
0xb1: {  	_ =	task.clear_ibuf [dreg:s7], $0x5FFFF;
	_ =	strace $0x90000046  }
0xb2: {  	s29 =	simm.s32 $0x9;
	_ =	strace $0x80000048  }
0xb3: {  	_ =	swait.ge [sflag:s29], $0x1  }
0xb4: {  	[sflag:s29] =	ssyncadd.s32 $0xFFFFFFFF  }
0xb5: {  	_ =	strace $0x90000048  }
0xb6: {  	_ =	sfence  }
0xb7: {  	s30 =	sld [smem:$0x0];
	_ =	sdelay $0x2  }
0xb8: {  	s31 =	sshll.u32 s1, $0xD;
	s1 =	sshrl.u32 s1, $0x2  }
0xb9: {  	s3 =	sand.u32 $0x4000, s31;
	s1 =	sadd.s32 s1, s30  }
0xba: {  	s0 =	sor.u32 s3, s0;
	s1 =	sshll.u32 s1, $0x11  }
0xbb: {  	s0 =	sor.u32 s1, s0  }
0xbc: {  	s0 =	sadd.s32 $0x8F2B, s0  }
0xbd: {  	[sflag:s0] =	ssyncadd.remote.s32 $0x1  }
0xbe: {  	_ =	sfence.sel $0xFFFF  }
0xbf: {  	[dreg:$0x0] =	wrdreg $0xFFFFFFFF;
	(pc) =	sbr.abs _section_cstart, $3  }
0xc0: {  	[dreg:$0x1] =	wrdreg $0xFFFFFFFF  }
0xc1: {  	_ =	task.clear_ibuf [dreg:s7], $0x2FFFF;
	_ =	strace $0x9FFFFFFF  }
0xc2: {  	(tm) =	ssettm $0x7FFFFFFF  }
0xc3: {  	_ =	shalt  }
tec
execute0_lowered:
.L_overlay_start_1:
0x0: {  	(tag) =	ssettag $0x1  }
0x1: {  	s0 =	rddreg [dreg:$0x0]  }
0x2: {  	s2 =	rddreg [dreg:$0x1];
	s3 =	simm.s32 $0x0;
	s1 =	srdreg.scid  }
0x3: {  	s4 =	stileid.u32;
	s18 =	simm.s32 $0x1;
	s20 =	simm.s32 $0x3  }
0x4: {  	s21 =	simm.s32 $0x4;
	s19 =	simm.s32 $0xCC00;
	[smem:$0x7FF] =	sst s3  }
0x5: {  	s1 =	sand.u32 $0x1, s1;
	s4 =	sshll.u32 s4, $0x1;
	s7 =	sadd.s32 $0x1000, s0  }
0x6: {  	s9 =	sadd.s32 $0x600, s2;
	_ =	strace $0x80000047;
	s4 =	sor.u32 s1, s4  }
0x7: {  	s1 =	ssub.s32 $0x2, s1;
	s5 =	sshll.u32 s4, $0x7;
	s6 =	smul.u32 $0xC800, s4  }
0x8: {  	s8 =	sshrl.u32 s1, $0x1;
	s29 =	smul.u32 $0x64000, s4;
	s4 =	sadd.s32 $0x100, s2  }
0x9: {  	s0 =	sadd.s32 s0, s5;
	s1 =	ssub.s32 s1, s8;
	s5 =	sadd.s32 $0x200, s2  }
0xa: {  	s8 =	sadd.s32 $0x500, s2;
	[dreg:$0x3] =	wrdreg s0;
	s31 =	sshrl.u32 s29, $0x3  }
0xb: {  	s30 =	sadd.s32 s7, s6;
	s6 =	sadd.s32 $0x300, s2;
	s0 =	sadd.s32 s7, s31  }
0xc: {  	s16 =	smax.u32 s1, $0x1;
	[dreg:$0x4] =	wrdreg s30;
	s10 =	sadd.s32 $0x1900, s0  }
0xd: {  	s1 =	simm.s32 $0x2;
	s11 =	sadd.s32 $0x3200, s0;
	[dreg:$0x5] =	wrdreg s10  }
0xe: {  	s7 =	sadd.s32 $0x400, s2;
	s12 =	sadd.s32 $0x4B00, s0;
	[dreg:$0x6] =	wrdreg s11  }
0xf: {  	s13 =	sadd.s32 $0x6400, s0;
	s14 =	sadd.s32 $0x7D00, s0;
	[dreg:$0x7] =	wrdreg s12  }
0x10: {  	s15 =	sadd.s32 $0x9600, s0;
	s0 =	sadd.s32 $0xAF00, s0;
	[dreg:$0x8] =	wrdreg s13  }
0x11: {  	v2 =	vlaneseq.u32;
	s10 =	sadd.s32 $0x700, s2;
	s11 =	sadd.s32 $0x800, s2;
	[dreg:$0x9] =	wrdreg s14  }
0x12: {  	vm0 =	vmmov $0xffff;
	vm1 =	vmmov $0xff;
	v1 =	vshrl.u32 v2, $0x3;
	s12 =	sadd.s32 $0x900, s2;
	s13 =	sadd.s32 $0xA00, s2;
	[dreg:$0xa] =	wrdreg s15  }
0x13: {  	v0 =	vand.u32 $0x7, v2;
	v2 =	vor.u32 $0x8, v2;
	v1 =	vmul.u32 $0x8, v1;
	s14 =	sadd.s32 $0xB00, s2;
	s15 =	sadd.s32 $0xC00, s2;
	[dreg:$0xb] =	wrdreg s0  }
.LBB2_1:
0x14: {  	s22 =	rddreg [dreg:$0x3];
	s23 =	simm.s32 $0x5  }
0x15: {  	[tilespmem:s3], [sflag:$0x5] =	stream.linear.gather [hbm4b:s22+s3], $0x400, $0x38;
	[tilespmem:$0x19400] =	vst v63  }
0x16: {  	_ =	swait.ge [sflag:s23], $0x400  }
0x17: {  	[sflag:s23] =	ssyncset.done $0x0  }
0x18: {  	s0 =	simm.s32 $0x400;
	s30 =	rddreg [dreg:$0x4];
	[sflag:s23] =	ssyncadd.s32 $0xFFFFFC00  }
0x19: {  	[tilespmem:s0], [sflag:$0x1] =	stream.linear.gather [hbm4b:s30+s3], $0xC800, $0x38;
	[tilespmem:$0x19400] =	vst v63  }
0x1a: {  	_ =	swait.ge [sflag:s18], $0xC800  }
0x1b: {  	[sflag:s18] =	ssyncset.done $0x0  }
0x1c: {  	[sflag:s18] =	ssyncadd.s32 $0xFFFF3800  }
0x1d: {  	v3 =	vld [tilespmem:$0x0];
	_ =	sdelay $0x4  }
0x1e: {  	v4 =	vshrl.u32 v3, $0x3  }
0x1f: {  	v4 =	vmul.u32 $0xC8, v4  }
0x20: {  	v3 =	vand.u32 $0x7, v3  }
0x21: {  	v3 =	vor.u32 v3, v4  }
0x22: {  	v4 =	vperm.xlane v3, v0;
	_ =	sdelay $0x1  }
0x23: {  	v4 =	vadd.s32 v1, v4;
	_ =	sdelay $0x4  }
0x24: {  	[hbm4b:s2+s3] =	stream.indirect_vreg.scatter [tilespmem:s0], [sflag:$0x3], $0x80, v4, vm0, $0xb8;
	[tilespmem:$0x19400] =	vst v63  }
0x25: {  	s17 =	simm.s32 $0xC00  }
0x26: {  	[hbm4b:s4+s3] =	stream.indirect_vreg.scatter [tilespmem:s17], [sflag:$0x3], $0x80, v4, vm0, $0xb8;
	[tilespmem:$0x19400] =	vst v63  }
0x27: {  	s31 =	simm.s32 $0x1400  }
0x28: {  	[hbm4b:s5+s3] =	stream.indirect_vreg.scatter [tilespmem:s31], [sflag:$0x3], $0x80, v4, vm0, $0xb8;
	[tilespmem:$0x19400] =	vst v63  }
0x29: {  	s22 =	simm.s32 $0x1C00  }
0x2a: {  	[hbm4b:s6+s3] =	stream.indirect_vreg.scatter [tilespmem:s22], [sflag:$0x3], $0x80, v4, vm0, $0xb8;
	[tilespmem:$0x19400] =	vst v63  }
0x2b: {  	s23 =	simm.s32 $0x2400  }
0x2c: {  	[hbm4b:s7+s3] =	stream.indirect_vreg.scatter [tilespmem:s23], [sflag:$0x3], $0x80, v4, vm0, $0xb8;
	[tilespmem:$0x19400] =	vst v63  }
0x2d: {  	s24 =	simm.s32 $0x2C00  }
0x2e: {  	[hbm4b:s8+s3] =	stream.indirect_vreg.scatter [tilespmem:s24], [sflag:$0x3], $0x80, v4, vm0, $0xb8;
	[tilespmem:$0x19400] =	vst v63  }
0x2f: {  	s25 =	simm.s32 $0x3400  }
0x30: {  	[hbm4b:s9+s3] =	stream.indirect_vreg.scatter [tilespmem:s25], [sflag:$0x3], $0x80, v4, vm0, $0xb8;
	[tilespmem:$0x19400] =	vst v63  }
0x31: {  	s26 =	simm.s32 $0x3C00  }
0x32: {  	[hbm4b:s10+s3] =	stream.indirect_vreg.scatter [tilespmem:s26], [sflag:$0x3], $0x80, v4, vm0, $0xb8;
	[tilespmem:$0x19400] =	vst v63  }
0x33: {  	s28 =	simm.s32 $0x4400  }
0x34: {  	[hbm4b:s11+s3] =	stream.indirect_vreg.scatter [tilespmem:s28], [sflag:$0x3], $0x80, v4, vm0, $0xb8;
	[tilespmem:$0x19400] =	vst v63  }
0x35: {  	s29 =	simm.s32 $0x4C00  }
0x36: {  	[hbm4b:s12+s3] =	stream.indirect_vreg.scatter [tilespmem:s29], [sflag:$0x3], $0x80, v4, vm0, $0xb8;
	[tilespmem:$0x19400] =	vst v63  }
0x37: {  	s30 =	simm.s32 $0x5400;
	v3 =	vperm.xlane v3, v2  }
0x38: {  	[hbm4b:s13+s3] =	stream.indirect_vreg.scatter [tilespmem:s30], [sflag:$0x3], $0x80, v4, vm0, $0xb8;
	[tilespmem:$0x19400] =	vst v63  }
0x39: {  	v3 =	vadd.s32 v1, v3;
	s31 =	simm.s32 $0x5C00  }
0x3a: {  	[hbm4b:s14+s3] =	stream.indirect_vreg.scatter [tilespmem:s31], [sflag:$0x3], $0x80, v4, vm0, $0xb8;
	[tilespmem:$0x19400] =	vst v63  }
0x3b: {  	s22 =	simm.s32 $0x6400  }
0x3c: {  	[hbm4b:s15+s3] =	stream.indirect_vreg.scatter [tilespmem:s22], [sflag:$0x3], $0x80, v4, vm1, $0xb8;
	[tilespmem:$0x19400] =	vst v63  }
0x3d: {  	s24 =	simm.s32 $0x6800  }
0x3e: {  	[hbm4b:s2+s3] =	stream.indirect_vreg.scatter [tilespmem:s24], [sflag:$0x3], $0x80, v3, vm0, $0xb8;
	[tilespmem:$0x19400] =	vst v63  }
0x3f: {  	s25 =	simm.s32 $0x7000  }
0x40: {  	[hbm4b:s4+s3] =	stream.indirect_vreg.scatter [tilespmem:s25], [sflag:$0x3], $0x80, v3, vm0, $0xb8;
	[tilespmem:$0x19400] =	vst v63  }
0x41: {  	s26 =	simm.s32 $0x7800  }
0x42: {  	[hbm4b:s5+s3] =	stream.indirect_vreg.scatter [tilespmem:s26], [sflag:$0x3], $0x80, v3, vm0, $0xb8;
	[tilespmem:$0x19400] =	vst v63  }
0x43: {  	s28 =	simm.s32 $0x8000  }
0x44: {  	[hbm4b:s6+s3] =	stream.indirect_vreg.scatter [tilespmem:s28], [sflag:$0x3], $0x80, v3, vm0, $0xb8;
	[tilespmem:$0x19400] =	vst v63  }
0x45: {  	s29 =	simm.s32 $0x8800  }
0x46: {  	[hbm4b:s7+s3] =	stream.indirect_vreg.scatter [tilespmem:s29], [sflag:$0x3], $0x80, v3, vm0, $0xb8;
	[tilespmem:$0x19400] =	vst v63  }
0x47: {  	s30 =	simm.s32 $0x9000  }
0x48: {  	[hbm4b:s8+s3] =	stream.indirect_vreg.scatter [tilespmem:s30], [sflag:$0x3], $0x80, v3, vm0, $0xb8;
	[tilespmem:$0x19400] =	vst v63  }
0x49: {  	s31 =	simm.s32 $0x9800  }
0x4a: {  	[hbm4b:s9+s3] =	stream.indirect_vreg.scatter [tilespmem:s31], [sflag:$0x3], $0x80, v3, vm0, $0xb8;
	[tilespmem:$0x19400] =	vst v63  }
0x4b: {  	s22 =	simm.s32 $0xA000  }
0x4c: {  	[hbm4b:s10+s3] =	stream.indirect_vreg.scatter [tilespmem:s22], [sflag:$0x3], $0x80, v3, vm0, $0xb8;
	[tilespmem:$0x19400] =	vst v63  }
0x4d: {  	s24 =	simm.s32 $0xA800  }
0x4e: {  	[hbm4b:s11+s3] =	stream.indirect_vreg.scatter [tilespmem:s24], [sflag:$0x3], $0x80, v3, vm0, $0xb8;
	[tilespmem:$0x19400] =	vst v63  }
0x4f: {  	s25 =	simm.s32 $0xB000  }
0x50: {  	[hbm4b:s12+s3] =	stream.indirect_vreg.scatter [tilespmem:s25], [sflag:$0x3], $0x80, v3, vm0, $0xb8;
	[tilespmem:$0x19400] =	vst v63  }
0x51: {  	s26 =	simm.s32 $0xB800  }
0x52: {  	[hbm4b:s13+s3] =	stream.indirect_vreg.scatter [tilespmem:s26], [sflag:$0x3], $0x80, v3, vm0, $0xb8;
	[tilespmem:$0x19400] =	vst v63  }
0x53: {  	s28 =	simm.s32 $0xC000  }
0x54: {  	[hbm4b:s14+s3] =	stream.indirect_vreg.scatter [tilespmem:s28], [sflag:$0x3], $0x80, v3, vm0, $0xb8;
	[tilespmem:$0x19400] =	vst v63  }
0x55: {  	s30 =	simm.s32 $0xC800  }
0x56: {  	[hbm4b:s15+s3] =	stream.indirect_vreg.scatter [tilespmem:s30], [sflag:$0x3], $0x80, v3, vm1, $0xb8;
	[tilespmem:$0x19400] =	vst v63  }
0x57: {  	s29 =	rddreg [dreg:$0x5]  }
0x58: {  	[tilespmem:s19], [sflag:$0x2] =	stream.linear.gather [hbm4b:s29+s3], $0xC800, $0x38;
	[tilespmem:$0x19400] =	vst v63  }
0x59: {  	_ =	swait.ge [sflag:s1], $0xC800  }
0x5a: {  	[sflag:s1] =	ssyncset.done $0x0  }
0x5b: {  	[sflag:s1] =	ssyncadd.s32 $0xFFFF3800  }
0x5c: {  	v3 =	vld [tilespmem:$0x80];
	_ =	sdelay $0x4  }
0x5d: {  	v57 =	vshrl.u32 v3, $0x3  }
0x5e: {  	v4 =	vmul.u32 $0xC8, v57  }
0x5f: {  	v3 =	vand.u32 $0x7, v3  }
0x60: {  	v3 =	vor.u32 v3, v4  }
0x61: {  	v4 =	vperm.xlane v3, v0;
	_ =	sdelay $0x1  }
0x62: {  	v4 =	vadd.s32 v1, v4;
	_ =	sdelay $0x4  }
0x63: {  	[hbm4b:s2+s3] =	stream.indirect_vreg.scatter [tilespmem:s19], [sflag:$0x4], $0x80, v4, vm0, $0xb8;
	[tilespmem:$0x19400] =	vst v63  }
0x64: {  	s31 =	simm.s32 $0xD400  }
0x65: {  	[hbm4b:s4+s3] =	stream.indirect_vreg.scatter [tilespmem:s31], [sflag:$0x4], $0x80, v4, vm0, $0xb8;
	[tilespmem:$0x19400] =	vst v63  }
0x66: {  	s17 =	simm.s32 $0xDC00  }
0x67: {  	[hbm4b:s5+s3] =	stream.indirect_vreg.scatter [tilespmem:s17], [sflag:$0x4], $0x80, v4, vm0, $0xb8;
	[tilespmem:$0x19400] =	vst v63  }
0x68: {  	s24 =	simm.s32 $0xE400  }
0x69: {  	[hbm4b:s6+s3] =	stream.indirect_vreg.scatter [tilespmem:s24], [sflag:$0x4], $0x80, v4, vm0, $0xb8;
	[tilespmem:$0x19400] =	vst v63  }
0x6a: {  	s25 =	simm.s32 $0xEC00  }
0x6b: {  	[hbm4b:s7+s3] =	stream.indirect_vreg.scatter [tilespmem:s25], [sflag:$0x4], $0x80, v4, vm0, $0xb8;
	[tilespmem:$0x19400] =	vst v63  }
0x6c: {  	s26 =	simm.s32 $0xF400  }
0x6d: {  	[hbm4b:s8+s3] =	stream.indirect_vreg.scatter [tilespmem:s26], [sflag:$0x4], $0x80, v4, vm0, $0xb8;
	[tilespmem:$0x19400] =	vst v63  }
0x6e: {  	s28 =	simm.s32 $0xFC00  }
0x6f: {  	[hbm4b:s9+s3] =	stream.indirect_vreg.scatter [tilespmem:s28], [sflag:$0x4], $0x80, v4, vm0, $0xb8;
	[tilespmem:$0x19400] =	vst v63  }
0x70: {  	s29 =	simm.s32 $0x10400  }
0x71: {  	[hbm4b:s10+s3] =	stream.indirect_vreg.scatter [tilespmem:s29], [sflag:$0x4], $0x80, v4, vm0, $0xb8;
	[tilespmem:$0x19400] =	vst v63  }
0x72: {  	s30 =	simm.s32 $0x10C00  }
0x73: {  	[hbm4b:s11+s3] =	stream.indirect_vreg.scatter [tilespmem:s30], [sflag:$0x4], $0x80, v4, vm0, $0xb8;
	[tilespmem:$0x19400] =	vst v63  }
0x74: {  	s31 =	simm.s32 $0x11400  }
0x75: {  	[hbm4b:s12+s3] =	stream.indirect_vreg.scatter [tilespmem:s31], [sflag:$0x4], $0x80, v4, vm0, $0xb8;
	[tilespmem:$0x19400] =	vst v63  }
0x76: {  	v3 =	vperm.xlane v3, v2;
	s17 =	simm.s32 $0x11C00  }
0x77: {  	[hbm4b:s13+s3] =	stream.indirect_vreg.scatter [tilespmem:s17], [sflag:$0x4], $0x80, v4, vm0, $0xb8;
	[tilespmem:$0x19400] =	vst v63  }
0x78: {  	v3 =	vadd.s32 v1, v3;
	s24 =	simm.s32 $0x12400  }
0x79: {  	[hbm4b:s14+s3] =	stream.indirect_vreg.scatter [tilespmem:s24], [sflag:$0x4], $0x80, v4, vm0, $0xb8;
	[tilespmem:$0x19400] =	vst v63  }
0x7a: {  	s25 =	simm.s32 $0x12C00  }
0x7b: {  	[hbm4b:s15+s3] =	stream.indirect_vreg.scatter [tilespmem:s25], [sflag:$0x4], $0x80, v4, vm1, $0xb8;
	[tilespmem:$0x19400] =	vst v63  }
0x7c: {  	s26 =	simm.s32 $0x13000  }
0x7d: {  	[hbm4b:s2+s3] =	stream.indirect_vreg.scatter [tilespmem:s26], [sflag:$0x4], $0x80, v3, vm0, $0xb8;
	[tilespmem:$0x19400] =	vst v63  }
0x7e: {  	s28 =	simm.s32 $0x13800  }
0x7f: {  	[hbm4b:s4+s3] =	stream.indirect_vreg.scatter [tilespmem:s28], [sflag:$0x4], $0x80, v3, vm0, $0xb8;
	[tilespmem:$0x19400] =	vst v63  }
0x80: {  	s29 =	simm.s32 $0x14000  }
0x81: {  	[hbm4b:s5+s3] =	stream.indirect_vreg.scatter [tilespmem:s29], [sflag:$0x4], $0x80, v3, vm0, $0xb8;
	[tilespmem:$0x19400] =	vst v63  }
0x82: {  	s30 =	simm.s32 $0x14800  }
0x83: {  	[hbm4b:s6+s3] =	stream.indirect_vreg.scatter [tilespmem:s30], [sflag:$0x4], $0x80, v3, vm0, $0xb8;
	[tilespmem:$0x19400] =	vst v63  }
0x84: {  	s31 =	simm.s32 $0x15000  }
0x85: {  	[hbm4b:s7+s3] =	stream.indirect_vreg.scatter [tilespmem:s31], [sflag:$0x4], $0x80, v3, vm0, $0xb8;
	[tilespmem:$0x19400] =	vst v63  }
0x86: {  	s17 =	simm.s32 $0x15800  }
0x87: {  	[hbm4b:s8+s3] =	stream.indirect_vreg.scatter [tilespmem:s17], [sflag:$0x4], $0x80, v3, vm0, $0xb8;
	[tilespmem:$0x19400] =	vst v63  }
0x88: {  	s24 =	simm.s32 $0x16000  }
0x89: {  	[hbm4b:s9+s3] =	stream.indirect_vreg.scatter [tilespmem:s24], [sflag:$0x4], $0x80, v3, vm0, $0xb8;
	[tilespmem:$0x19400] =	vst v63  }
0x8a: {  	s25 =	simm.s32 $0x16800  }
0x8b: {  	[hbm4b:s10+s3] =	stream.indirect_vreg.scatter [tilespmem:s25], [sflag:$0x4], $0x80, v3, vm0, $0xb8;
	[tilespmem:$0x19400] =	vst v63  }
0x8c: {  	s26 =	simm.s32 $0x17000  }
0x8d: {  	[hbm4b:s11+s3] =	stream.indirect_vreg.scatter [tilespmem:s26], [sflag:$0x4], $0x80, v3, vm0, $0xb8;
	[tilespmem:$0x19400] =	vst v63  }
0x8e: {  	s28 =	simm.s32 $0x17800  }
0x8f: {  	[hbm4b:s12+s3] =	stream.indirect_vreg.scatter [tilespmem:s28], [sflag:$0x4], $0x80, v3, vm0, $0xb8;
	[tilespmem:$0x19400] =	vst v63  }
0x90: {  	s29 =	simm.s32 $0x18000  }
0x91: {  	[hbm4b:s13+s3] =	stream.indirect_vreg.scatter [tilespmem:s29], [sflag:$0x4], $0x80, v3, vm0, $0xb8;
	[tilespmem:$0x19400] =	vst v63  }
0x92: {  	s30 =	simm.s32 $0x18800  }
0x93: {  	[hbm4b:s14+s3] =	stream.indirect_vreg.scatter [tilespmem:s30], [sflag:$0x4], $0x80, v3, vm0, $0xb8;
	[tilespmem:$0x19400] =	vst v63  }
0x94: {  	s31 =	simm.s32 $0x19000  }
0x95: {  	[hbm4b:s15+s3] =	stream.indirect_vreg.scatter [tilespmem:s31], [sflag:$0x4], $0x80, v3, vm1, $0xb8;
	[tilespmem:$0x19400] =	vst v63  }
0x96: {  	_ =	swait.ge [sflag:s20], $0xC800  }
0x97: {  	[sflag:s20] =	ssyncset.done $0x0  }
0x98: {  	s17 =	rddreg [dreg:$0x6];
	[sflag:s20] =	ssyncadd.s32 $0xFFFF3800  }
0x99: {  	[tilespmem:s0], [sflag:$0x1] =	stream.linear.gather [hbm4b:s17+s3], $0xC800, $0x38;
	[tilespmem:$0x19400] =	vst v63  }
0x9a: {  	_ =	swait.ge [sflag:s18], $0xC800  }
0x9b: {  	[sflag:s18] =	ssyncset.done $0x0  }
0x9c: {  	[sflag:s18] =	ssyncadd.s32 $0xFFFF3800  }
0x9d: {  	v3 =	vld [tilespmem:$0x100];
	_ =	sdelay $0x4  }
0x9e: {  	v58 =	vshrl.u32 v3, $0x3  }
0x9f: {  	v4 =	vmul.u32 $0xC8, v58  }
0xa0: {  	v3 =	vand.u32 $0x7, v3  }
0xa1: {  	v3 =	vor.u32 v3, v4  }
0xa2: {  	v4 =	vperm.xlane v3, v0;
	_ =	sdelay $0x1  }
0xa3: {  	v4 =	vadd.s32 v1, v4;
	_ =	sdelay $0x4  }
0xa4: {  	[hbm4b:s2+s3] =	stream.indirect_vreg.scatter [tilespmem:s0], [sflag:$0x3], $0x80, v4, vm0, $0xb8;
	[tilespmem:$0x19400] =	vst v63  }
0xa5: {  	s17 =	simm.s32 $0xC00  }
0xa6: {  	[hbm4b:s4+s3] =	stream.indirect_vreg.scatter [tilespmem:s17], [sflag:$0x3], $0x80, v4, vm0, $0xb8;
	[tilespmem:$0x19400] =	vst v63  }
0xa7: {  	s25 =	simm.s32 $0x1400  }
0xa8: {  	[hbm4b:s5+s3] =	stream.indirect_vreg.scatter [tilespmem:s25], [sflag:$0x3], $0x80, v4, vm0, $0xb8;
	[tilespmem:$0x19400] =	vst v63  }
0xa9: {  	s26 =	simm.s32 $0x1C00  }
0xaa: {  	[hbm4b:s6+s3] =	stream.indirect_vreg.scatter [tilespmem:s26], [sflag:$0x3], $0x80, v4, vm0, $0xb8;
	[tilespmem:$0x19400] =	vst v63  }
0xab: {  	s28 =	simm.s32 $0x2400  }
0xac: {  	[hbm4b:s7+s3] =	stream.indirect_vreg.scatter [tilespmem:s28], [sflag:$0x3], $0x80, v4, vm0, $0xb8;
	[tilespmem:$0x19400] =	vst v63  }
0xad: {  	s29 =	simm.s32 $0x2C00  }
0xae: {  	[hbm4b:s8+s3] =	stream.indirect_vreg.scatter [tilespmem:s29], [sflag:$0x3], $0x80, v4, vm0, $0xb8;
	[tilespmem:$0x19400] =	vst v63  }
0xaf: {  	s30 =	simm.s32 $0x3400  }
0xb0: {  	[hbm4b:s9+s3] =	stream.indirect_vreg.scatter [tilespmem:s30], [sflag:$0x3], $0x80, v4, vm0, $0xb8;
	[tilespmem:$0x19400] =	vst v63  }
0xb1: {  	s31 =	simm.s32 $0x3C00  }
0xb2: {  	[hbm4b:s10+s3] =	stream.indirect_vreg.scatter [tilespmem:s31], [sflag:$0x3], $0x80, v4, vm0, $0xb8;
	[tilespmem:$0x19400] =	vst v63  }
0xb3: {  	s24 =	simm.s32 $0x4400  }
0xb4: {  	[hbm4b:s11+s3] =	stream.indirect_vreg.scatter [tilespmem:s24], [sflag:$0x3], $0x80, v4, vm0, $0xb8;
	[tilespmem:$0x19400] =	vst v63  }
0xb5: {  	s23 =	simm.s32 $0x4C00  }
0xb6: {  	[hbm4b:s12+s3] =	stream.indirect_vreg.scatter [tilespmem:s23], [sflag:$0x3], $0x80, v4, vm0, $0xb8;
	[tilespmem:$0x19400] =	vst v63  }
0xb7: {  	v3 =	vperm.xlane v3, v2;
	s23 =	simm.s32 $0x5400  }
0xb8: {  	[hbm4b:s13+s3] =	stream.indirect_vreg.scatter [tilespmem:s23], [sflag:$0x3], $0x80, v4, vm0, $0xb8;
	[tilespmem:$0x19400] =	vst v63  }
0xb9: {  	v3 =	vadd.s32 v1, v3;
	s23 =	simm.s32 $0x5C00  }
0xba: {  	[hbm4b:s14+s3] =	stream.indirect_vreg.scatter [tilespmem:s23], [sflag:$0x3], $0x80, v4, vm0, $0xb8;
	[tilespmem:$0x19400] =	vst v63  }
0xbb: {  	s22 =	simm.s32 $0x6400  }
0xbc: {  	[hbm4b:s15+s3] =	stream.indirect_vreg.scatter [tilespmem:s22], [sflag:$0x3], $0x80, v4, vm1, $0xb8;
	[tilespmem:$0x19400] =	vst v63  }
0xbd: {  	s22 =	simm.s32 $0x6800  }
0xbe: {  	[hbm4b:s2+s3] =	stream.indirect_vreg.scatter [tilespmem:s22], [sflag:$0x3], $0x80, v3, vm0, $0xb8;
	[tilespmem:$0x19400] =	vst v63  }
0xbf: {  	s22 =	simm.s32 $0x7000  }
0xc0: {  	[hbm4b:s4+s3] =	stream.indirect_vreg.scatter [tilespmem:s22], [sflag:$0x3], $0x80, v3, vm0, $0xb8;
	[tilespmem:$0x19400] =	vst v63  }
0xc1: {  	s22 =	simm.s32 $0x7800  }
0xc2: {  	[hbm4b:s5+s3] =	stream.indirect_vreg.scatter [tilespmem:s22], [sflag:$0x3], $0x80, v3, vm0, $0xb8;
	[tilespmem:$0x19400] =	vst v63  }
0xc3: {  	s22 =	simm.s32 $0x8000  }
0xc4: {  	[hbm4b:s6+s3] =	stream.indirect_vreg.scatter [tilespmem:s22], [sflag:$0x3], $0x80, v3, vm0, $0xb8;
	[tilespmem:$0x19400] =	vst v63  }
0xc5: {  	s22 =	simm.s32 $0x8800  }
0xc6: {  	[hbm4b:s7+s3] =	stream.indirect_vreg.scatter [tilespmem:s22], [sflag:$0x3], $0x80, v3, vm0, $0xb8;
	[tilespmem:$0x19400] =	vst v63  }
0xc7: {  	s22 =	simm.s32 $0x9000  }
0xc8: {  	[hbm4b:s8+s3] =	stream.indirect_vreg.scatter [tilespmem:s22], [sflag:$0x3], $0x80, v3, vm0, $0xb8;
	[tilespmem:$0x19400] =	vst v63  }
0xc9: {  	s22 =	simm.s32 $0x9800  }
0xca: {  	[hbm4b:s9+s3] =	stream.indirect_vreg.scatter [tilespmem:s22], [sflag:$0x3], $0x80, v3, vm0, $0xb8;
	[tilespmem:$0x19400] =	vst v63  }
0xcb: {  	s22 =	simm.s32 $0xA000  }
0xcc: {  	[hbm4b:s10+s3] =	stream.indirect_vreg.scatter [tilespmem:s22], [sflag:$0x3], $0x80, v3, vm0, $0xb8;
	[tilespmem:$0x19400] =	vst v63  }
0xcd: {  	s22 =	simm.s32 $0xA800  }
0xce: {  	[hbm4b:s11+s3] =	stream.indirect_vreg.scatter [tilespmem:s22], [sflag:$0x3], $0x80, v3, vm0, $0xb8;
	[tilespmem:$0x19400] =	vst v63  }
0xcf: {  	s22 =	simm.s32 $0xB000  }
0xd0: {  	[hbm4b:s12+s3] =	stream.indirect_vreg.scatter [tilespmem:s22], [sflag:$0x3], $0x80, v3, vm0, $0xb8;
	[tilespmem:$0x19400] =	vst v63  }
0xd1: {  	s22 =	simm.s32 $0xB800  }
0xd2: {  	[hbm4b:s13+s3] =	stream.indirect_vreg.scatter [tilespmem:s22], [sflag:$0x3], $0x80, v3, vm0, $0xb8;
	[tilespmem:$0x19400] =	vst v63  }
0xd3: {  	s22 =	simm.s32 $0xC000  }
0xd4: {  	[hbm4b:s14+s3] =	stream.indirect_vreg.scatter [tilespmem:s22], [sflag:$0x3], $0x80, v3, vm0, $0xb8;
	[tilespmem:$0x19400] =	vst v63  }
0xd5: {  	s22 =	simm.s32 $0xC800  }
0xd6: {  	[hbm4b:s15+s3] =	stream.indirect_vreg.scatter [tilespmem:s22], [sflag:$0x3], $0x80, v3, vm1, $0xb8;
	[tilespmem:$0x19400] =	vst v63  }
0xd7: {  	_ =	swait.ge [sflag:s21], $0xC800  }
0xd8: {  	[sflag:s21] =	ssyncset.done $0x0  }
0xd9: {  	s22 =	rddreg [dreg:$0x7];
	[sflag:s21] =	ssyncadd.s32 $0xFFFF3800  }
0xda: {  	[tilespmem:s19], [sflag:$0x2] =	stream.linear.gather [hbm4b:s22+s3], $0xC800, $0x38;
	[tilespmem:$0x19400] =	vst v63  }
0xdb: {  	_ =	swait.ge [sflag:s1], $0xC800  }
0xdc: {  	[sflag:s1] =	ssyncset.done $0x0  }
0xdd: {  	[sflag:s1] =	ssyncadd.s32 $0xFFFF3800  }
0xde: {  	v3 =	vld [tilespmem:$0x180];
	_ =	sdelay $0x4  }
0xdf: {  	v59 =	vshrl.u32 v3, $0x3  }
0xe0: {  	v4 =	vmul.u32 $0xC8, v59  }
0xe1: {  	v3 =	vand.u32 $0x7, v3  }
0xe2: {  	v3 =	vor.u32 v3, v4  }
0xe3: {  	v4 =	vperm.xlane v3, v0;
	_ =	sdelay $0x1  }
0xe4: {  	v4 =	vadd.s32 v1, v4;
	_ =	sdelay $0x4  }
0xe5: {  	[hbm4b:s2+s3] =	stream.indirect_vreg.scatter [tilespmem:s19], [sflag:$0x4], $0x80, v4, vm0, $0xb8;
	[tilespmem:$0x19400] =	vst v63  }
0xe6: {  	s22 =	simm.s32 $0xD400  }
0xe7: {  	[hbm4b:s4+s3] =	stream.indirect_vreg.scatter [tilespmem:s22], [sflag:$0x4], $0x80, v4, vm0, $0xb8;
	[tilespmem:$0x19400] =	vst v63  }
0xe8: {  	s22 =	simm.s32 $0xDC00  }
0xe9: {  	[hbm4b:s5+s3] =	stream.indirect_vreg.scatter [tilespmem:s22], [sflag:$0x4], $0x80, v4, vm0, $0xb8;
	[tilespmem:$0x19400] =	vst v63  }
0xea: {  	s22 =	simm.s32 $0xE400  }
0xeb: {  	[hbm4b:s6+s3] =	stream.indirect_vreg.scatter [tilespmem:s22], [sflag:$0x4], $0x80, v4, vm0, $0xb8;
	[tilespmem:$0x19400] =	vst v63  }
0xec: {  	s22 =	simm.s32 $0xEC00  }
0xed: {  	[hbm4b:s7+s3] =	stream.indirect_vreg.scatter [tilespmem:s22], [sflag:$0x4], $0x80, v4, vm0, $0xb8;
	[tilespmem:$0x19400] =	vst v63  }
0xee: {  	s22 =	simm.s32 $0xF400  }
0xef: {  	[hbm4b:s8+s3] =	stream.indirect_vreg.scatter [tilespmem:s22], [sflag:$0x4], $0x80, v4, vm0, $0xb8;
	[tilespmem:$0x19400] =	vst v63  }
0xf0: {  	s22 =	simm.s32 $0xFC00  }
0xf1: {  	[hbm4b:s9+s3] =	stream.indirect_vreg.scatter [tilespmem:s22], [sflag:$0x4], $0x80, v4, vm0, $0xb8;
	[tilespmem:$0x19400] =	vst v63  }
0xf2: {  	s22 =	simm.s32 $0x10400  }
0xf3: {  	[hbm4b:s10+s3] =	stream.indirect_vreg.scatter [tilespmem:s22], [sflag:$0x4], $0x80, v4, vm0, $0xb8;
	[tilespmem:$0x19400] =	vst v63  }
0xf4: {  	s22 =	simm.s32 $0x10C00  }
0xf5: {  	[hbm4b:s11+s3] =	stream.indirect_vreg.scatter [tilespmem:s22], [sflag:$0x4], $0x80, v4, vm0, $0xb8;
	[tilespmem:$0x19400] =	vst v63  }
0xf6: {  	s22 =	simm.s32 $0x11400  }
0xf7: {  	[hbm4b:s12+s3] =	stream.indirect_vreg.scatter [tilespmem:s22], [sflag:$0x4], $0x80, v4, vm0, $0xb8;
	[tilespmem:$0x19400] =	vst v63  }
0xf8: {  	v3 =	vperm.xlane v3, v2;
	s22 =	simm.s32 $0x11C00  }
0xf9: {  	[hbm4b:s13+s3] =	stream.indirect_vreg.scatter [tilespmem:s22], [sflag:$0x4], $0x80, v4, vm0, $0xb8;
	[tilespmem:$0x19400] =	vst v63  }
0xfa: {  	v3 =	vadd.s32 v1, v3;
	s22 =	simm.s32 $0x12400  }
0xfb: {  	[hbm4b:s14+s3] =	stream.indirect_vreg.scatter [tilespmem:s22], [sflag:$0x4], $0x80, v4, vm0, $0xb8;
	[tilespmem:$0x19400] =	vst v63  }
0xfc: {  	s22 =	simm.s32 $0x12C00  }
0xfd: {  	[hbm4b:s15+s3] =	stream.indirect_vreg.scatter [tilespmem:s22], [sflag:$0x4], $0x80, v4, vm1, $0xb8;
	[tilespmem:$0x19400] =	vst v63  }
0xfe: {  	s22 =	simm.s32 $0x13000  }
0xff: {  	[hbm4b:s2+s3] =	stream.indirect_vreg.scatter [tilespmem:s22], [sflag:$0x4], $0x80, v3, vm0, $0xb8;
	[tilespmem:$0x19400] =	vst v63  }
0x100: {  	s22 =	simm.s32 $0x13800  }
0x101: {  	[hbm4b:s4+s3] =	stream.indirect_vreg.scatter [tilespmem:s22], [sflag:$0x4], $0x80, v3, vm0, $0xb8;
	[tilespmem:$0x19400] =	vst v63  }
0x102: {  	s22 =	simm.s32 $0x14000  }
0x103: {  	[hbm4b:s5+s3] =	stream.indirect_vreg.scatter [tilespmem:s22], [sflag:$0x4], $0x80, v3, vm0, $0xb8;
	[tilespmem:$0x19400] =	vst v63  }
0x104: {  	s22 =	simm.s32 $0x14800  }
0x105: {  	[hbm4b:s6+s3] =	stream.indirect_vreg.scatter [tilespmem:s22], [sflag:$0x4], $0x80, v3, vm0, $0xb8;
	[tilespmem:$0x19400] =	vst v63  }
0x106: {  	s22 =	simm.s32 $0x15000  }
0x107: {  	[hbm4b:s7+s3] =	stream.indirect_vreg.scatter [tilespmem:s22], [sflag:$0x4], $0x80, v3, vm0, $0xb8;
	[tilespmem:$0x19400] =	vst v63  }
0x108: {  	s22 =	simm.s32 $0x15800  }
0x109: {  	[hbm4b:s8+s3] =	stream.indirect_vreg.scatter [tilespmem:s22], [sflag:$0x4], $0x80, v3, vm0, $0xb8;
	[tilespmem:$0x19400] =	vst v63  }
0x10a: {  	s22 =	simm.s32 $0x16000  }
0x10b: {  	[hbm4b:s9+s3] =	stream.indirect_vreg.scatter [tilespmem:s22], [sflag:$0x4], $0x80, v3, vm0, $0xb8;
	[tilespmem:$0x19400] =	vst v63  }
0x10c: {  	s22 =	simm.s32 $0x16800  }
0x10d: {  	[hbm4b:s10+s3] =	stream.indirect_vreg.scatter [tilespmem:s22], [sflag:$0x4], $0x80, v3, vm0, $0xb8;
	[tilespmem:$0x19400] =	vst v63  }
0x10e: {  	s22 =	simm.s32 $0x17000  }
0x10f: {  	[hbm4b:s11+s3] =	stream.indirect_vreg.scatter [tilespmem:s22], [sflag:$0x4], $0x80, v3, vm0, $0xb8;
	[tilespmem:$0x19400] =	vst v63  }
0x110: {  	s22 =	simm.s32 $0x17800  }
0x111: {  	[hbm4b:s12+s3] =	stream.indirect_vreg.scatter [tilespmem:s22], [sflag:$0x4], $0x80, v3, vm0, $0xb8;
	[tilespmem:$0x19400] =	vst v63  }
0x112: {  	s22 =	simm.s32 $0x18000  }
0x113: {  	[hbm4b:s13+s3] =	stream.indirect_vreg.scatter [tilespmem:s22], [sflag:$0x4], $0x80, v3, vm0, $0xb8;
	[tilespmem:$0x19400] =	vst v63  }
0x114: {  	s22 =	simm.s32 $0x18800  }
0x115: {  	[hbm4b:s14+s3] =	stream.indirect_vreg.scatter [tilespmem:s22], [sflag:$0x4], $0x80, v3, vm0, $0xb8;
	[tilespmem:$0x19400] =	vst v63  }
0x116: {  	s22 =	simm.s32 $0x19000  }
0x117: {  	[hbm4b:s15+s3] =	stream.indirect_vreg.scatter [tilespmem:s22], [sflag:$0x4], $0x80, v3, vm1, $0xb8;
	[tilespmem:$0x19400] =	vst v63  }
0x118: {  	_ =	swait.ge [sflag:s20], $0xC800  }
0x119: {  	[sflag:s20] =	ssyncset.done $0x0  }
0x11a: {  	s22 =	rddreg [dreg:$0x8];
	[sflag:s20] =	ssyncadd.s32 $0xFFFF3800  }
0x11b: {  	[tilespmem:s0], [sflag:$0x1] =	stream.linear.gather [hbm4b:s22+s3], $0xC800, $0x38;
	[tilespmem:$0x19400] =	vst v63  }
0x11c: {  	_ =	swait.ge [sflag:s18], $0xC800  }
0x11d: {  	[sflag:s18] =	ssyncset.done $0x0  }
0x11e: {  	[sflag:s18] =	ssyncadd.s32 $0xFFFF3800  }
0x11f: {  	v3 =	vld [tilespmem:$0x200];
	_ =	sdelay $0x4  }
0x120: {  	v60 =	vshrl.u32 v3, $0x3  }
0x121: {  	v4 =	vmul.u32 $0xC8, v60  }
0x122: {  	v3 =	vand.u32 $0x7, v3  }
0x123: {  	v3 =	vor.u32 v3, v4  }
0x124: {  	v4 =	vperm.xlane v3, v0;
	_ =	sdelay $0x1  }
0x125: {  	v4 =	vadd.s32 v1, v4;
	_ =	sdelay $0x4  }
0x126: {  	[hbm4b:s2+s3] =	stream.indirect_vreg.scatter [tilespmem:s0], [sflag:$0x3], $0x80, v4, vm0, $0xb8;
	[tilespmem:$0x19400] =	vst v63  }
0x127: {  	_ = 	snop  }
0x128: {  	[hbm4b:s4+s3] =	stream.indirect_vreg.scatter [tilespmem:s17], [sflag:$0x3], $0x80, v4, vm0, $0xb8;
	[tilespmem:$0x19400] =	vst v63  }
0x129: {  	_ = 	snop  }
0x12a: {  	[hbm4b:s5+s3] =	stream.indirect_vreg.scatter [tilespmem:s25], [sflag:$0x3], $0x80, v4, vm0, $0xb8;
	[tilespmem:$0x19400] =	vst v63  }
0x12b: {  	_ = 	snop  }
0x12c: {  	[hbm4b:s6+s3] =	stream.indirect_vreg.scatter [tilespmem:s26], [sflag:$0x3], $0x80, v4, vm0, $0xb8;
	[tilespmem:$0x19400] =	vst v63  }
0x12d: {  	_ = 	snop  }
0x12e: {  	[hbm4b:s7+s3] =	stream.indirect_vreg.scatter [tilespmem:s28], [sflag:$0x3], $0x80, v4, vm0, $0xb8;
	[tilespmem:$0x19400] =	vst v63  }
0x12f: {  	_ = 	snop  }
0x130: {  	[hbm4b:s8+s3] =	stream.indirect_vreg.scatter [tilespmem:s29], [sflag:$0x3], $0x80, v4, vm0, $0xb8;
	[tilespmem:$0x19400] =	vst v63  }
0x131: {  	_ = 	snop  }
0x132: {  	[hbm4b:s9+s3] =	stream.indirect_vreg.scatter [tilespmem:s30], [sflag:$0x3], $0x80, v4, vm0, $0xb8;
	[tilespmem:$0x19400] =	vst v63  }
0x133: {  	_ = 	snop  }
0x134: {  	[hbm4b:s10+s3] =	stream.indirect_vreg.scatter [tilespmem:s31], [sflag:$0x3], $0x80, v4, vm0, $0xb8;
	[tilespmem:$0x19400] =	vst v63  }
0x135: {  	_ = 	snop  }
0x136: {  	[hbm4b:s11+s3] =	stream.indirect_vreg.scatter [tilespmem:s24], [sflag:$0x3], $0x80, v4, vm0, $0xb8;
	[tilespmem:$0x19400] =	vst v63  }
0x137: {  	s31 =	simm.s32 $0x4C00  }
0x138: {  	[hbm4b:s12+s3] =	stream.indirect_vreg.scatter [tilespmem:s31], [sflag:$0x3], $0x80, v4, vm0, $0xb8;
	[tilespmem:$0x19400] =	vst v63  }
0x139: {  	v3 =	vperm.xlane v3, v2;
	s31 =	simm.s32 $0x5400  }
0x13a: {  	[hbm4b:s13+s3] =	stream.indirect_vreg.scatter [tilespmem:s31], [sflag:$0x3], $0x80, v4, vm0, $0xb8;
	[tilespmem:$0x19400] =	vst v63  }
0x13b: {  	v3 =	vadd.s32 v1, v3  }
0x13c: {  	[hbm4b:s14+s3] =	stream.indirect_vreg.scatter [tilespmem:s23], [sflag:$0x3], $0x80, v4, vm0, $0xb8;
	[tilespmem:$0x19400] =	vst v63  }
0x13d: {  	s31 =	simm.s32 $0x6400  }
0x13e: {  	[hbm4b:s15+s3] =	stream.indirect_vreg.scatter [tilespmem:s31], [sflag:$0x3], $0x80, v4, vm1, $0xb8;
	[tilespmem:$0x19400] =	vst v63  }
0x13f: {  	s22 =	simm.s32 $0x6800  }
0x140: {  	[hbm4b:s2+s3] =	stream.indirect_vreg.scatter [tilespmem:s22], [sflag:$0x3], $0x80, v3, vm0, $0xb8;
	[tilespmem:$0x19400] =	vst v63  }
0x141: {  	s22 =	simm.s32 $0x7000  }
0x142: {  	[hbm4b:s4+s3] =	stream.indirect_vreg.scatter [tilespmem:s22], [sflag:$0x3], $0x80, v3, vm0, $0xb8;
	[tilespmem:$0x19400] =	vst v63  }
0x143: {  	s22 =	simm.s32 $0x7800  }
0x144: {  	[hbm4b:s5+s3] =	stream.indirect_vreg.scatter [tilespmem:s22], [sflag:$0x3], $0x80, v3, vm0, $0xb8;
	[tilespmem:$0x19400] =	vst v63  }
0x145: {  	s22 =	simm.s32 $0x8000  }
0x146: {  	[hbm4b:s6+s3] =	stream.indirect_vreg.scatter [tilespmem:s22], [sflag:$0x3], $0x80, v3, vm0, $0xb8;
	[tilespmem:$0x19400] =	vst v63  }
0x147: {  	s22 =	simm.s32 $0x8800  }
0x148: {  	[hbm4b:s7+s3] =	stream.indirect_vreg.scatter [tilespmem:s22], [sflag:$0x3], $0x80, v3, vm0, $0xb8;
	[tilespmem:$0x19400] =	vst v63  }
0x149: {  	s22 =	simm.s32 $0x9000  }
0x14a: {  	[hbm4b:s8+s3] =	stream.indirect_vreg.scatter [tilespmem:s22], [sflag:$0x3], $0x80, v3, vm0, $0xb8;
	[tilespmem:$0x19400] =	vst v63  }
0x14b: {  	s22 =	simm.s32 $0x9800  }
0x14c: {  	[hbm4b:s9+s3] =	stream.indirect_vreg.scatter [tilespmem:s22], [sflag:$0x3], $0x80, v3, vm0, $0xb8;
	[tilespmem:$0x19400] =	vst v63  }
0x14d: {  	s22 =	simm.s32 $0xA000  }
0x14e: {  	[hbm4b:s10+s3] =	stream.indirect_vreg.scatter [tilespmem:s22], [sflag:$0x3], $0x80, v3, vm0, $0xb8;
	[tilespmem:$0x19400] =	vst v63  }
0x14f: {  	s22 =	simm.s32 $0xA800  }
0x150: {  	[hbm4b:s11+s3] =	stream.indirect_vreg.scatter [tilespmem:s22], [sflag:$0x3], $0x80, v3, vm0, $0xb8;
	[tilespmem:$0x19400] =	vst v63  }
0x151: {  	s22 =	simm.s32 $0xB000  }
0x152: {  	[hbm4b:s12+s3] =	stream.indirect_vreg.scatter [tilespmem:s22], [sflag:$0x3], $0x80, v3, vm0, $0xb8;
	[tilespmem:$0x19400] =	vst v63  }
0x153: {  	s22 =	simm.s32 $0xB800  }
0x154: {  	[hbm4b:s13+s3] =	stream.indirect_vreg.scatter [tilespmem:s22], [sflag:$0x3], $0x80, v3, vm0, $0xb8;
	[tilespmem:$0x19400] =	vst v63  }
0x155: {  	s22 =	simm.s32 $0xC000  }
0x156: {  	[hbm4b:s14+s3] =	stream.indirect_vreg.scatter [tilespmem:s22], [sflag:$0x3], $0x80, v3, vm0, $0xb8;
	[tilespmem:$0x19400] =	vst v63  }
0x157: {  	s22 =	simm.s32 $0xC800  }
0x158: {  	[hbm4b:s15+s3] =	stream.indirect_vreg.scatter [tilespmem:s22], [sflag:$0x3], $0x80, v3, vm1, $0xb8;
	[tilespmem:$0x19400] =	vst v63  }
0x159: {  	_ =	swait.ge [sflag:s21], $0xC800  }
0x15a: {  	[sflag:s21] =	ssyncset.done $0x0  }
0x15b: {  	s22 =	rddreg [dreg:$0x9];
	[sflag:s21] =	ssyncadd.s32 $0xFFFF3800  }
0x15c: {  	[tilespmem:s19], [sflag:$0x2] =	stream.linear.gather [hbm4b:s22+s3], $0xC800, $0x38;
	[tilespmem:$0x19400] =	vst v63  }
0x15d: {  	_ =	swait.ge [sflag:s1], $0xC800  }
0x15e: {  	[sflag:s1] =	ssyncset.done $0x0  }
0x15f: {  	[sflag:s1] =	ssyncadd.s32 $0xFFFF3800  }
0x160: {  	v3 =	vld [tilespmem:$0x280];
	_ =	sdelay $0x4  }
0x161: {  	v61 =	vshrl.u32 v3, $0x3  }
0x162: {  	v4 =	vmul.u32 $0xC8, v61  }
0x163: {  	v3 =	vand.u32 $0x7, v3  }
0x164: {  	v3 =	vor.u32 v3, v4  }
0x165: {  	v4 =	vperm.xlane v3, v0;
	_ =	sdelay $0x1  }
0x166: {  	v4 =	vadd.s32 v1, v4;
	_ =	sdelay $0x4  }
0x167: {  	[hbm4b:s2+s3] =	stream.indirect_vreg.scatter [tilespmem:s19], [sflag:$0x4], $0x80, v4, vm0, $0xb8;
	[tilespmem:$0x19400] =	vst v63  }
0x168: {  	s22 =	simm.s32 $0xD400  }
0x169: {  	[hbm4b:s4+s3] =	stream.indirect_vreg.scatter [tilespmem:s22], [sflag:$0x4], $0x80, v4, vm0, $0xb8;
	[tilespmem:$0x19400] =	vst v63  }
0x16a: {  	s22 =	simm.s32 $0xDC00  }
0x16b: {  	[hbm4b:s5+s3] =	stream.indirect_vreg.scatter [tilespmem:s22], [sflag:$0x4], $0x80, v4, vm0, $0xb8;
	[tilespmem:$0x19400] =	vst v63  }
0x16c: {  	s22 =	simm.s32 $0xE400  }
0x16d: {  	[hbm4b:s6+s3] =	stream.indirect_vreg.scatter [tilespmem:s22], [sflag:$0x4], $0x80, v4, vm0, $0xb8;
	[tilespmem:$0x19400] =	vst v63  }
0x16e: {  	s22 =	simm.s32 $0xEC00  }
0x16f: {  	[hbm4b:s7+s3] =	stream.indirect_vreg.scatter [tilespmem:s22], [sflag:$0x4], $0x80, v4, vm0, $0xb8;
	[tilespmem:$0x19400] =	vst v63  }
0x170: {  	s22 =	simm.s32 $0xF400  }
0x171: {  	[hbm4b:s8+s3] =	stream.indirect_vreg.scatter [tilespmem:s22], [sflag:$0x4], $0x80, v4, vm0, $0xb8;
	[tilespmem:$0x19400] =	vst v63  }
0x172: {  	s22 =	simm.s32 $0xFC00  }
0x173: {  	[hbm4b:s9+s3] =	stream.indirect_vreg.scatter [tilespmem:s22], [sflag:$0x4], $0x80, v4, vm0, $0xb8;
	[tilespmem:$0x19400] =	vst v63  }
0x174: {  	s22 =	simm.s32 $0x10400  }
0x175: {  	[hbm4b:s10+s3] =	stream.indirect_vreg.scatter [tilespmem:s22], [sflag:$0x4], $0x80, v4, vm0, $0xb8;
	[tilespmem:$0x19400] =	vst v63  }
0x176: {  	s22 =	simm.s32 $0x10C00  }
0x177: {  	[hbm4b:s11+s3] =	stream.indirect_vreg.scatter [tilespmem:s22], [sflag:$0x4], $0x80, v4, vm0, $0xb8;
	[tilespmem:$0x19400] =	vst v63  }
0x178: {  	s22 =	simm.s32 $0x11400  }
0x179: {  	[hbm4b:s12+s3] =	stream.indirect_vreg.scatter [tilespmem:s22], [sflag:$0x4], $0x80, v4, vm0, $0xb8;
	[tilespmem:$0x19400] =	vst v63  }
0x17a: {  	v3 =	vperm.xlane v3, v2;
	s22 =	simm.s32 $0x11C00  }
0x17b: {  	[hbm4b:s13+s3] =	stream.indirect_vreg.scatter [tilespmem:s22], [sflag:$0x4], $0x80, v4, vm0, $0xb8;
	[tilespmem:$0x19400] =	vst v63  }
0x17c: {  	v3 =	vadd.s32 v1, v3;
	s22 =	simm.s32 $0x12400  }
0x17d: {  	[hbm4b:s14+s3] =	stream.indirect_vreg.scatter [tilespmem:s22], [sflag:$0x4], $0x80, v4, vm0, $0xb8;
	[tilespmem:$0x19400] =	vst v63  }
0x17e: {  	s22 =	simm.s32 $0x12C00  }
0x17f: {  	[hbm4b:s15+s3] =	stream.indirect_vreg.scatter [tilespmem:s22], [sflag:$0x4], $0x80, v4, vm1, $0xb8;
	[tilespmem:$0x19400] =	vst v63  }
0x180: {  	s22 =	simm.s32 $0x13000  }
0x181: {  	[hbm4b:s2+s3] =	stream.indirect_vreg.scatter [tilespmem:s22], [sflag:$0x4], $0x80, v3, vm0, $0xb8;
	[tilespmem:$0x19400] =	vst v63  }
0x182: {  	s22 =	simm.s32 $0x13800  }
0x183: {  	[hbm4b:s4+s3] =	stream.indirect_vreg.scatter [tilespmem:s22], [sflag:$0x4], $0x80, v3, vm0, $0xb8;
	[tilespmem:$0x19400] =	vst v63  }
0x184: {  	s22 =	simm.s32 $0x14000  }
0x185: {  	[hbm4b:s5+s3] =	stream.indirect_vreg.scatter [tilespmem:s22], [sflag:$0x4], $0x80, v3, vm0, $0xb8;
	[tilespmem:$0x19400] =	vst v63  }
0x186: {  	s22 =	simm.s32 $0x14800  }
0x187: {  	[hbm4b:s6+s3] =	stream.indirect_vreg.scatter [tilespmem:s22], [sflag:$0x4], $0x80, v3, vm0, $0xb8;
	[tilespmem:$0x19400] =	vst v63  }
0x188: {  	s22 =	simm.s32 $0x15000  }
0x189: {  	[hbm4b:s7+s3] =	stream.indirect_vreg.scatter [tilespmem:s22], [sflag:$0x4], $0x80, v3, vm0, $0xb8;
	[tilespmem:$0x19400] =	vst v63  }
0x18a: {  	s22 =	simm.s32 $0x15800  }
0x18b: {  	[hbm4b:s8+s3] =	stream.indirect_vreg.scatter [tilespmem:s22], [sflag:$0x4], $0x80, v3, vm0, $0xb8;
	[tilespmem:$0x19400] =	vst v63  }
0x18c: {  	s22 =	simm.s32 $0x16000  }
0x18d: {  	[hbm4b:s9+s3] =	stream.indirect_vreg.scatter [tilespmem:s22], [sflag:$0x4], $0x80, v3, vm0, $0xb8;
	[tilespmem:$0x19400] =	vst v63  }
0x18e: {  	s22 =	simm.s32 $0x16800  }
0x18f: {  	[hbm4b:s10+s3] =	stream.indirect_vreg.scatter [tilespmem:s22], [sflag:$0x4], $0x80, v3, vm0, $0xb8;
	[tilespmem:$0x19400] =	vst v63  }
0x190: {  	s22 =	simm.s32 $0x17000  }
0x191: {  	[hbm4b:s11+s3] =	stream.indirect_vreg.scatter [tilespmem:s22], [sflag:$0x4], $0x80, v3, vm0, $0xb8;
	[tilespmem:$0x19400] =	vst v63  }
0x192: {  	s22 =	simm.s32 $0x17800  }
0x193: {  	[hbm4b:s12+s3] =	stream.indirect_vreg.scatter [tilespmem:s22], [sflag:$0x4], $0x80, v3, vm0, $0xb8;
	[tilespmem:$0x19400] =	vst v63  }
0x194: {  	s22 =	simm.s32 $0x18000  }
0x195: {  	[hbm4b:s13+s3] =	stream.indirect_vreg.scatter [tilespmem:s22], [sflag:$0x4], $0x80, v3, vm0, $0xb8;
	[tilespmem:$0x19400] =	vst v63  }
0x196: {  	s22 =	simm.s32 $0x18800  }
0x197: {  	[hbm4b:s14+s3] =	stream.indirect_vreg.scatter [tilespmem:s22], [sflag:$0x4], $0x80, v3, vm0, $0xb8;
	[tilespmem:$0x19400] =	vst v63  }
0x198: {  	s22 =	simm.s32 $0x19000  }
0x199: {  	[hbm4b:s15+s3] =	stream.indirect_vreg.scatter [tilespmem:s22], [sflag:$0x4], $0x80, v3, vm1, $0xb8;
	[tilespmem:$0x19400] =	vst v63  }
0x19a: {  	_ =	swait.ge [sflag:s20], $0xC800  }
0x19b: {  	[sflag:s20] =	ssyncset.done $0x0  }
0x19c: {  	s22 =	rddreg [dreg:$0xa];
	[sflag:s20] =	ssyncadd.s32 $0xFFFF3800  }
0x19d: {  	[tilespmem:s0], [sflag:$0x1] =	stream.linear.gather [hbm4b:s22+s3], $0xC800, $0x38;
	[tilespmem:$0x19400] =	vst v63  }
0x19e: {  	_ =	swait.ge [sflag:s18], $0xC800  }
0x19f: {  	[sflag:s18] =	ssyncset.done $0x0  }
0x1a0: {  	[sflag:s18] =	ssyncadd.s32 $0xFFFF3800  }
0x1a1: {  	v3 =	vld [tilespmem:$0x300];
	_ =	sdelay $0x4  }
0x1a2: {  	v62 =	vshrl.u32 v3, $0x3  }
0x1a3: {  	v4 =	vmul.u32 $0xC8, v62  }
0x1a4: {  	v3 =	vand.u32 $0x7, v3  }
0x1a5: {  	v3 =	vor.u32 v3, v4  }
0x1a6: {  	v4 =	vperm.xlane v3, v0;
	_ =	sdelay $0x1  }
0x1a7: {  	v4 =	vadd.s32 v1, v4;
	_ =	sdelay $0x4  }
0x1a8: {  	[hbm4b:s2+s3] =	stream.indirect_vreg.scatter [tilespmem:s0], [sflag:$0x3], $0x80, v4, vm0, $0xb8;
	[tilespmem:$0x19400] =	vst v63  }
0x1a9: {  	s22 =	simm.s32 $0xC00  }
0x1aa: {  	[hbm4b:s4+s3] =	stream.indirect_vreg.scatter [tilespmem:s22], [sflag:$0x3], $0x80, v4, vm0, $0xb8;
	[tilespmem:$0x19400] =	vst v63  }
0x1ab: {  	s17 =	simm.s32 $0x1400  }
0x1ac: {  	[hbm4b:s5+s3] =	stream.indirect_vreg.scatter [tilespmem:s17], [sflag:$0x3], $0x80, v4, vm0, $0xb8;
	[tilespmem:$0x19400] =	vst v63  }
0x1ad: {  	s25 =	simm.s32 $0x1C00  }
0x1ae: {  	[hbm4b:s6+s3] =	stream.indirect_vreg.scatter [tilespmem:s25], [sflag:$0x3], $0x80, v4, vm0, $0xb8;
	[tilespmem:$0x19400] =	vst v63  }
0x1af: {  	s26 =	simm.s32 $0x2400  }
0x1b0: {  	[hbm4b:s7+s3] =	stream.indirect_vreg.scatter [tilespmem:s26], [sflag:$0x3], $0x80, v4, vm0, $0xb8;
	[tilespmem:$0x19400] =	vst v63  }
0x1b1: {  	s28 =	simm.s32 $0x2C00  }
0x1b2: {  	[hbm4b:s8+s3] =	stream.indirect_vreg.scatter [tilespmem:s28], [sflag:$0x3], $0x80, v4, vm0, $0xb8;
	[tilespmem:$0x19400] =	vst v63  }
0x1b3: {  	s29 =	simm.s32 $0x3400  }
0x1b4: {  	[hbm4b:s9+s3] =	stream.indirect_vreg.scatter [tilespmem:s29], [sflag:$0x3], $0x80, v4, vm0, $0xb8;
	[tilespmem:$0x19400] =	vst v63  }
0x1b5: {  	s30 =	simm.s32 $0x3C00  }
0x1b6: {  	[hbm4b:s10+s3] =	stream.indirect_vreg.scatter [tilespmem:s30], [sflag:$0x3], $0x80, v4, vm0, $0xb8;
	[tilespmem:$0x19400] =	vst v63  }
0x1b7: {  	s24 =	simm.s32 $0x4400  }
0x1b8: {  	[hbm4b:s11+s3] =	stream.indirect_vreg.scatter [tilespmem:s24], [sflag:$0x3], $0x80, v4, vm0, $0xb8;
	[tilespmem:$0x19400] =	vst v63  }
0x1b9: {  	s30 =	simm.s32 $0x4C00  }
0x1ba: {  	[hbm4b:s12+s3] =	stream.indirect_vreg.scatter [tilespmem:s30], [sflag:$0x3], $0x80, v4, vm0, $0xb8;
	[tilespmem:$0x19400] =	vst v63  }
0x1bb: {  	v3 =	vperm.xlane v3, v2;
	s17 =	simm.s32 $0x5400  }
0x1bc: {  	[hbm4b:s13+s3] =	stream.indirect_vreg.scatter [tilespmem:s17], [sflag:$0x3], $0x80, v4, vm0, $0xb8;
	[tilespmem:$0x19400] =	vst v63  }
0x1bd: {  	s23 =	simm.s32 $0x5C00;
	v3 =	vadd.s32 v1, v3  }
0x1be: {  	[hbm4b:s14+s3] =	stream.indirect_vreg.scatter [tilespmem:s23], [sflag:$0x3], $0x80, v4, vm0, $0xb8;
	[tilespmem:$0x19400] =	vst v63  }
0x1bf: {  	s31 =	simm.s32 $0x6400  }
0x1c0: {  	[hbm4b:s15+s3] =	stream.indirect_vreg.scatter [tilespmem:s31], [sflag:$0x3], $0x80, v4, vm1, $0xb8;
	[tilespmem:$0x19400] =	vst v63  }
0x1c1: {  	s22 =	simm.s32 $0x6800  }
0x1c2: {  	[hbm4b:s2+s3] =	stream.indirect_vreg.scatter [tilespmem:s22], [sflag:$0x3], $0x80, v3, vm0, $0xb8;
	[tilespmem:$0x19400] =	vst v63  }
0x1c3: {  	s23 =	simm.s32 $0x7000  }
0x1c4: {  	[hbm4b:s4+s3] =	stream.indirect_vreg.scatter [tilespmem:s23], [sflag:$0x3], $0x80, v3, vm0, $0xb8;
	[tilespmem:$0x19400] =	vst v63  }
0x1c5: {  	s24 =	simm.s32 $0x7800  }
0x1c6: {  	[hbm4b:s5+s3] =	stream.indirect_vreg.scatter [tilespmem:s24], [sflag:$0x3], $0x80, v3, vm0, $0xb8;
	[tilespmem:$0x19400] =	vst v63  }
0x1c7: {  	s25 =	simm.s32 $0x8000  }
0x1c8: {  	[hbm4b:s6+s3] =	stream.indirect_vreg.scatter [tilespmem:s25], [sflag:$0x3], $0x80, v3, vm0, $0xb8;
	[tilespmem:$0x19400] =	vst v63  }
0x1c9: {  	s26 =	simm.s32 $0x8800  }
0x1ca: {  	[hbm4b:s7+s3] =	stream.indirect_vreg.scatter [tilespmem:s26], [sflag:$0x3], $0x80, v3, vm0, $0xb8;
	[tilespmem:$0x19400] =	vst v63  }
0x1cb: {  	s28 =	simm.s32 $0x9000  }
0x1cc: {  	[hbm4b:s8+s3] =	stream.indirect_vreg.scatter [tilespmem:s28], [sflag:$0x3], $0x80, v3, vm0, $0xb8;
	[tilespmem:$0x19400] =	vst v63  }
0x1cd: {  	s29 =	simm.s32 $0x9800  }
0x1ce: {  	[hbm4b:s9+s3] =	stream.indirect_vreg.scatter [tilespmem:s29], [sflag:$0x3], $0x80, v3, vm0, $0xb8;
	[tilespmem:$0x19400] =	vst v63  }
0x1cf: {  	s30 =	simm.s32 $0xA000  }
0x1d0: {  	[hbm4b:s10+s3] =	stream.indirect_vreg.scatter [tilespmem:s30], [sflag:$0x3], $0x80, v3, vm0, $0xb8;
	[tilespmem:$0x19400] =	vst v63  }
0x1d1: {  	s31 =	simm.s32 $0xA800  }
0x1d2: {  	[hbm4b:s11+s3] =	stream.indirect_vreg.scatter [tilespmem:s31], [sflag:$0x3], $0x80, v3, vm0, $0xb8;
	[tilespmem:$0x19400] =	vst v63  }
0x1d3: {  	s17 =	simm.s32 $0xB000  }
0x1d4: {  	[hbm4b:s12+s3] =	stream.indirect_vreg.scatter [tilespmem:s17], [sflag:$0x3], $0x80, v3, vm0, $0xb8;
	[tilespmem:$0x19400] =	vst v63  }
0x1d5: {  	s22 =	simm.s32 $0xB800  }
0x1d6: {  	[hbm4b:s13+s3] =	stream.indirect_vreg.scatter [tilespmem:s22], [sflag:$0x3], $0x80, v3, vm0, $0xb8;
	[tilespmem:$0x19400] =	vst v63  }
0x1d7: {  	s23 =	simm.s32 $0xC000  }
0x1d8: {  	[hbm4b:s14+s3] =	stream.indirect_vreg.scatter [tilespmem:s23], [sflag:$0x3], $0x80, v3, vm0, $0xb8;
	[tilespmem:$0x19400] =	vst v63  }
0x1d9: {  	s24 =	simm.s32 $0xC800  }
0x1da: {  	[hbm4b:s15+s3] =	stream.indirect_vreg.scatter [tilespmem:s24], [sflag:$0x3], $0x80, v3, vm1, $0xb8;
	[tilespmem:$0x19400] =	vst v63  }
0x1db: {  	_ =	swait.ge [sflag:s21], $0xC800  }
0x1dc: {  	[sflag:s21] =	ssyncset.done $0x0  }
0x1dd: {  	s25 =	rddreg [dreg:$0xb];
	[sflag:s21] =	ssyncadd.s32 $0xFFFF3800  }
0x1de: {  	[tilespmem:s19], [sflag:$0x2] =	stream.linear.gather [hbm4b:s25+s3], $0xC800, $0x38;
	[tilespmem:$0x19400] =	vst v63  }
0x1df: {  	_ =	swait.ge [sflag:s1], $0xC800  }
0x1e0: {  	[sflag:s1] =	ssyncset.done $0x0  }
0x1e1: {  	[sflag:s1] =	ssyncadd.s32 $0xFFFF3800  }
0x1e2: {  	v3 =	vld [tilespmem:$0x380];
	_ =	sdelay $0x4  }
0x1e3: {  	v63 =	vshrl.u32 v3, $0x3  }
0x1e4: {  	v4 =	vmul.u32 $0xC8, v63  }
0x1e5: {  	v3 =	vand.u32 $0x7, v3  }
0x1e6: {  	v3 =	vor.u32 v3, v4  }
0x1e7: {  	v4 =	vperm.xlane v3, v0;
	_ =	sdelay $0x1  }
0x1e8: {  	v4 =	vadd.s32 v1, v4;
	_ =	sdelay $0x4  }
0x1e9: {  	[hbm4b:s2+s3] =	stream.indirect_vreg.scatter [tilespmem:s19], [sflag:$0x4], $0x80, v4, vm0, $0xb8;
	[tilespmem:$0x19400] =	vst v63  }
0x1ea: {  	s26 =	simm.s32 $0xD400  }
0x1eb: {  	[hbm4b:s4+s3] =	stream.indirect_vreg.scatter [tilespmem:s26], [sflag:$0x4], $0x80, v4, vm0, $0xb8;
	[tilespmem:$0x19400] =	vst v63  }
0x1ec: {  	s28 =	simm.s32 $0xDC00  }
0x1ed: {  	[hbm4b:s5+s3] =	stream.indirect_vreg.scatter [tilespmem:s28], [sflag:$0x4], $0x80, v4, vm0, $0xb8;
	[tilespmem:$0x19400] =	vst v63  }
0x1ee: {  	s29 =	simm.s32 $0xE400  }
0x1ef: {  	[hbm4b:s6+s3] =	stream.indirect_vreg.scatter [tilespmem:s29], [sflag:$0x4], $0x80, v4, vm0, $0xb8;
	[tilespmem:$0x19400] =	vst v63  }
0x1f0: {  	s30 =	simm.s32 $0xEC00  }
0x1f1: {  	[hbm4b:s7+s3] =	stream.indirect_vreg.scatter [tilespmem:s30], [sflag:$0x4], $0x80, v4, vm0, $0xb8;
	[tilespmem:$0x19400] =	vst v63  }
0x1f2: {  	s31 =	simm.s32 $0xF400  }
0x1f3: {  	[hbm4b:s8+s3] =	stream.indirect_vreg.scatter [tilespmem:s31], [sflag:$0x4], $0x80, v4, vm0, $0xb8;
	[tilespmem:$0x19400] =	vst v63  }
0x1f4: {  	s17 =	simm.s32 $0xFC00  }
0x1f5: {  	[hbm4b:s9+s3] =	stream.indirect_vreg.scatter [tilespmem:s17], [sflag:$0x4], $0x80, v4, vm0, $0xb8;
	[tilespmem:$0x19400] =	vst v63  }
0x1f6: {  	s22 =	simm.s32 $0x10400  }
0x1f7: {  	[hbm4b:s10+s3] =	stream.indirect_vreg.scatter [tilespmem:s22], [sflag:$0x4], $0x80, v4, vm0, $0xb8;
	[tilespmem:$0x19400] =	vst v63  }
0x1f8: {  	s23 =	simm.s32 $0x10C00  }
0x1f9: {  	[hbm4b:s11+s3] =	stream.indirect_vreg.scatter [tilespmem:s23], [sflag:$0x4], $0x80, v4, vm0, $0xb8;
	[tilespmem:$0x19400] =	vst v63  }
0x1fa: {  	s24 =	simm.s32 $0x11400  }
0x1fb: {  	[hbm4b:s12+s3] =	stream.indirect_vreg.scatter [tilespmem:s24], [sflag:$0x4], $0x80, v4, vm0, $0xb8;
	[tilespmem:$0x19400] =	vst v63  }
0x1fc: {  	s25 =	simm.s32 $0x11C00;
	v3 =	vperm.xlane v3, v2  }
0x1fd: {  	[hbm4b:s13+s3] =	stream.indirect_vreg.scatter [tilespmem:s25], [sflag:$0x4], $0x80, v4, vm0, $0xb8;
	[tilespmem:$0x19400] =	vst v63  }
0x1fe: {  	v3 =	vadd.s32 v1, v3;
	s26 =	simm.s32 $0x12400  }
0x1ff: {  	[hbm4b:s14+s3] =	stream.indirect_vreg.scatter [tilespmem:s26], [sflag:$0x4], $0x80, v4, vm0, $0xb8;
	[tilespmem:$0x19400] =	vst v63  }
0x200: {  	s28 =	simm.s32 $0x12C00  }
0x201: {  	[hbm4b:s15+s3] =	stream.indirect_vreg.scatter [tilespmem:s28], [sflag:$0x4], $0x80, v4, vm1, $0xb8;
	[tilespmem:$0x19400] =	vst v63  }
0x202: {  	s29 =	simm.s32 $0x13000  }
0x203: {  	[hbm4b:s2+s3] =	stream.indirect_vreg.scatter [tilespmem:s29], [sflag:$0x4], $0x80, v3, vm0, $0xb8;
	[tilespmem:$0x19400] =	vst v63  }
0x204: {  	s30 =	simm.s32 $0x13800  }
0x205: {  	[hbm4b:s4+s3] =	stream.indirect_vreg.scatter [tilespmem:s30], [sflag:$0x4], $0x80, v3, vm0, $0xb8;
	[tilespmem:$0x19400] =	vst v63  }
0x206: {  	s31 =	simm.s32 $0x14000  }
0x207: {  	[hbm4b:s5+s3] =	stream.indirect_vreg.scatter [tilespmem:s31], [sflag:$0x4], $0x80, v3, vm0, $0xb8;
	[tilespmem:$0x19400] =	vst v63  }
0x208: {  	s17 =	simm.s32 $0x14800  }
0x209: {  	[hbm4b:s6+s3] =	stream.indirect_vreg.scatter [tilespmem:s17], [sflag:$0x4], $0x80, v3, vm0, $0xb8;
	[tilespmem:$0x19400] =	vst v63  }
0x20a: {  	s22 =	simm.s32 $0x15000  }
0x20b: {  	[hbm4b:s7+s3] =	stream.indirect_vreg.scatter [tilespmem:s22], [sflag:$0x4], $0x80, v3, vm0, $0xb8;
	[tilespmem:$0x19400] =	vst v63  }
0x20c: {  	s23 =	simm.s32 $0x15800  }
0x20d: {  	[hbm4b:s8+s3] =	stream.indirect_vreg.scatter [tilespmem:s23], [sflag:$0x4], $0x80, v3, vm0, $0xb8;
	[tilespmem:$0x19400] =	vst v63  }
0x20e: {  	s24 =	simm.s32 $0x16000  }
0x20f: {  	[hbm4b:s9+s3] =	stream.indirect_vreg.scatter [tilespmem:s24], [sflag:$0x4], $0x80, v3, vm0, $0xb8;
	[tilespmem:$0x19400] =	vst v63  }
0x210: {  	s25 =	simm.s32 $0x16800  }
0x211: {  	[hbm4b:s10+s3] =	stream.indirect_vreg.scatter [tilespmem:s25], [sflag:$0x4], $0x80, v3, vm0, $0xb8;
	[tilespmem:$0x19400] =	vst v63  }
0x212: {  	s26 =	simm.s32 $0x17000  }
0x213: {  	[hbm4b:s11+s3] =	stream.indirect_vreg.scatter [tilespmem:s26], [sflag:$0x4], $0x80, v3, vm0, $0xb8;
	[tilespmem:$0x19400] =	vst v63  }
0x214: {  	s28 =	simm.s32 $0x17800  }
0x215: {  	[hbm4b:s12+s3] =	stream.indirect_vreg.scatter [tilespmem:s28], [sflag:$0x4], $0x80, v3, vm0, $0xb8;
	[tilespmem:$0x19400] =	vst v63  }
0x216: {  	s29 =	simm.s32 $0x18000  }
0x217: {  	[hbm4b:s13+s3] =	stream.indirect_vreg.scatter [tilespmem:s29], [sflag:$0x4], $0x80, v3, vm0, $0xb8;
	[tilespmem:$0x19400] =	vst v63  }
0x218: {  	s30 =	simm.s32 $0x18800  }
0x219: {  	[hbm4b:s14+s3] =	stream.indirect_vreg.scatter [tilespmem:s30], [sflag:$0x4], $0x80, v3, vm0, $0xb8;
	[tilespmem:$0x19400] =	vst v63  }
0x21a: {  	s31 =	simm.s32 $0x19000  }
0x21b: {  	[hbm4b:s15+s3] =	stream.indirect_vreg.scatter [tilespmem:s31], [sflag:$0x4], $0x80, v3, vm1, $0xb8;
	[tilespmem:$0x19400] =	vst v63  }
0x21c: {  	p0 =	sne.s32 s16, $0x1;
	_ =	swait.ge [sflag:s20], $0xC800  }
.Ltmp0:
0x21d: {  	[sflag:s20] =	ssyncset.done $0x0;
	(pc) =	sbr.rel @p0 .LBB2_1-.Ltmp0, $4  }
0x21e: {  	[sflag:s20] =	ssyncadd.s32 $0xFFFF3800  }
0x21f: {  	_ =	swait.ge [sflag:s21], $0xC800  }
0x220: {  	[sflag:s21] =	ssyncset.done $0x0  }
0x221: {  	s16 =	sadd.s32 $0xFFFFFFFF, s16;
	[sflag:s21] =	ssyncadd.s32 $0xFFFF3800  }
0x222: {  	_ =	sfence.sel $0x180000  }
0x223: {  	[bflag:$0x0] =	sbarrier.arrive $0xFFFF  }
0x224: {  	_ =	strace $0x90000047  }
0x225: {  	s0 =	stileid.u32;
	[bflag:$0x2] =	sbarrier.arrive $0xFFFF  }
0x226: {  	p0 =	sne.s32 s0, $0x0;
	s0 =	rddreg [dreg:$0x2]  }
0x227: {  	s0 =	sadd.s32 @!p0 $0x100000, s0  }
0x228: {  	[sflag:s0] =	ssyncadd.tile.s32 @!p0 $0x1;
	_ =	shalt  }
.Lfunc_end2:
_tile_overlayer_lowered:
.L_overlay_start_2:
0x229: {  	(tag) =	ssettag $0x2  }
0x22a: {  	s0 =	rddreg [dreg:$0x0];
	s2 =	stileid.u32  }
0x22b: {  	s1 =	rddreg [dreg:$0x1];
	p0 =	sne.s32 s2, $0x0  }
0x22c: {  	s3 =	rddreg [dreg:$0x2];
	[bflag:$0x3] =	sbarrier.arrive $0xFFFF;
	s2 =	simm.s32 @!p0 $0x1C05  }
0x22d: {  	[timem:s3], [sflag:s2] =	dma.local @!p0 [hbm:s0], s1  }
0x22e: {  	s0 =	simm.s32 @!p0 $0x5  }
0x22f: {  	_ =	swait.ge @!p0 [sflag:s0], s1  }
0x230: {  	s1 =	ssub.s32 @!p0 $0x0, s1;
	[sflag:s0] =	ssyncset.done @!p0 $0x0  }
0x231: {  	[sflag:s0] =	ssyncadd.s32 @!p0 s1  }
0x232: {  	[bflag:$0x3] =	sbarrier.arrive $0xFFFF  }
0x233: {  	_ =	shalt  }

// kernel: kernel.8.cloned.1.call-start
scs
__scs_entry_jumppad:
0x0: {  	(pc) =	sbr.rel $0x88, $3  }
0x1: {  	(tag) =	ssettag $0x0;
	lr =	simm.s32 $0x1  }
0x2: {  	[smem:$0x3F9B] =	sst lr;
	_ =	strace $0xD0000000  }
0x3: {  	_ = 	snop  }
0x4: {  	_ = 	snop  }
0x5: {  	_ = 	snop  }
0x6: {  	_ = 	snop  }
0x7: {  	_ = 	snop  }
__scs_overlays_trampoline_lowered:
0x8: {  	[smem:$0x3FAA] =	sst s0  }
0x9: {  	[smem:$0x3FAB] =	sst s1  }
0xa: {  	[smem:$0x3FAC] =	sst s2  }
0xb: {  	[smem:$0x3FAD] =	sst s3  }
0xc: {  	[smem:$0x3FAE] =	sst s4  }
0xd: {  	[smem:$0x3FAF] =	sst s5  }
0xe: {  	[smem:$0x3FB0] =	sst s6  }
0xf: {  	[smem:$0x3FB1] =	sst s7  }
0x10: {  	[smem:$0x3FB2] =	sst s8  }
0x11: {  	[smem:$0x3FB3] =	sst s9;
	s0 =	simm.s32 @!p0 $0x0  }
0x12: {  	s1 =	sld [smem:$0x3F99];
	s0 =	simm.s32 @p0 $0x1  }
0x13: {  	[smem:$0x3FB4] =	sst s0;
	s0 =	simm.s32 @!p1 $0x0  }
0x14: {  	s2 =	sld [smem:$0x3F98];
	s0 =	simm.s32 @p1 $0x1  }
0x15: {  	[smem:$0x3FB5] =	sst s0;
	s0 =	simm.s32 @!p2 $0x0  }
0x16: {  	s3 =	sld [smem:$0x3FDB];
	s0 =	simm.s32 @p2 $0x1  }
0x17: {  	s4 =	simm.s32 $0x1BF5;
	[smem:$0x3FB7] =	sst s0  }
0x18: {  	s0 =	sld [smem:$0x3F9A];
	_ =	swait.ge [sflag:s4], $0x0  }
0x19: {  	s7 =	sld [smem:$0x3F9B]  }
0x1a: {  	s8 =	sadd.s32 $0xFFFFE003, lr  }
0x1b: {  	s9 =	sadd.s32 $0xFFFFFEF7, lr;
	s5 =	simm.s32 $0xFFFFFFFF;
	p2 =	slt.u32 s8, $0xFFFFF086  }
0x1c: {  	p1 =	slt.u32 s9, $0xF7A;
	s5 =	simm.s32 @!p2 $0x0  }
0x1d: {  	s5 =	simm.s32 @p1 $0x1;
	p0 =	seq.s32 s7, s2  }
0x1e: {  	s7 =	smul.u32 @!p0 $0xF7A, s2;
	p2 =	seq.s32 @!p0 s5, $0x0  }
0x1f: {  	s9 =	smul.u32 $0xF7A, s1;
	s8 =	simm.s32 @!p0 $0x1BF5;
	p2 =	por !p2, p0  }
0x20: {  	[sflag:s8] =	ssyncset.s32 @!p0 $0xFFFFF086;
	s6 =	sadd.s32 @!p0 s3, s7;
	s7 =	simm.s32 @!p0 $0x108  }
0x21: {  	s3 =	sadd.s32 s3, s9;
	s6 =	sadd.s32 @!p0 $0x88, s6;
	s7 =	simm.s32 @p2 $0x1082  }
0x22: {  	[simem:s7], [sflag:s8] =	dma.local @!p0 [hbm:s6], $0xF7A  }
0x23: {  	s9 =	sor.u32 $0xD0000000, s2;
	s6 =	simm.s32 $0x108;
	_ =	swait.ge @!p0 [sflag:s8], $0x0  }
0x24: {  	s3 =	sadd.s32 $0x88, s3;
	s6 =	simm.s32 @!p1 $0x1082;
	[sflag:s4] =	ssyncset.s32 $0xFFFFF086  }
0x25: {  	[simem:s6], [sflag:s4] =	dma.local [hbm:s3], $0xF7A  }
0x26: {  	[smem:$0x3F9B] =	sst s1;
	(tag) =	ssettag s2;
	_ =	strace s9  }
0x27: {  	s1 =	sld [smem:$0x3FAB]  }
0x28: {  	s2 =	sld [smem:$0x3FAC]  }
0x29: {  	s4 =	sld [smem:$0x3FAE]  }
0x2a: {  	p0 =	seq.s32 s5, $0x0;
	s5 =	sld [smem:$0x3FAF]  }
0x2b: {  	s6 =	sld [smem:$0x3FB0]  }
0x2c: {  	s7 =	sld [smem:$0x3FB1]  }
0x2d: {  	s3 =	simm.s32 $0x108;
	s8 =	sld [smem:$0x3FB2]  }
0x2e: {  	s3 =	simm.s32 @!p0 $0x1082;
	s9 =	sld [smem:$0x3FB3]  }
0x2f: {  	lr =	sadd.s32 s0, s3;
	s0 =	sld [smem:$0x3FAA]  }
0x30: {  	s3 =	sld [smem:$0x3FAD]  }
0x31: {  	[smem:$0x3FB6] =	sst s10  }
0x32: {  	s10 =	sld [smem:$0x3FB4];
	_ =	sdelay $0x3  }
0x33: {  	p0 =	seq.s32 s10, $0x1;
	s10 =	sld [smem:$0x3FB6];
	_ =	sdelay $0x3  }
0x34: {  	[smem:$0x3FB6] =	sst s10  }
0x35: {  	s10 =	sld [smem:$0x3FB5];
	_ =	sdelay $0x3  }
0x36: {  	p1 =	seq.s32 s10, $0x1;
	s10 =	sld [smem:$0x3FB6];
	_ =	sdelay $0x3  }
0x37: {  	[smem:$0x3FB6] =	sst s10  }
0x38: {  	s10 =	sld [smem:$0x3FB7]  }
0x39: {  	_ = 	snop;
	(pc) =	sbr.ind lr, $3  }
0x3a: {  	_ = 	snop  }
0x3b: {  	_ = 	snop  }
0x3c: {  	p2 =	seq.s32 s10, $0x1;
	s10 =	sld [smem:$0x3FB6]  }
0x3d: {  	_ =	shalt  }
0x3e: {  	_ =	shalt  }
0x3f: {  	_ =	shalt  }
0x40: {  	_ =	shalt  }
0x41: {  	_ =	shalt  }
0x42: {  	_ =	shalt  }
0x43: {  	_ =	shalt  }
0x44: {  	_ =	shalt  }
0x45: {  	_ =	shalt  }
0x46: {  	_ =	shalt  }
0x47: {  	_ =	shalt  }
0x48: {  	_ =	shalt  }
0x49: {  	_ =	shalt  }
0x4a: {  	_ =	shalt  }
0x4b: {  	_ =	shalt  }
0x4c: {  	_ =	shalt  }
0x4d: {  	_ =	shalt  }
0x4e: {  	_ =	shalt  }
0x4f: {  	_ =	shalt  }
0x50: {  	_ =	shalt  }
0x51: {  	_ =	shalt  }
0x52: {  	_ =	shalt  }
0x53: {  	_ =	shalt  }
0x54: {  	_ =	shalt  }
0x55: {  	_ =	shalt  }
0x56: {  	_ =	shalt  }
0x57: {  	_ =	shalt  }
0x58: {  	_ =	shalt  }
0x59: {  	_ =	shalt  }
0x5a: {  	_ =	shalt  }
0x5b: {  	_ =	shalt  }
0x5c: {  	_ =	shalt  }
0x5d: {  	_ =	shalt  }
0x5e: {  	_ =	shalt  }
0x5f: {  	_ =	shalt  }
0x60: {  	_ =	shalt  }
0x61: {  	_ =	shalt  }
0x62: {  	_ =	shalt  }
0x63: {  	_ =	shalt  }
0x64: {  	_ =	shalt  }
0x65: {  	_ =	shalt  }
0x66: {  	_ =	shalt  }
0x67: {  	_ =	shalt  }
0x68: {  	_ =	shalt  }
0x69: {  	_ =	shalt  }
0x6a: {  	_ =	shalt  }
0x6b: {  	_ =	shalt  }
0x6c: {  	_ =	shalt  }
0x6d: {  	_ =	shalt  }
0x6e: {  	_ =	shalt  }
0x6f: {  	_ =	shalt  }
0x70: {  	_ =	shalt  }
0x71: {  	_ =	shalt  }
0x72: {  	_ =	shalt  }
0x73: {  	_ =	shalt  }
0x74: {  	_ =	shalt  }
0x75: {  	_ =	shalt  }
0x76: {  	_ =	shalt  }
0x77: {  	_ =	shalt  }
0x78: {  	_ =	shalt  }
0x79: {  	_ =	shalt  }
0x7a: {  	_ =	shalt  }
0x7b: {  	_ =	shalt  }
0x7c: {  	_ =	shalt  }
0x7d: {  	_ =	shalt  }
0x7e: {  	_ =	shalt  }
0x7f: {  	_ =	shalt  }
0x80: {  	_ =	shalt  }
0x81: {  	_ =	shalt  }
0x82: {  	_ =	shalt  }
0x83: {  	_ =	shalt  }
0x84: {  	_ =	shalt  }
0x85: {  	_ =	shalt  }
0x86: {  	_ =	shalt  }
0x87: {  	_ =	shalt  }
.Lfunc_end0:
.L_simem_size_0:
called_computation.1_lowered:
.L_overlay_start_0:
0x88: {  	s2 =	sld [smem:$0x3FD9]  }
0x89: {  	s3 =	sld [smem:$0x3FFE];
	_ =	sdelay $0x1  }
0x8a: {  	s1 =	srdreg.scid  }
0x8b: {  	s0 =	sand.u32 $0x1, s1  }
0x8c: {  	s16 =	sshll.u32 s0, $0xA;
	s2 =	sadd.s32 s3, s2  }
0x8d: {  	s2 =	sadd.s32 s2, s16  }
0x8e: {  	[smem:$0x3FC2] =	sst s2  }
0x8f: {  	_ = 	snop  }
0x90: {  	(tm) =	ssettm $0x1  }
0x91: {  	s17 =	sld [smem:$0x3FFB];
	_ =	sdelay $0x3  }
0x92: {  	_ =	strace s17  }
0x93: {  	s2 =	sld [smem:$0x3FFC];
	_ =	sdelay $0x3  }
0x94: {  	_ =	strace s2  }
0x95: {  	s2 =	sld [smem:$0x3FFD];
	_ =	sdelay $0x3  }
0x96: {  	_ =	strace s2  }
0x97: {  	_ =	strace $0x8FFFFFFF  }
0x98: {  	s18 =	sld [smem:$0x3FDB];
	_ =	sdelay $0x1  }
0x99: {  	s19 =	simm.s32 $_scs_section_size  }
0x9a: {  	s4 =	simm.s32 $_size__tile_overlayer_lowered;
	s5 =	simm.s32 $_tile_overlayer_lowered  }
0x9b: {  	s22 =	simm.s32 $0x1BFF;
	s21 =	sshll.u32 s5, $0x1;
	s2 =	sadd.s32 s19, s18  }
0x9c: {  	s6 =	simm.s32 $0x0;
	s20 =	sshll.u32 s4, $0x1;
	s4 =	sadd.s32 s21, s2  }
0x9d: {  	[timem:s6], [sflag:s22] =	dma.local [hbm:s4], s20  }
0x9e: {  	_ =	swait.ge [sflag:s22], s20  }
0x9f: {  	s3 =	ssub.s32 $0x0, s20;
	[sflag:s22] =	ssyncset.done $0x0  }
0xa0: {  	[sflag:s22] =	ssyncadd.s32 s3;
	_ =	sdelay $0x1  }
0xa1: {  	s23 =	simm.s32 $0x1B8B  }
0xa2: {  	_ =	swait.ge [sflag:s23], $0x1  }
0xa3: {  	[sflag:s23] =	ssyncset.done $0x0  }
0xa4: {  	s25 =	simm.s32 $0x1B8E;
	s24 =	sld [smem:$0x3FFE];
	[sflag:s23] =	ssyncadd.s32 $0xFFFFFFFF  }
0xa5: {  	s26 =	simm.s32 $execute0_lowered;
	[smem:$0x3FD2] =	sst s25  }
0xa6: {  	s4 =	sshll.u32 s26, $0x1;
	_ =	strace $0x80000049;
	[dreg:$0x1] =	wrdreg $0xFFFFFFFF  }
0xa7: {  	s28 =	simm.s32 $_size_execute0_lowered;
	s2 =	sadd.s32 s2, s4;
	[dreg:$0x0] =	wrdreg $0x0  }
0xa8: {  	s4 =	sshll.u32 s28, $0x1;
	[dreg:$0x2] =	wrdreg s2  }
0xa9: {  	[dreg:$0x3] =	wrdreg s4  }
0xaa: {  	[dreg:$0x4] =	wrdreg $0xC0  }
0xab: {  	_ =	task [dreg:s6], $0x5FFFF  }
0xac: {  	[dreg:$0x1] =	wrdreg $0xFFFFFFFF  }
0xad: {  	[dreg:$0x0] =	wrdreg $0x60  }
0xae: {  	[dreg:$0x2] =	wrdreg s24  }
0xaf: {  	[dreg:$0x3] =	wrdreg $0x9  }
0xb0: {  	_ =	task.clear_ibuf [dreg:s6], $0x4FFFF;
	_ =	strace $0x90000049  }
0xb1: {  	s29 =	simm.s32 $0x9;
	_ =	strace $0x8000004B  }
0xb2: {  	_ =	swait.ge [sflag:s29], $0x1  }
0xb3: {  	[sflag:s29] =	ssyncadd.s32 $0xFFFFFFFF  }
0xb4: {  	_ =	strace $0x9000004B  }
0xb5: {  	_ =	sfence  }
0xb6: {  	s30 =	sld [smem:$0x0];
	_ =	sdelay $0x2  }
0xb7: {  	s31 =	sshll.u32 s1, $0xD;
	s1 =	sshrl.u32 s1, $0x2  }
0xb8: {  	s3 =	sand.u32 $0x4000, s31;
	s1 =	sadd.s32 s1, s30  }
0xb9: {  	s0 =	sor.u32 s3, s0;
	s1 =	sshll.u32 s1, $0x11  }
0xba: {  	s0 =	sor.u32 s1, s0  }
0xbb: {  	s0 =	sadd.s32 $0x8F2B, s0  }
0xbc: {  	[sflag:s0] =	ssyncadd.remote.s32 $0x1  }
0xbd: {  	_ =	sfence.sel $0xFFFF  }
0xbe: {  	[dreg:$0x0] =	wrdreg $0xFFFFFFFF;
	(pc) =	sbr.abs _section_cstart, $3  }
0xbf: {  	[dreg:$0x1] =	wrdreg $0xFFFFFFFF  }
0xc0: {  	_ =	task.clear_ibuf [dreg:s6], $0x2FFFF;
	_ =	strace $0x9FFFFFFF  }
0xc1: {  	(tm) =	ssettm $0x7FFFFFFF  }
tec
execute0_lowered:
.L_overlay_start_1:
0x0: {  	(tag) =	ssettag $0x1  }
0x1: {  	s0 =	rddreg [dreg:$0x0];
	s2 =	simm.s32 $0x0  }
0x2: {  	[smem:$0x7FF] =	sst s2;
	s11 =	sadd.s32 $0x193000, s0  }
0x3: {  	s12 =	sadd.s32 $0x193100, s0;
	_ =	strace $0x8000004A;
	[dreg:$0x14] =	wrdreg s11  }
0x4: {  	s13 =	sadd.s32 $0x193200, s0;
	[dreg:$0x15] =	wrdreg s12  }
0x5: {  	s14 =	sadd.s32 $0x193300, s0;
	[dreg:$0x16] =	wrdreg s13  }
0x6: {  	s15 =	sadd.s32 $0x193400, s0;
	[dreg:$0x17] =	wrdreg s14  }
0x7: {  	s17 =	sadd.s32 $0x193500, s0;
	[dreg:$0x18] =	wrdreg s15  }
0x8: {  	s1 =	srdreg.scid;
	s18 =	sadd.s32 $0x193600, s0;
	[dreg:$0x19] =	wrdreg s17  }
0x9: {  	s3 =	stileid.u32;
	s19 =	sadd.s32 $0x193700, s0;
	[dreg:$0x1a] =	wrdreg s18  }
0xa: {  	s1 =	sand.u32 $0x1, s1;
	s20 =	sadd.s32 $0x193800, s0;
	[dreg:$0x1b] =	wrdreg s19  }
0xb: {  	s3 =	sshll.u32 s3, $0x1;
	s21 =	sadd.s32 $0x193900, s0;
	[dreg:$0x1c] =	wrdreg s20  }
0xc: {  	s7 =	sadd.s32 $0x4E5000, s0;
	s23 =	sadd.s32 $0x193A00, s0;
	[dreg:$0x1d] =	wrdreg s21  }
0xd: {  	s24 =	sadd.s32 $0x193B00, s0;
	s25 =	sadd.s32 $0x193C00, s0;
	[dreg:$0x1e] =	wrdreg s23  }
0xe: {  	s26 =	sadd.s32 $0x193D00, s0;
	s29 =	sadd.s32 $0x193E00, s0;
	[dreg:$0x1f] =	wrdreg s24  }
0xf: {  	s30 =	sadd.s32 $0x193F00, s0;
	s4 =	sor.u32 s1, s3;
	[smem:$0x7FA] =	sst s25  }
0x10: {  	[smem:$0x7FB] =	sst s26;
	s5 =	sshll.u32 s4, $0x8;
	s8 =	smul.u32 $0xC8000, s4  }
0x11: {  	[smem:$0x7FC] =	sst s29;
	s9 =	smul.u32 $0x19000, s4;
	s5 =	sadd.s32 s5, s0  }
0x12: {  	[smem:$0x7FD] =	sst s30;
	s5 =	sadd.s32 $0x191000, s5;
	s8 =	sshrl.u32 s8, $0x3  }
0x13: {  	s9 =	sadd.s32 s7, s9;
	[dreg:$0x2] =	wrdreg s5;
	s22 =	sadd.s32 s7, s8  }
0x14: {  	[dreg:$0x3] =	wrdreg s9;
	s16 =	sadd.s32 $0x1900, s22  }
0x15: {  	s10 =	sadd.s32 $0x3200, s22;
	[dreg:$0x4] =	wrdreg s16  }
0x16: {  	s11 =	sadd.s32 $0x4B00, s22;
	[dreg:$0x5] =	wrdreg s10  }
0x17: {  	s12 =	sadd.s32 $0x6400, s22;
	[dreg:$0x6] =	wrdreg s11  }
0x18: {  	s28 =	sadd.s32 $0x194800, s0;
	s13 =	sadd.s32 $0x7D00, s22;
	[dreg:$0x7] =	wrdreg s12  }
0x19: {  	s1 =	ssub.s32 $0x2, s1;
	s14 =	sadd.s32 $0x9600, s22;
	[dreg:$0x8] =	wrdreg s13  }
0x1a: {  	s21 =	sadd.s32 $0x194200, s0;
	s15 =	sadd.s32 $0xAF00, s22;
	[dreg:$0x9] =	wrdreg s14  }
0x1b: {  	s24 =	sadd.s32 $0x194500, s0;
	s17 =	sadd.s32 $0xE100, s22;
	[dreg:$0xa] =	wrdreg s15  }
0x1c: {  	s26 =	sadd.s32 $0x194700, s0;
	s18 =	sadd.s32 $0xFA00, s22;
	[dreg:$0xc] =	wrdreg s17  }
0x1d: {  	s6 =	sshrl.u32 s1, $0x1;
	s19 =	sadd.s32 $0x11300, s22;
	[dreg:$0xd] =	wrdreg s18  }
0x1e: {  	s1 =	ssub.s32 s1, s6;
	s20 =	sadd.s32 $0x12C00, s22;
	[dreg:$0xe] =	wrdreg s19  }
0x1f: {  	s1 =	smax.u32 s1, $0x1;
	s23 =	sadd.s32 $0x14500, s22;
	[dreg:$0xf] =	wrdreg s20  }
0x20: {  	s31 =	sadd.s32 $0x15E00, s22;
	s25 =	sadd.s32 $0x17700, s22;
	[dreg:$0x10] =	wrdreg s23  }
0x21: {  	v0 =	vlaneseq.u32;
	s16 =	sadd.s32 $0xC800, s22;
	s19 =	sadd.s32 $0x194000, s0;
	[dreg:$0x11] =	wrdreg s31  }
0x22: {  	v1 =	vshrl.u32 v0, $0x3;
	s20 =	sadd.s32 $0x194100, s0;
	s22 =	sadd.s32 $0x194300, s0;
	[dreg:$0x12] =	wrdreg s25  }
0x23: {  	vm0 =	vmmov $0xffff;
	v0 =	vand.u32 $0x7, v0;
	v1 =	vmul.u32 $0x8, v1;
	s23 =	sadd.s32 $0x194400, s0;
	s25 =	sadd.s32 $0x194600, s0;
	[dreg:$0xb] =	wrdreg s16  }
.LBB2_1:
0x24: {  	[dreg:$0x13] =	wrdreg s1  }
0x25: {  	s4 =	rddreg [dreg:$0x2];
	s5 =	simm.s32 $0x5  }
0x26: {  	[tilespmem:s2], [sflag:$0x5] =	stream.linear.gather [hbm4b:s4+s2], $0x800, $0x38;
	[tilespmem:$0x19800] =	vst v63  }
0x27: {  	_ =	swait.ge [sflag:s5], $0x800  }
0x28: {  	[sflag:s5] =	ssyncset.done $0x0  }
0x29: {  	[sflag:s5] =	ssyncadd.s32 $0xFFFFF800  }
0x2a: {  	v2 =	vld.msk [tilespmem:$0x0], $0xff;
	_ =	sdelay $0x4  }
0x2b: {  	v3 =	vshrl.u32 v2, $0x3  }
0x2c: {  	v3 =	vmul.u32 $0x190, v3  }
0x2d: {  	v2 =	vand.u32 $0x7, v2  }
0x2e: {  	v2 =	vor.u32 v2, v3  }
0x2f: {  	v2 =	vperm.xlane v2, v0;
	_ =	sdelay $0x1  }
0x30: {  	v2 =	vadd.s32 v1, v2;
	_ =	sdelay $0x3  }
0x31: {  	s0 =	simm.s32 $0x800;
	s4 =	rddreg [dreg:$0x14]  }
0x32: {  	[tilespmem:s0], [sflag:$0x1] =	stream.indirect_vreg.gather [hbm4b:s4+s2], $0x80, v2, vm0, $0xb8;
	[tilespmem:$0x19800] =	vst v63  }
0x33: {  	s6 =	simm.s32 $0x1000;
	s5 =	rddreg [dreg:$0x15]  }
0x34: {  	[tilespmem:s6], [sflag:$0x1] =	stream.indirect_vreg.gather [hbm4b:s5+s2], $0x80, v2, vm0, $0xb8;
	[tilespmem:$0x19800] =	vst v63  }
0x35: {  	s7 =	simm.s32 $0x1800;
	s6 =	rddreg [dreg:$0x16]  }
0x36: {  	[tilespmem:s7], [sflag:$0x1] =	stream.indirect_vreg.gather [hbm4b:s6+s2], $0x80, v2, vm0, $0xb8;
	[tilespmem:$0x19800] =	vst v63  }
0x37: {  	s8 =	simm.s32 $0x2000;
	s7 =	rddreg [dreg:$0x17]  }
0x38: {  	[tilespmem:s8], [sflag:$0x1] =	stream.indirect_vreg.gather [hbm4b:s7+s2], $0x80, v2, vm0, $0xb8;
	[tilespmem:$0x19800] =	vst v63  }
0x39: {  	s9 =	simm.s32 $0x2800;
	s8 =	rddreg [dreg:$0x18]  }
0x3a: {  	[tilespmem:s9], [sflag:$0x1] =	stream.indirect_vreg.gather [hbm4b:s8+s2], $0x80, v2, vm0, $0xb8;
	[tilespmem:$0x19800] =	vst v63  }
0x3b: {  	s10 =	simm.s32 $0x3000;
	s9 =	rddreg [dreg:$0x19]  }
0x3c: {  	[tilespmem:s10], [sflag:$0x1] =	stream.indirect_vreg.gather [hbm4b:s9+s2], $0x80, v2, vm0, $0xb8;
	[tilespmem:$0x19800] =	vst v63  }
0x3d: {  	s11 =	simm.s32 $0x3800;
	s10 =	rddreg [dreg:$0x1a]  }
0x3e: {  	[tilespmem:s11], [sflag:$0x1] =	stream.indirect_vreg.gather [hbm4b:s10+s2], $0x80, v2, vm0, $0xb8;
	[tilespmem:$0x19800] =	vst v63  }
0x3f: {  	s12 =	simm.s32 $0x4000;
	s11 =	rddreg [dreg:$0x1b]  }
0x40: {  	[tilespmem:s12], [sflag:$0x1] =	stream.indirect_vreg.gather [hbm4b:s11+s2], $0x80, v2, vm0, $0xb8;
	[tilespmem:$0x19800] =	vst v63  }
0x41: {  	s13 =	simm.s32 $0x4800;
	s12 =	rddreg [dreg:$0x1c]  }
0x42: {  	[tilespmem:s13], [sflag:$0x1] =	stream.indirect_vreg.gather [hbm4b:s12+s2], $0x80, v2, vm0, $0xb8;
	[tilespmem:$0x19800] =	vst v63  }
0x43: {  	s14 =	simm.s32 $0x5000;
	s13 =	rddreg [dreg:$0x1d]  }
0x44: {  	[tilespmem:s14], [sflag:$0x1] =	stream.indirect_vreg.gather [hbm4b:s13+s2], $0x80, v2, vm0, $0xb8;
	[tilespmem:$0x19800] =	vst v63  }
0x45: {  	s15 =	simm.s32 $0x5800;
	s14 =	rddreg [dreg:$0x1e]  }
0x46: {  	[tilespmem:s15], [sflag:$0x1] =	stream.indirect_vreg.gather [hbm4b:s14+s2], $0x80, v2, vm0, $0xb8;
	[tilespmem:$0x19800] =	vst v63  }
0x47: {  	s16 =	simm.s32 $0x6000;
	s15 =	rddreg [dreg:$0x1f]  }
0x48: {  	[tilespmem:s16], [sflag:$0x1] =	stream.indirect_vreg.gather [hbm4b:s15+s2], $0x80, v2, vm0, $0xb8;
	[tilespmem:$0x19800] =	vst v63  }
0x49: {  	s16 =	sld [smem:$0x7FA];
	_ =	sdelay $0x1  }
0x4a: {  	s17 =	simm.s32 $0x6800  }
0x4b: {  	[tilespmem:s17], [sflag:$0x1] =	stream.indirect_vreg.gather [hbm4b:s16+s2], $0x80, v2, vm0, $0xb8;
	[tilespmem:$0x19800] =	vst v63  }
0x4c: {  	s17 =	sld [smem:$0x7FB];
	_ =	sdelay $0x1  }
0x4d: {  	s18 =	simm.s32 $0x7000  }
0x4e: {  	[tilespmem:s18], [sflag:$0x1] =	stream.indirect_vreg.gather [hbm4b:s17+s2], $0x80, v2, vm0, $0xb8;
	[tilespmem:$0x19800] =	vst v63  }
0x4f: {  	s18 =	sld [smem:$0x7FC];
	_ =	sdelay $0x1  }
0x50: {  	s29 =	simm.s32 $0x7800;
	s0 =	sld [smem:$0x7FD]  }
0x51: {  	[tilespmem:s29], [sflag:$0x1] =	stream.indirect_vreg.gather [hbm4b:s18+s2], $0x80, v2, vm0, $0xb8;
	[tilespmem:$0x19800] =	vst v63  }
0x52: {  	s30 =	simm.s32 $0x8000  }
0x53: {  	[tilespmem:s30], [sflag:$0x1] =	stream.indirect_vreg.gather [hbm4b:s0+s2], $0x80, v2, vm0, $0xb8;
	[tilespmem:$0x19800] =	vst v63  }
0x54: {  	s31 =	simm.s32 $0x8800  }
0x55: {  	[tilespmem:s31], [sflag:$0x1] =	stream.indirect_vreg.gather [hbm4b:s19+s2], $0x80, v2, vm0, $0xb8;
	[tilespmem:$0x19800] =	vst v63  }
0x56: {  	s29 =	simm.s32 $0x9000  }
0x57: {  	[tilespmem:s29], [sflag:$0x1] =	stream.indirect_vreg.gather [hbm4b:s20+s2], $0x80, v2, vm0, $0xb8;
	[tilespmem:$0x19800] =	vst v63  }
0x58: {  	s30 =	simm.s32 $0x9800  }
0x59: {  	[tilespmem:s30], [sflag:$0x1] =	stream.indirect_vreg.gather [hbm4b:s21+s2], $0x80, v2, vm0, $0xb8;
	[tilespmem:$0x19800] =	vst v63  }
0x5a: {  	s31 =	simm.s32 $0xA000  }
0x5b: {  	[tilespmem:s31], [sflag:$0x1] =	stream.indirect_vreg.gather [hbm4b:s22+s2], $0x80, v2, vm0, $0xb8;
	[tilespmem:$0x19800] =	vst v63  }
0x5c: {  	s29 =	simm.s32 $0xA800  }
0x5d: {  	[tilespmem:s29], [sflag:$0x1] =	stream.indirect_vreg.gather [hbm4b:s23+s2], $0x80, v2, vm0, $0xb8;
	[tilespmem:$0x19800] =	vst v63  }
0x5e: {  	s30 =	simm.s32 $0xB000  }
0x5f: {  	[tilespmem:s30], [sflag:$0x1] =	stream.indirect_vreg.gather [hbm4b:s24+s2], $0x80, v2, vm0, $0xb8;
	[tilespmem:$0x19800] =	vst v63  }
0x60: {  	s31 =	simm.s32 $0xB800  }
0x61: {  	[tilespmem:s31], [sflag:$0x1] =	stream.indirect_vreg.gather [hbm4b:s25+s2], $0x80, v2, vm0, $0xb8;
	[tilespmem:$0x19800] =	vst v63  }
0x62: {  	s29 =	simm.s32 $0xC000  }
0x63: {  	[tilespmem:s29], [sflag:$0x1] =	stream.indirect_vreg.gather [hbm4b:s26+s2], $0x80, v2, vm0, $0xb8;
	[tilespmem:$0x19800] =	vst v63  }
0x64: {  	s30 =	simm.s32 $0xC800  }
0x65: {  	[tilespmem:s30], [sflag:$0x1] =	stream.indirect_vreg.gather [hbm4b:s28+s2], $0x80, v2, vm0, $0xb8;
	[tilespmem:$0x19800] =	vst v63  }
0x66: {  	s30 =	simm.s32 $0x1  }
0x67: {  	_ =	swait.ge [sflag:s30], $0xC800  }
0x68: {  	[sflag:s30] =	ssyncset.done $0x0  }
0x69: {  	s3 =	simm.s32 $0x800;
	s31 =	rddreg [dreg:$0x3];
	[sflag:s30] =	ssyncadd.s32 $0xFFFF3800  }
0x6a: {  	[hbm4b:s31+s2] =	stream.linear.scatter [tilespmem:s3], [sflag:$0x3], $0xC800, $0x38;
	[tilespmem:$0x19800] =	vst v63  }
0x6b: {  	v2 =	vld.msk [tilespmem:$0x80], $0xff;
	_ =	sdelay $0x4  }
0x6c: {  	v3 =	vshrl.u32 v2, $0x3  }
0x6d: {  	v3 =	vmul.u32 $0x190, v3  }
0x6e: {  	v2 =	vand.u32 $0x7, v2  }
0x6f: {  	v2 =	vor.u32 v2, v3  }
0x70: {  	v2 =	vperm.xlane v2, v0;
	_ =	sdelay $0x1  }
0x71: {  	v2 =	vadd.s32 v1, v2;
	_ =	sdelay $0x3  }
0x72: {  	s29 =	simm.s32 $0xD000  }
0x73: {  	[tilespmem:s29], [sflag:$0x2] =	stream.indirect_vreg.gather [hbm4b:s4+s2], $0x80, v2, vm0, $0xb8;
	[tilespmem:$0x19800] =	vst v63  }
0x74: {  	s31 =	simm.s32 $0xD800  }
0x75: {  	[tilespmem:s31], [sflag:$0x2] =	stream.indirect_vreg.gather [hbm4b:s5+s2], $0x80, v2, vm0, $0xb8;
	[tilespmem:$0x19800] =	vst v63  }
0x76: {  	s31 =	simm.s32 $0xE000  }
0x77: {  	[tilespmem:s31], [sflag:$0x2] =	stream.indirect_vreg.gather [hbm4b:s6+s2], $0x80, v2, vm0, $0xb8;
	[tilespmem:$0x19800] =	vst v63  }
0x78: {  	s31 =	simm.s32 $0xE800  }
0x79: {  	[tilespmem:s31], [sflag:$0x2] =	stream.indirect_vreg.gather [hbm4b:s7+s2], $0x80, v2, vm0, $0xb8;
	[tilespmem:$0x19800] =	vst v63  }
0x7a: {  	s31 =	simm.s32 $0xF000  }
0x7b: {  	[tilespmem:s31], [sflag:$0x2] =	stream.indirect_vreg.gather [hbm4b:s8+s2], $0x80, v2, vm0, $0xb8;
	[tilespmem:$0x19800] =	vst v63  }
0x7c: {  	s31 =	simm.s32 $0xF800  }
0x7d: {  	[tilespmem:s31], [sflag:$0x2] =	stream.indirect_vreg.gather [hbm4b:s9+s2], $0x80, v2, vm0, $0xb8;
	[tilespmem:$0x19800] =	vst v63  }
0x7e: {  	s31 =	simm.s32 $0x10000  }
0x7f: {  	[tilespmem:s31], [sflag:$0x2] =	stream.indirect_vreg.gather [hbm4b:s10+s2], $0x80, v2, vm0, $0xb8;
	[tilespmem:$0x19800] =	vst v63  }
0x80: {  	s31 =	simm.s32 $0x10800  }
0x81: {  	[tilespmem:s31], [sflag:$0x2] =	stream.indirect_vreg.gather [hbm4b:s11+s2], $0x80, v2, vm0, $0xb8;
	[tilespmem:$0x19800] =	vst v63  }
0x82: {  	s31 =	simm.s32 $0x11000  }
0x83: {  	[tilespmem:s31], [sflag:$0x2] =	stream.indirect_vreg.gather [hbm4b:s12+s2], $0x80, v2, vm0, $0xb8;
	[tilespmem:$0x19800] =	vst v63  }
0x84: {  	s31 =	simm.s32 $0x11800  }
0x85: {  	[tilespmem:s31], [sflag:$0x2] =	stream.indirect_vreg.gather [hbm4b:s13+s2], $0x80, v2, vm0, $0xb8;
	[tilespmem:$0x19800] =	vst v63  }
0x86: {  	s31 =	simm.s32 $0x12000  }
0x87: {  	[tilespmem:s31], [sflag:$0x2] =	stream.indirect_vreg.gather [hbm4b:s14+s2], $0x80, v2, vm0, $0xb8;
	[tilespmem:$0x19800] =	vst v63  }
0x88: {  	s31 =	simm.s32 $0x12800  }
0x89: {  	[tilespmem:s31], [sflag:$0x2] =	stream.indirect_vreg.gather [hbm4b:s15+s2], $0x80, v2, vm0, $0xb8;
	[tilespmem:$0x19800] =	vst v63  }
0x8a: {  	s31 =	simm.s32 $0x13000  }
0x8b: {  	[tilespmem:s31], [sflag:$0x2] =	stream.indirect_vreg.gather [hbm4b:s16+s2], $0x80, v2, vm0, $0xb8;
	[tilespmem:$0x19800] =	vst v63  }
0x8c: {  	s31 =	simm.s32 $0x13800  }
0x8d: {  	[tilespmem:s31], [sflag:$0x2] =	stream.indirect_vreg.gather [hbm4b:s17+s2], $0x80, v2, vm0, $0xb8;
	[tilespmem:$0x19800] =	vst v63  }
0x8e: {  	s31 =	simm.s32 $0x14000  }
0x8f: {  	[tilespmem:s31], [sflag:$0x2] =	stream.indirect_vreg.gather [hbm4b:s18+s2], $0x80, v2, vm0, $0xb8;
	[tilespmem:$0x19800] =	vst v63  }
0x90: {  	s31 =	simm.s32 $0x14800  }
0x91: {  	[tilespmem:s31], [sflag:$0x2] =	stream.indirect_vreg.gather [hbm4b:s0+s2], $0x80, v2, vm0, $0xb8;
	[tilespmem:$0x19800] =	vst v63  }
0x92: {  	s31 =	simm.s32 $0x15000  }
0x93: {  	[tilespmem:s31], [sflag:$0x2] =	stream.indirect_vreg.gather [hbm4b:s19+s2], $0x80, v2, vm0, $0xb8;
	[tilespmem:$0x19800] =	vst v63  }
0x94: {  	s31 =	simm.s32 $0x15800  }
0x95: {  	[tilespmem:s31], [sflag:$0x2] =	stream.indirect_vreg.gather [hbm4b:s20+s2], $0x80, v2, vm0, $0xb8;
	[tilespmem:$0x19800] =	vst v63  }
0x96: {  	s31 =	simm.s32 $0x16000  }
0x97: {  	[tilespmem:s31], [sflag:$0x2] =	stream.indirect_vreg.gather [hbm4b:s21+s2], $0x80, v2, vm0, $0xb8;
	[tilespmem:$0x19800] =	vst v63  }
0x98: {  	s31 =	simm.s32 $0x16800  }
0x99: {  	[tilespmem:s31], [sflag:$0x2] =	stream.indirect_vreg.gather [hbm4b:s22+s2], $0x80, v2, vm0, $0xb8;
	[tilespmem:$0x19800] =	vst v63  }
0x9a: {  	s31 =	simm.s32 $0x17000  }
0x9b: {  	[tilespmem:s31], [sflag:$0x2] =	stream.indirect_vreg.gather [hbm4b:s23+s2], $0x80, v2, vm0, $0xb8;
	[tilespmem:$0x19800] =	vst v63  }
0x9c: {  	s31 =	simm.s32 $0x17800  }
0x9d: {  	[tilespmem:s31], [sflag:$0x2] =	stream.indirect_vreg.gather [hbm4b:s24+s2], $0x80, v2, vm0, $0xb8;
	[tilespmem:$0x19800] =	vst v63  }
0x9e: {  	s31 =	simm.s32 $0x18000  }
0x9f: {  	[tilespmem:s31], [sflag:$0x2] =	stream.indirect_vreg.gather [hbm4b:s25+s2], $0x80, v2, vm0, $0xb8;
	[tilespmem:$0x19800] =	vst v63  }
0xa0: {  	s31 =	simm.s32 $0x18800  }
0xa1: {  	[tilespmem:s31], [sflag:$0x2] =	stream.indirect_vreg.gather [hbm4b:s26+s2], $0x80, v2, vm0, $0xb8;
	[tilespmem:$0x19800] =	vst v63  }
0xa2: {  	s31 =	simm.s32 $0x19000  }
0xa3: {  	[tilespmem:s31], [sflag:$0x2] =	stream.indirect_vreg.gather [hbm4b:s28+s2], $0x80, v2, vm0, $0xb8;
	[tilespmem:$0x19800] =	vst v63  }
0xa4: {  	s31 =	simm.s32 $0x2  }
0xa5: {  	_ =	swait.ge [sflag:s31], $0xC800  }
0xa6: {  	[sflag:s31] =	ssyncset.done $0x0  }
0xa7: {  	s29 =	simm.s32 $0xD000;
	s1 =	rddreg [dreg:$0x4];
	[sflag:s31] =	ssyncadd.s32 $0xFFFF3800  }
0xa8: {  	[hbm4b:s1+s2] =	stream.linear.scatter [tilespmem:s29], [sflag:$0x4], $0xC800, $0x38;
	[tilespmem:$0x19800] =	vst v63  }
0xa9: {  	s29 =	simm.s32 $0x3  }
0xaa: {  	_ =	swait.ge [sflag:s29], $0xC800  }
0xab: {  	[sflag:s29] =	ssyncset.done $0x0  }
0xac: {  	[sflag:s29] =	ssyncadd.s32 $0xFFFF3800  }
0xad: {  	v2 =	vld.msk [tilespmem:$0x100], $0xff;
	_ =	sdelay $0x4  }
0xae: {  	v3 =	vshrl.u32 v2, $0x3  }
0xaf: {  	v3 =	vmul.u32 $0x190, v3  }
0xb0: {  	v2 =	vand.u32 $0x7, v2  }
0xb1: {  	v2 =	vor.u32 v2, v3  }
0xb2: {  	v2 =	vperm.xlane v2, v0;
	_ =	sdelay $0x1  }
0xb3: {  	v2 =	vadd.s32 v1, v2;
	_ =	sdelay $0x3  }
0xb4: {  	s3 =	simm.s32 $0x800  }
0xb5: {  	[tilespmem:s3], [sflag:$0x1] =	stream.indirect_vreg.gather [hbm4b:s4+s2], $0x80, v2, vm0, $0xb8;
	[tilespmem:$0x19800] =	vst v63  }
0xb6: {  	s1 =	simm.s32 $0x1000  }
0xb7: {  	[tilespmem:s1], [sflag:$0x1] =	stream.indirect_vreg.gather [hbm4b:s5+s2], $0x80, v2, vm0, $0xb8;
	[tilespmem:$0x19800] =	vst v63  }
0xb8: {  	s1 =	simm.s32 $0x1800  }
0xb9: {  	[tilespmem:s1], [sflag:$0x1] =	stream.indirect_vreg.gather [hbm4b:s6+s2], $0x80, v2, vm0, $0xb8;
	[tilespmem:$0x19800] =	vst v63  }
0xba: {  	s1 =	simm.s32 $0x2000  }
0xbb: {  	[tilespmem:s1], [sflag:$0x1] =	stream.indirect_vreg.gather [hbm4b:s7+s2], $0x80, v2, vm0, $0xb8;
	[tilespmem:$0x19800] =	vst v63  }
0xbc: {  	s1 =	simm.s32 $0x2800  }
0xbd: {  	[tilespmem:s1], [sflag:$0x1] =	stream.indirect_vreg.gather [hbm4b:s8+s2], $0x80, v2, vm0, $0xb8;
	[tilespmem:$0x19800] =	vst v63  }
0xbe: {  	s1 =	simm.s32 $0x3000  }
0xbf: {  	[tilespmem:s1], [sflag:$0x1] =	stream.indirect_vreg.gather [hbm4b:s9+s2], $0x80, v2, vm0, $0xb8;
	[tilespmem:$0x19800] =	vst v63  }
0xc0: {  	s1 =	simm.s32 $0x3800  }
0xc1: {  	[tilespmem:s1], [sflag:$0x1] =	stream.indirect_vreg.gather [hbm4b:s10+s2], $0x80, v2, vm0, $0xb8;
	[tilespmem:$0x19800] =	vst v63  }
0xc2: {  	s1 =	simm.s32 $0x4000  }
0xc3: {  	[tilespmem:s1], [sflag:$0x1] =	stream.indirect_vreg.gather [hbm4b:s11+s2], $0x80, v2, vm0, $0xb8;
	[tilespmem:$0x19800] =	vst v63  }
0xc4: {  	s1 =	simm.s32 $0x4800  }
0xc5: {  	[tilespmem:s1], [sflag:$0x1] =	stream.indirect_vreg.gather [hbm4b:s12+s2], $0x80, v2, vm0, $0xb8;
	[tilespmem:$0x19800] =	vst v63  }
0xc6: {  	s1 =	simm.s32 $0x5000  }
0xc7: {  	[tilespmem:s1], [sflag:$0x1] =	stream.indirect_vreg.gather [hbm4b:s13+s2], $0x80, v2, vm0, $0xb8;
	[tilespmem:$0x19800] =	vst v63  }
0xc8: {  	s1 =	simm.s32 $0x5800  }
0xc9: {  	[tilespmem:s1], [sflag:$0x1] =	stream.indirect_vreg.gather [hbm4b:s14+s2], $0x80, v2, vm0, $0xb8;
	[tilespmem:$0x19800] =	vst v63  }
0xca: {  	s1 =	simm.s32 $0x6000  }
0xcb: {  	[tilespmem:s1], [sflag:$0x1] =	stream.indirect_vreg.gather [hbm4b:s15+s2], $0x80, v2, vm0, $0xb8;
	[tilespmem:$0x19800] =	vst v63  }
0xcc: {  	s1 =	simm.s32 $0x6800  }
0xcd: {  	[tilespmem:s1], [sflag:$0x1] =	stream.indirect_vreg.gather [hbm4b:s16+s2], $0x80, v2, vm0, $0xb8;
	[tilespmem:$0x19800] =	vst v63  }
0xce: {  	s1 =	simm.s32 $0x7000  }
0xcf: {  	[tilespmem:s1], [sflag:$0x1] =	stream.indirect_vreg.gather [hbm4b:s17+s2], $0x80, v2, vm0, $0xb8;
	[tilespmem:$0x19800] =	vst v63  }
0xd0: {  	s1 =	simm.s32 $0x7800  }
0xd1: {  	[tilespmem:s1], [sflag:$0x1] =	stream.indirect_vreg.gather [hbm4b:s18+s2], $0x80, v2, vm0, $0xb8;
	[tilespmem:$0x19800] =	vst v63  }
0xd2: {  	s1 =	simm.s32 $0x8000  }
0xd3: {  	[tilespmem:s1], [sflag:$0x1] =	stream.indirect_vreg.gather [hbm4b:s0+s2], $0x80, v2, vm0, $0xb8;
	[tilespmem:$0x19800] =	vst v63  }
0xd4: {  	s1 =	simm.s32 $0x8800  }
0xd5: {  	[tilespmem:s1], [sflag:$0x1] =	stream.indirect_vreg.gather [hbm4b:s19+s2], $0x80, v2, vm0, $0xb8;
	[tilespmem:$0x19800] =	vst v63  }
0xd6: {  	s1 =	simm.s32 $0x9000  }
0xd7: {  	[tilespmem:s1], [sflag:$0x1] =	stream.indirect_vreg.gather [hbm4b:s20+s2], $0x80, v2, vm0, $0xb8;
	[tilespmem:$0x19800] =	vst v63  }
0xd8: {  	s1 =	simm.s32 $0x9800  }
0xd9: {  	[tilespmem:s1], [sflag:$0x1] =	stream.indirect_vreg.gather [hbm4b:s21+s2], $0x80, v2, vm0, $0xb8;
	[tilespmem:$0x19800] =	vst v63  }
0xda: {  	s1 =	simm.s32 $0xA000  }
0xdb: {  	[tilespmem:s1], [sflag:$0x1] =	stream.indirect_vreg.gather [hbm4b:s22+s2], $0x80, v2, vm0, $0xb8;
	[tilespmem:$0x19800] =	vst v63  }
0xdc: {  	s1 =	simm.s32 $0xA800  }
0xdd: {  	[tilespmem:s1], [sflag:$0x1] =	stream.indirect_vreg.gather [hbm4b:s23+s2], $0x80, v2, vm0, $0xb8;
	[tilespmem:$0x19800] =	vst v63  }
0xde: {  	s1 =	simm.s32 $0xB000  }
0xdf: {  	[tilespmem:s1], [sflag:$0x1] =	stream.indirect_vreg.gather [hbm4b:s24+s2], $0x80, v2, vm0, $0xb8;
	[tilespmem:$0x19800] =	vst v63  }
0xe0: {  	s1 =	simm.s32 $0xB800  }
0xe1: {  	[tilespmem:s1], [sflag:$0x1] =	stream.indirect_vreg.gather [hbm4b:s25+s2], $0x80, v2, vm0, $0xb8;
	[tilespmem:$0x19800] =	vst v63  }
0xe2: {  	s1 =	simm.s32 $0xC000  }
0xe3: {  	[tilespmem:s1], [sflag:$0x1] =	stream.indirect_vreg.gather [hbm4b:s26+s2], $0x80, v2, vm0, $0xb8;
	[tilespmem:$0x19800] =	vst v63  }
0xe4: {  	s1 =	simm.s32 $0xC800  }
0xe5: {  	[tilespmem:s1], [sflag:$0x1] =	stream.indirect_vreg.gather [hbm4b:s28+s2], $0x80, v2, vm0, $0xb8;
	[tilespmem:$0x19800] =	vst v63  }
0xe6: {  	_ =	swait.ge [sflag:s30], $0xC800  }
0xe7: {  	[sflag:s30] =	ssyncset.done $0x0  }
0xe8: {  	s3 =	simm.s32 $0x800;
	s1 =	rddreg [dreg:$0x5];
	[sflag:s30] =	ssyncadd.s32 $0xFFFF3800  }
0xe9: {  	[hbm4b:s1+s2] =	stream.linear.scatter [tilespmem:s3], [sflag:$0x3], $0xC800, $0x38;
	[tilespmem:$0x19800] =	vst v63  }
0xea: {  	s3 =	simm.s32 $0x4  }
0xeb: {  	_ =	swait.ge [sflag:s3], $0xC800  }
0xec: {  	[sflag:s3] =	ssyncset.done $0x0  }
0xed: {  	[sflag:s3] =	ssyncadd.s32 $0xFFFF3800  }
0xee: {  	v2 =	vld.msk [tilespmem:$0x180], $0xff;
	_ =	sdelay $0x4  }
0xef: {  	v3 =	vshrl.u32 v2, $0x3  }
0xf0: {  	v3 =	vmul.u32 $0x190, v3  }
0xf1: {  	v2 =	vand.u32 $0x7, v2  }
0xf2: {  	v2 =	vor.u32 v2, v3  }
0xf3: {  	v2 =	vperm.xlane v2, v0;
	_ =	sdelay $0x1  }
0xf4: {  	v2 =	vadd.s32 v1, v2;
	_ =	sdelay $0x3  }
0xf5: {  	s1 =	simm.s32 $0xD000  }
0xf6: {  	[tilespmem:s1], [sflag:$0x2] =	stream.indirect_vreg.gather [hbm4b:s4+s2], $0x80, v2, vm0, $0xb8;
	[tilespmem:$0x19800] =	vst v63  }
0xf7: {  	s1 =	simm.s32 $0xD800  }
0xf8: {  	[tilespmem:s1], [sflag:$0x2] =	stream.indirect_vreg.gather [hbm4b:s5+s2], $0x80, v2, vm0, $0xb8;
	[tilespmem:$0x19800] =	vst v63  }
0xf9: {  	s1 =	simm.s32 $0xE000  }
0xfa: {  	[tilespmem:s1], [sflag:$0x2] =	stream.indirect_vreg.gather [hbm4b:s6+s2], $0x80, v2, vm0, $0xb8;
	[tilespmem:$0x19800] =	vst v63  }
0xfb: {  	s1 =	simm.s32 $0xE800  }
0xfc: {  	[tilespmem:s1], [sflag:$0x2] =	stream.indirect_vreg.gather [hbm4b:s7+s2], $0x80, v2, vm0, $0xb8;
	[tilespmem:$0x19800] =	vst v63  }
0xfd: {  	s1 =	simm.s32 $0xF000  }
0xfe: {  	[tilespmem:s1], [sflag:$0x2] =	stream.indirect_vreg.gather [hbm4b:s8+s2], $0x80, v2, vm0, $0xb8;
	[tilespmem:$0x19800] =	vst v63  }
0xff: {  	s1 =	simm.s32 $0xF800  }
0x100: {  	[tilespmem:s1], [sflag:$0x2] =	stream.indirect_vreg.gather [hbm4b:s9+s2], $0x80, v2, vm0, $0xb8;
	[tilespmem:$0x19800] =	vst v63  }
0x101: {  	s1 =	simm.s32 $0x10000  }
0x102: {  	[tilespmem:s1], [sflag:$0x2] =	stream.indirect_vreg.gather [hbm4b:s10+s2], $0x80, v2, vm0, $0xb8;
	[tilespmem:$0x19800] =	vst v63  }
0x103: {  	s1 =	simm.s32 $0x10800  }
0x104: {  	[tilespmem:s1], [sflag:$0x2] =	stream.indirect_vreg.gather [hbm4b:s11+s2], $0x80, v2, vm0, $0xb8;
	[tilespmem:$0x19800] =	vst v63  }
0x105: {  	s1 =	simm.s32 $0x11000  }
0x106: {  	[tilespmem:s1], [sflag:$0x2] =	stream.indirect_vreg.gather [hbm4b:s12+s2], $0x80, v2, vm0, $0xb8;
	[tilespmem:$0x19800] =	vst v63  }
0x107: {  	s1 =	simm.s32 $0x11800  }
0x108: {  	[tilespmem:s1], [sflag:$0x2] =	stream.indirect_vreg.gather [hbm4b:s13+s2], $0x80, v2, vm0, $0xb8;
	[tilespmem:$0x19800] =	vst v63  }
0x109: {  	s1 =	simm.s32 $0x12000  }
0x10a: {  	[tilespmem:s1], [sflag:$0x2] =	stream.indirect_vreg.gather [hbm4b:s14+s2], $0x80, v2, vm0, $0xb8;
	[tilespmem:$0x19800] =	vst v63  }
0x10b: {  	s1 =	simm.s32 $0x12800  }
0x10c: {  	[tilespmem:s1], [sflag:$0x2] =	stream.indirect_vreg.gather [hbm4b:s15+s2], $0x80, v2, vm0, $0xb8;
	[tilespmem:$0x19800] =	vst v63  }
0x10d: {  	s1 =	simm.s32 $0x13000  }
0x10e: {  	[tilespmem:s1], [sflag:$0x2] =	stream.indirect_vreg.gather [hbm4b:s16+s2], $0x80, v2, vm0, $0xb8;
	[tilespmem:$0x19800] =	vst v63  }
0x10f: {  	s1 =	simm.s32 $0x13800  }
0x110: {  	[tilespmem:s1], [sflag:$0x2] =	stream.indirect_vreg.gather [hbm4b:s17+s2], $0x80, v2, vm0, $0xb8;
	[tilespmem:$0x19800] =	vst v63  }
0x111: {  	s1 =	simm.s32 $0x14000  }
0x112: {  	[tilespmem:s1], [sflag:$0x2] =	stream.indirect_vreg.gather [hbm4b:s18+s2], $0x80, v2, vm0, $0xb8;
	[tilespmem:$0x19800] =	vst v63  }
0x113: {  	s1 =	simm.s32 $0x14800  }
0x114: {  	[tilespmem:s1], [sflag:$0x2] =	stream.indirect_vreg.gather [hbm4b:s0+s2], $0x80, v2, vm0, $0xb8;
	[tilespmem:$0x19800] =	vst v63  }
0x115: {  	s1 =	simm.s32 $0x15000  }
0x116: {  	[tilespmem:s1], [sflag:$0x2] =	stream.indirect_vreg.gather [hbm4b:s19+s2], $0x80, v2, vm0, $0xb8;
	[tilespmem:$0x19800] =	vst v63  }
0x117: {  	s1 =	simm.s32 $0x15800  }
0x118: {  	[tilespmem:s1], [sflag:$0x2] =	stream.indirect_vreg.gather [hbm4b:s20+s2], $0x80, v2, vm0, $0xb8;
	[tilespmem:$0x19800] =	vst v63  }
0x119: {  	s1 =	simm.s32 $0x16000  }
0x11a: {  	[tilespmem:s1], [sflag:$0x2] =	stream.indirect_vreg.gather [hbm4b:s21+s2], $0x80, v2, vm0, $0xb8;
	[tilespmem:$0x19800] =	vst v63  }
0x11b: {  	s1 =	simm.s32 $0x16800  }
0x11c: {  	[tilespmem:s1], [sflag:$0x2] =	stream.indirect_vreg.gather [hbm4b:s22+s2], $0x80, v2, vm0, $0xb8;
	[tilespmem:$0x19800] =	vst v63  }
0x11d: {  	s1 =	simm.s32 $0x17000  }
0x11e: {  	[tilespmem:s1], [sflag:$0x2] =	stream.indirect_vreg.gather [hbm4b:s23+s2], $0x80, v2, vm0, $0xb8;
	[tilespmem:$0x19800] =	vst v63  }
0x11f: {  	s1 =	simm.s32 $0x17800  }
0x120: {  	[tilespmem:s1], [sflag:$0x2] =	stream.indirect_vreg.gather [hbm4b:s24+s2], $0x80, v2, vm0, $0xb8;
	[tilespmem:$0x19800] =	vst v63  }
0x121: {  	s1 =	simm.s32 $0x18000  }
0x122: {  	[tilespmem:s1], [sflag:$0x2] =	stream.indirect_vreg.gather [hbm4b:s25+s2], $0x80, v2, vm0, $0xb8;
	[tilespmem:$0x19800] =	vst v63  }
0x123: {  	s1 =	simm.s32 $0x18800  }
0x124: {  	[tilespmem:s1], [sflag:$0x2] =	stream.indirect_vreg.gather [hbm4b:s26+s2], $0x80, v2, vm0, $0xb8;
	[tilespmem:$0x19800] =	vst v63  }
0x125: {  	s1 =	simm.s32 $0x19000  }
0x126: {  	[tilespmem:s1], [sflag:$0x2] =	stream.indirect_vreg.gather [hbm4b:s28+s2], $0x80, v2, vm0, $0xb8;
	[tilespmem:$0x19800] =	vst v63  }
0x127: {  	_ =	swait.ge [sflag:s31], $0xC800  }
0x128: {  	[sflag:s31] =	ssyncset.done $0x0  }
0x129: {  	s1 =	rddreg [dreg:$0x6];
	[sflag:s31] =	ssyncadd.s32 $0xFFFF3800;
	s31 =	simm.s32 $0xD000  }
0x12a: {  	[hbm4b:s1+s2] =	stream.linear.scatter [tilespmem:s31], [sflag:$0x4], $0xC800, $0x38;
	[tilespmem:$0x19800] =	vst v63  }
0x12b: {  	_ =	swait.ge [sflag:s29], $0xC800  }
0x12c: {  	[sflag:s29] =	ssyncset.done $0x0  }
0x12d: {  	[sflag:s29] =	ssyncadd.s32 $0xFFFF3800  }
0x12e: {  	v2 =	vld.msk [tilespmem:$0x200], $0xff;
	_ =	sdelay $0x4  }
0x12f: {  	v3 =	vshrl.u32 v2, $0x3  }
0x130: {  	v3 =	vmul.u32 $0x190, v3  }
0x131: {  	v2 =	vand.u32 $0x7, v2  }
0x132: {  	v2 =	vor.u32 v2, v3  }
0x133: {  	v2 =	vperm.xlane v2, v0;
	_ =	sdelay $0x1  }
0x134: {  	v2 =	vadd.s32 v1, v2;
	_ =	sdelay $0x3  }
0x135: {  	s31 =	simm.s32 $0x800  }
0x136: {  	[tilespmem:s31], [sflag:$0x1] =	stream.indirect_vreg.gather [hbm4b:s4+s2], $0x80, v2, vm0, $0xb8;
	[tilespmem:$0x19800] =	vst v63  }
0x137: {  	s1 =	simm.s32 $0x1000  }
0x138: {  	[tilespmem:s1], [sflag:$0x1] =	stream.indirect_vreg.gather [hbm4b:s5+s2], $0x80, v2, vm0, $0xb8;
	[tilespmem:$0x19800] =	vst v63  }
0x139: {  	s1 =	simm.s32 $0x1800  }
0x13a: {  	[tilespmem:s1], [sflag:$0x1] =	stream.indirect_vreg.gather [hbm4b:s6+s2], $0x80, v2, vm0, $0xb8;
	[tilespmem:$0x19800] =	vst v63  }
0x13b: {  	s1 =	simm.s32 $0x2000  }
0x13c: {  	[tilespmem:s1], [sflag:$0x1] =	stream.indirect_vreg.gather [hbm4b:s7+s2], $0x80, v2, vm0, $0xb8;
	[tilespmem:$0x19800] =	vst v63  }
0x13d: {  	s1 =	simm.s32 $0x2800  }
0x13e: {  	[tilespmem:s1], [sflag:$0x1] =	stream.indirect_vreg.gather [hbm4b:s8+s2], $0x80, v2, vm0, $0xb8;
	[tilespmem:$0x19800] =	vst v63  }
0x13f: {  	s1 =	simm.s32 $0x3000  }
0x140: {  	[tilespmem:s1], [sflag:$0x1] =	stream.indirect_vreg.gather [hbm4b:s9+s2], $0x80, v2, vm0, $0xb8;
	[tilespmem:$0x19800] =	vst v63  }
0x141: {  	s1 =	simm.s32 $0x3800  }
0x142: {  	[tilespmem:s1], [sflag:$0x1] =	stream.indirect_vreg.gather [hbm4b:s10+s2], $0x80, v2, vm0, $0xb8;
	[tilespmem:$0x19800] =	vst v63  }
0x143: {  	s1 =	simm.s32 $0x4000  }
0x144: {  	[tilespmem:s1], [sflag:$0x1] =	stream.indirect_vreg.gather [hbm4b:s11+s2], $0x80, v2, vm0, $0xb8;
	[tilespmem:$0x19800] =	vst v63  }
0x145: {  	s1 =	simm.s32 $0x4800  }
0x146: {  	[tilespmem:s1], [sflag:$0x1] =	stream.indirect_vreg.gather [hbm4b:s12+s2], $0x80, v2, vm0, $0xb8;
	[tilespmem:$0x19800] =	vst v63  }
0x147: {  	s1 =	simm.s32 $0x5000  }
0x148: {  	[tilespmem:s1], [sflag:$0x1] =	stream.indirect_vreg.gather [hbm4b:s13+s2], $0x80, v2, vm0, $0xb8;
	[tilespmem:$0x19800] =	vst v63  }
0x149: {  	s1 =	simm.s32 $0x5800  }
0x14a: {  	[tilespmem:s1], [sflag:$0x1] =	stream.indirect_vreg.gather [hbm4b:s14+s2], $0x80, v2, vm0, $0xb8;
	[tilespmem:$0x19800] =	vst v63  }
0x14b: {  	s1 =	simm.s32 $0x6000  }
0x14c: {  	[tilespmem:s1], [sflag:$0x1] =	stream.indirect_vreg.gather [hbm4b:s15+s2], $0x80, v2, vm0, $0xb8;
	[tilespmem:$0x19800] =	vst v63  }
0x14d: {  	s1 =	simm.s32 $0x6800  }
0x14e: {  	[tilespmem:s1], [sflag:$0x1] =	stream.indirect_vreg.gather [hbm4b:s16+s2], $0x80, v2, vm0, $0xb8;
	[tilespmem:$0x19800] =	vst v63  }
0x14f: {  	s1 =	simm.s32 $0x7000  }
0x150: {  	[tilespmem:s1], [sflag:$0x1] =	stream.indirect_vreg.gather [hbm4b:s17+s2], $0x80, v2, vm0, $0xb8;
	[tilespmem:$0x19800] =	vst v63  }
0x151: {  	s1 =	simm.s32 $0x7800  }
0x152: {  	[tilespmem:s1], [sflag:$0x1] =	stream.indirect_vreg.gather [hbm4b:s18+s2], $0x80, v2, vm0, $0xb8;
	[tilespmem:$0x19800] =	vst v63  }
0x153: {  	s1 =	simm.s32 $0x8000  }
0x154: {  	[tilespmem:s1], [sflag:$0x1] =	stream.indirect_vreg.gather [hbm4b:s0+s2], $0x80, v2, vm0, $0xb8;
	[tilespmem:$0x19800] =	vst v63  }
0x155: {  	s1 =	simm.s32 $0x8800  }
0x156: {  	[tilespmem:s1], [sflag:$0x1] =	stream.indirect_vreg.gather [hbm4b:s19+s2], $0x80, v2, vm0, $0xb8;
	[tilespmem:$0x19800] =	vst v63  }
0x157: {  	s1 =	simm.s32 $0x9000  }
0x158: {  	[tilespmem:s1], [sflag:$0x1] =	stream.indirect_vreg.gather [hbm4b:s20+s2], $0x80, v2, vm0, $0xb8;
	[tilespmem:$0x19800] =	vst v63  }
0x159: {  	s1 =	simm.s32 $0x9800  }
0x15a: {  	[tilespmem:s1], [sflag:$0x1] =	stream.indirect_vreg.gather [hbm4b:s21+s2], $0x80, v2, vm0, $0xb8;
	[tilespmem:$0x19800] =	vst v63  }
0x15b: {  	s1 =	simm.s32 $0xA000  }
0x15c: {  	[tilespmem:s1], [sflag:$0x1] =	stream.indirect_vreg.gather [hbm4b:s22+s2], $0x80, v2, vm0, $0xb8;
	[tilespmem:$0x19800] =	vst v63  }
0x15d: {  	s1 =	simm.s32 $0xA800  }
0x15e: {  	[tilespmem:s1], [sflag:$0x1] =	stream.indirect_vreg.gather [hbm4b:s23+s2], $0x80, v2, vm0, $0xb8;
	[tilespmem:$0x19800] =	vst v63  }
0x15f: {  	s1 =	simm.s32 $0xB000  }
0x160: {  	[tilespmem:s1], [sflag:$0x1] =	stream.indirect_vreg.gather [hbm4b:s24+s2], $0x80, v2, vm0, $0xb8;
	[tilespmem:$0x19800] =	vst v63  }
0x161: {  	s1 =	simm.s32 $0xB800  }
0x162: {  	[tilespmem:s1], [sflag:$0x1] =	stream.indirect_vreg.gather [hbm4b:s25+s2], $0x80, v2, vm0, $0xb8;
	[tilespmem:$0x19800] =	vst v63  }
0x163: {  	s1 =	simm.s32 $0xC000  }
0x164: {  	[tilespmem:s1], [sflag:$0x1] =	stream.indirect_vreg.gather [hbm4b:s26+s2], $0x80, v2, vm0, $0xb8;
	[tilespmem:$0x19800] =	vst v63  }
0x165: {  	s1 =	simm.s32 $0xC800  }
0x166: {  	[tilespmem:s1], [sflag:$0x1] =	stream.indirect_vreg.gather [hbm4b:s28+s2], $0x80, v2, vm0, $0xb8;
	[tilespmem:$0x19800] =	vst v63  }
0x167: {  	_ =	swait.ge [sflag:s30], $0xC800  }
0x168: {  	[sflag:s30] =	ssyncset.done $0x0  }
0x169: {  	s31 =	simm.s32 $0x800;
	s1 =	rddreg [dreg:$0x7];
	[sflag:s30] =	ssyncadd.s32 $0xFFFF3800  }
0x16a: {  	[hbm4b:s1+s2] =	stream.linear.scatter [tilespmem:s31], [sflag:$0x3], $0xC800, $0x38;
	[tilespmem:$0x19800] =	vst v63  }
0x16b: {  	_ =	swait.ge [sflag:s3], $0xC800  }
0x16c: {  	[sflag:s3] =	ssyncset.done $0x0  }
0x16d: {  	[sflag:s3] =	ssyncadd.s32 $0xFFFF3800  }
0x16e: {  	v2 =	vld.msk [tilespmem:$0x280], $0xff;
	_ =	sdelay $0x4  }
0x16f: {  	v3 =	vshrl.u32 v2, $0x3  }
0x170: {  	v3 =	vmul.u32 $0x190, v3  }
0x171: {  	v2 =	vand.u32 $0x7, v2  }
0x172: {  	v2 =	vor.u32 v2, v3  }
0x173: {  	v2 =	vperm.xlane v2, v0;
	_ =	sdelay $0x1  }
0x174: {  	v2 =	vadd.s32 v1, v2;
	_ =	sdelay $0x3  }
0x175: {  	s31 =	simm.s32 $0xD000  }
0x176: {  	[tilespmem:s31], [sflag:$0x2] =	stream.indirect_vreg.gather [hbm4b:s4+s2], $0x80, v2, vm0, $0xb8;
	[tilespmem:$0x19800] =	vst v63  }
0x177: {  	s31 =	simm.s32 $0xD800  }
0x178: {  	[tilespmem:s31], [sflag:$0x2] =	stream.indirect_vreg.gather [hbm4b:s5+s2], $0x80, v2, vm0, $0xb8;
	[tilespmem:$0x19800] =	vst v63  }
0x179: {  	s31 =	simm.s32 $0xE000  }
0x17a: {  	[tilespmem:s31], [sflag:$0x2] =	stream.indirect_vreg.gather [hbm4b:s6+s2], $0x80, v2, vm0, $0xb8;
	[tilespmem:$0x19800] =	vst v63  }
0x17b: {  	s31 =	simm.s32 $0xE800  }
0x17c: {  	[tilespmem:s31], [sflag:$0x2] =	stream.indirect_vreg.gather [hbm4b:s7+s2], $0x80, v2, vm0, $0xb8;
	[tilespmem:$0x19800] =	vst v63  }
0x17d: {  	s31 =	simm.s32 $0xF000  }
0x17e: {  	[tilespmem:s31], [sflag:$0x2] =	stream.indirect_vreg.gather [hbm4b:s8+s2], $0x80, v2, vm0, $0xb8;
	[tilespmem:$0x19800] =	vst v63  }
0x17f: {  	s31 =	simm.s32 $0xF800  }
0x180: {  	[tilespmem:s31], [sflag:$0x2] =	stream.indirect_vreg.gather [hbm4b:s9+s2], $0x80, v2, vm0, $0xb8;
	[tilespmem:$0x19800] =	vst v63  }
0x181: {  	s31 =	simm.s32 $0x10000  }
0x182: {  	[tilespmem:s31], [sflag:$0x2] =	stream.indirect_vreg.gather [hbm4b:s10+s2], $0x80, v2, vm0, $0xb8;
	[tilespmem:$0x19800] =	vst v63  }
0x183: {  	s31 =	simm.s32 $0x10800  }
0x184: {  	[tilespmem:s31], [sflag:$0x2] =	stream.indirect_vreg.gather [hbm4b:s11+s2], $0x80, v2, vm0, $0xb8;
	[tilespmem:$0x19800] =	vst v63  }
0x185: {  	s31 =	simm.s32 $0x11000  }
0x186: {  	[tilespmem:s31], [sflag:$0x2] =	stream.indirect_vreg.gather [hbm4b:s12+s2], $0x80, v2, vm0, $0xb8;
	[tilespmem:$0x19800] =	vst v63  }
0x187: {  	s31 =	simm.s32 $0x11800  }
0x188: {  	[tilespmem:s31], [sflag:$0x2] =	stream.indirect_vreg.gather [hbm4b:s13+s2], $0x80, v2, vm0, $0xb8;
	[tilespmem:$0x19800] =	vst v63  }
0x189: {  	s31 =	simm.s32 $0x12000  }
0x18a: {  	[tilespmem:s31], [sflag:$0x2] =	stream.indirect_vreg.gather [hbm4b:s14+s2], $0x80, v2, vm0, $0xb8;
	[tilespmem:$0x19800] =	vst v63  }
0x18b: {  	s31 =	simm.s32 $0x12800  }
0x18c: {  	[tilespmem:s31], [sflag:$0x2] =	stream.indirect_vreg.gather [hbm4b:s15+s2], $0x80, v2, vm0, $0xb8;
	[tilespmem:$0x19800] =	vst v63  }
0x18d: {  	s31 =	simm.s32 $0x13000  }
0x18e: {  	[tilespmem:s31], [sflag:$0x2] =	stream.indirect_vreg.gather [hbm4b:s16+s2], $0x80, v2, vm0, $0xb8;
	[tilespmem:$0x19800] =	vst v63  }
0x18f: {  	s31 =	simm.s32 $0x13800  }
0x190: {  	[tilespmem:s31], [sflag:$0x2] =	stream.indirect_vreg.gather [hbm4b:s17+s2], $0x80, v2, vm0, $0xb8;
	[tilespmem:$0x19800] =	vst v63  }
0x191: {  	s31 =	simm.s32 $0x14000  }
0x192: {  	[tilespmem:s31], [sflag:$0x2] =	stream.indirect_vreg.gather [hbm4b:s18+s2], $0x80, v2, vm0, $0xb8;
	[tilespmem:$0x19800] =	vst v63  }
0x193: {  	s31 =	simm.s32 $0x14800  }
0x194: {  	[tilespmem:s31], [sflag:$0x2] =	stream.indirect_vreg.gather [hbm4b:s0+s2], $0x80, v2, vm0, $0xb8;
	[tilespmem:$0x19800] =	vst v63  }
0x195: {  	s31 =	simm.s32 $0x15000  }
0x196: {  	[tilespmem:s31], [sflag:$0x2] =	stream.indirect_vreg.gather [hbm4b:s19+s2], $0x80, v2, vm0, $0xb8;
	[tilespmem:$0x19800] =	vst v63  }
0x197: {  	s31 =	simm.s32 $0x15800  }
0x198: {  	[tilespmem:s31], [sflag:$0x2] =	stream.indirect_vreg.gather [hbm4b:s20+s2], $0x80, v2, vm0, $0xb8;
	[tilespmem:$0x19800] =	vst v63  }
0x199: {  	s31 =	simm.s32 $0x16000  }
0x19a: {  	[tilespmem:s31], [sflag:$0x2] =	stream.indirect_vreg.gather [hbm4b:s21+s2], $0x80, v2, vm0, $0xb8;
	[tilespmem:$0x19800] =	vst v63  }
0x19b: {  	s31 =	simm.s32 $0x16800  }
0x19c: {  	[tilespmem:s31], [sflag:$0x2] =	stream.indirect_vreg.gather [hbm4b:s22+s2], $0x80, v2, vm0, $0xb8;
	[tilespmem:$0x19800] =	vst v63  }
0x19d: {  	s31 =	simm.s32 $0x17000  }
0x19e: {  	[tilespmem:s31], [sflag:$0x2] =	stream.indirect_vreg.gather [hbm4b:s23+s2], $0x80, v2, vm0, $0xb8;
	[tilespmem:$0x19800] =	vst v63  }
0x19f: {  	s31 =	simm.s32 $0x17800  }
0x1a0: {  	[tilespmem:s31], [sflag:$0x2] =	stream.indirect_vreg.gather [hbm4b:s24+s2], $0x80, v2, vm0, $0xb8;
	[tilespmem:$0x19800] =	vst v63  }
0x1a1: {  	s31 =	simm.s32 $0x18000  }
0x1a2: {  	[tilespmem:s31], [sflag:$0x2] =	stream.indirect_vreg.gather [hbm4b:s25+s2], $0x80, v2, vm0, $0xb8;
	[tilespmem:$0x19800] =	vst v63  }
0x1a3: {  	s31 =	simm.s32 $0x18800  }
0x1a4: {  	[tilespmem:s31], [sflag:$0x2] =	stream.indirect_vreg.gather [hbm4b:s26+s2], $0x80, v2, vm0, $0xb8;
	[tilespmem:$0x19800] =	vst v63  }
0x1a5: {  	s31 =	simm.s32 $0x19000  }
0x1a6: {  	[tilespmem:s31], [sflag:$0x2] =	stream.indirect_vreg.gather [hbm4b:s28+s2], $0x80, v2, vm0, $0xb8;
	[tilespmem:$0x19800] =	vst v63  }
0x1a7: {  	s31 =	simm.s32 $0x2  }
0x1a8: {  	_ =	swait.ge [sflag:s31], $0xC800  }
0x1a9: {  	[sflag:s31] =	ssyncset.done $0x0  }
0x1aa: {  	s1 =	rddreg [dreg:$0x8];
	[sflag:s31] =	ssyncadd.s32 $0xFFFF3800;
	s31 =	simm.s32 $0xD000  }
0x1ab: {  	[hbm4b:s1+s2] =	stream.linear.scatter [tilespmem:s31], [sflag:$0x4], $0xC800, $0x38;
	[tilespmem:$0x19800] =	vst v63  }
0x1ac: {  	_ =	swait.ge [sflag:s29], $0xC800  }
0x1ad: {  	[sflag:s29] =	ssyncset.done $0x0  }
0x1ae: {  	[sflag:s29] =	ssyncadd.s32 $0xFFFF3800  }
0x1af: {  	v2 =	vld.msk [tilespmem:$0x300], $0xff;
	_ =	sdelay $0x4  }
0x1b0: {  	v3 =	vshrl.u32 v2, $0x3  }
0x1b1: {  	v3 =	vmul.u32 $0x190, v3  }
0x1b2: {  	v2 =	vand.u32 $0x7, v2  }
0x1b3: {  	v2 =	vor.u32 v2, v3  }
0x1b4: {  	v2 =	vperm.xlane v2, v0;
	_ =	sdelay $0x1  }
0x1b5: {  	v2 =	vadd.s32 v1, v2;
	_ =	sdelay $0x3  }
0x1b6: {  	s31 =	simm.s32 $0x800  }
0x1b7: {  	[tilespmem:s31], [sflag:$0x1] =	stream.indirect_vreg.gather [hbm4b:s4+s2], $0x80, v2, vm0, $0xb8;
	[tilespmem:$0x19800] =	vst v63  }
0x1b8: {  	s31 =	simm.s32 $0x1000  }
0x1b9: {  	[tilespmem:s31], [sflag:$0x1] =	stream.indirect_vreg.gather [hbm4b:s5+s2], $0x80, v2, vm0, $0xb8;
	[tilespmem:$0x19800] =	vst v63  }
0x1ba: {  	s31 =	simm.s32 $0x1800  }
0x1bb: {  	[tilespmem:s31], [sflag:$0x1] =	stream.indirect_vreg.gather [hbm4b:s6+s2], $0x80, v2, vm0, $0xb8;
	[tilespmem:$0x19800] =	vst v63  }
0x1bc: {  	s31 =	simm.s32 $0x2000  }
0x1bd: {  	[tilespmem:s31], [sflag:$0x1] =	stream.indirect_vreg.gather [hbm4b:s7+s2], $0x80, v2, vm0, $0xb8;
	[tilespmem:$0x19800] =	vst v63  }
0x1be: {  	s31 =	simm.s32 $0x2800  }
0x1bf: {  	[tilespmem:s31], [sflag:$0x1] =	stream.indirect_vreg.gather [hbm4b:s8+s2], $0x80, v2, vm0, $0xb8;
	[tilespmem:$0x19800] =	vst v63  }
0x1c0: {  	s31 =	simm.s32 $0x3000  }
0x1c1: {  	[tilespmem:s31], [sflag:$0x1] =	stream.indirect_vreg.gather [hbm4b:s9+s2], $0x80, v2, vm0, $0xb8;
	[tilespmem:$0x19800] =	vst v63  }
0x1c2: {  	s31 =	simm.s32 $0x3800  }
0x1c3: {  	[tilespmem:s31], [sflag:$0x1] =	stream.indirect_vreg.gather [hbm4b:s10+s2], $0x80, v2, vm0, $0xb8;
	[tilespmem:$0x19800] =	vst v63  }
0x1c4: {  	s31 =	simm.s32 $0x4000  }
0x1c5: {  	[tilespmem:s31], [sflag:$0x1] =	stream.indirect_vreg.gather [hbm4b:s11+s2], $0x80, v2, vm0, $0xb8;
	[tilespmem:$0x19800] =	vst v63  }
0x1c6: {  	s31 =	simm.s32 $0x4800  }
0x1c7: {  	[tilespmem:s31], [sflag:$0x1] =	stream.indirect_vreg.gather [hbm4b:s12+s2], $0x80, v2, vm0, $0xb8;
	[tilespmem:$0x19800] =	vst v63  }
0x1c8: {  	s31 =	simm.s32 $0x5000  }
0x1c9: {  	[tilespmem:s31], [sflag:$0x1] =	stream.indirect_vreg.gather [hbm4b:s13+s2], $0x80, v2, vm0, $0xb8;
	[tilespmem:$0x19800] =	vst v63  }
0x1ca: {  	s31 =	simm.s32 $0x5800  }
0x1cb: {  	[tilespmem:s31], [sflag:$0x1] =	stream.indirect_vreg.gather [hbm4b:s14+s2], $0x80, v2, vm0, $0xb8;
	[tilespmem:$0x19800] =	vst v63  }
0x1cc: {  	s31 =	simm.s32 $0x6000  }
0x1cd: {  	[tilespmem:s31], [sflag:$0x1] =	stream.indirect_vreg.gather [hbm4b:s15+s2], $0x80, v2, vm0, $0xb8;
	[tilespmem:$0x19800] =	vst v63  }
0x1ce: {  	s31 =	simm.s32 $0x6800  }
0x1cf: {  	[tilespmem:s31], [sflag:$0x1] =	stream.indirect_vreg.gather [hbm4b:s16+s2], $0x80, v2, vm0, $0xb8;
	[tilespmem:$0x19800] =	vst v63  }
0x1d0: {  	s31 =	simm.s32 $0x7000  }
0x1d1: {  	[tilespmem:s31], [sflag:$0x1] =	stream.indirect_vreg.gather [hbm4b:s17+s2], $0x80, v2, vm0, $0xb8;
	[tilespmem:$0x19800] =	vst v63  }
0x1d2: {  	s31 =	simm.s32 $0x7800  }
0x1d3: {  	[tilespmem:s31], [sflag:$0x1] =	stream.indirect_vreg.gather [hbm4b:s18+s2], $0x80, v2, vm0, $0xb8;
	[tilespmem:$0x19800] =	vst v63  }
0x1d4: {  	s31 =	simm.s32 $0x8000  }
0x1d5: {  	[tilespmem:s31], [sflag:$0x1] =	stream.indirect_vreg.gather [hbm4b:s0+s2], $0x80, v2, vm0, $0xb8;
	[tilespmem:$0x19800] =	vst v63  }
0x1d6: {  	s31 =	simm.s32 $0x8800  }
0x1d7: {  	[tilespmem:s31], [sflag:$0x1] =	stream.indirect_vreg.gather [hbm4b:s19+s2], $0x80, v2, vm0, $0xb8;
	[tilespmem:$0x19800] =	vst v63  }
0x1d8: {  	s31 =	simm.s32 $0x9000  }
0x1d9: {  	[tilespmem:s31], [sflag:$0x1] =	stream.indirect_vreg.gather [hbm4b:s20+s2], $0x80, v2, vm0, $0xb8;
	[tilespmem:$0x19800] =	vst v63  }
0x1da: {  	s31 =	simm.s32 $0x9800  }
0x1db: {  	[tilespmem:s31], [sflag:$0x1] =	stream.indirect_vreg.gather [hbm4b:s21+s2], $0x80, v2, vm0, $0xb8;
	[tilespmem:$0x19800] =	vst v63  }
0x1dc: {  	s31 =	simm.s32 $0xA000  }
0x1dd: {  	[tilespmem:s31], [sflag:$0x1] =	stream.indirect_vreg.gather [hbm4b:s22+s2], $0x80, v2, vm0, $0xb8;
	[tilespmem:$0x19800] =	vst v63  }
0x1de: {  	s31 =	simm.s32 $0xA800  }
0x1df: {  	[tilespmem:s31], [sflag:$0x1] =	stream.indirect_vreg.gather [hbm4b:s23+s2], $0x80, v2, vm0, $0xb8;
	[tilespmem:$0x19800] =	vst v63  }
0x1e0: {  	s31 =	simm.s32 $0xB000  }
0x1e1: {  	[tilespmem:s31], [sflag:$0x1] =	stream.indirect_vreg.gather [hbm4b:s24+s2], $0x80, v2, vm0, $0xb8;
	[tilespmem:$0x19800] =	vst v63  }
0x1e2: {  	s31 =	simm.s32 $0xB800  }
0x1e3: {  	[tilespmem:s31], [sflag:$0x1] =	stream.indirect_vreg.gather [hbm4b:s25+s2], $0x80, v2, vm0, $0xb8;
	[tilespmem:$0x19800] =	vst v63  }
0x1e4: {  	s31 =	simm.s32 $0xC000  }
0x1e5: {  	[tilespmem:s31], [sflag:$0x1] =	stream.indirect_vreg.gather [hbm4b:s26+s2], $0x80, v2, vm0, $0xb8;
	[tilespmem:$0x19800] =	vst v63  }
0x1e6: {  	s31 =	simm.s32 $0xC800  }
0x1e7: {  	[tilespmem:s31], [sflag:$0x1] =	stream.indirect_vreg.gather [hbm4b:s28+s2], $0x80, v2, vm0, $0xb8;
	[tilespmem:$0x19800] =	vst v63  }
0x1e8: {  	_ =	swait.ge [sflag:s30], $0xC800  }
0x1e9: {  	[sflag:s30] =	ssyncset.done $0x0  }
0x1ea: {  	s31 =	simm.s32 $0x800;
	s1 =	rddreg [dreg:$0x9];
	[sflag:s30] =	ssyncadd.s32 $0xFFFF3800  }
0x1eb: {  	[hbm4b:s1+s2] =	stream.linear.scatter [tilespmem:s31], [sflag:$0x3], $0xC800, $0x38;
	[tilespmem:$0x19800] =	vst v63  }
0x1ec: {  	_ =	swait.ge [sflag:s3], $0xC800  }
0x1ed: {  	[sflag:s3] =	ssyncset.done $0x0  }
0x1ee: {  	[sflag:s3] =	ssyncadd.s32 $0xFFFF3800  }
0x1ef: {  	v2 =	vld.msk [tilespmem:$0x380], $0xff;
	_ =	sdelay $0x4  }
0x1f0: {  	v3 =	vshrl.u32 v2, $0x3  }
0x1f1: {  	v3 =	vmul.u32 $0x190, v3  }
0x1f2: {  	v2 =	vand.u32 $0x7, v2  }
0x1f3: {  	v2 =	vor.u32 v2, v3  }
0x1f4: {  	v2 =	vperm.xlane v2, v0;
	_ =	sdelay $0x1  }
0x1f5: {  	v2 =	vadd.s32 v1, v2;
	_ =	sdelay $0x3  }
0x1f6: {  	s31 =	simm.s32 $0xD000  }
0x1f7: {  	[tilespmem:s31], [sflag:$0x2] =	stream.indirect_vreg.gather [hbm4b:s4+s2], $0x80, v2, vm0, $0xb8;
	[tilespmem:$0x19800] =	vst v63  }
0x1f8: {  	s31 =	simm.s32 $0xD800  }
0x1f9: {  	[tilespmem:s31], [sflag:$0x2] =	stream.indirect_vreg.gather [hbm4b:s5+s2], $0x80, v2, vm0, $0xb8;
	[tilespmem:$0x19800] =	vst v63  }
0x1fa: {  	s31 =	simm.s32 $0xE000  }
0x1fb: {  	[tilespmem:s31], [sflag:$0x2] =	stream.indirect_vreg.gather [hbm4b:s6+s2], $0x80, v2, vm0, $0xb8;
	[tilespmem:$0x19800] =	vst v63  }
0x1fc: {  	s31 =	simm.s32 $0xE800  }
0x1fd: {  	[tilespmem:s31], [sflag:$0x2] =	stream.indirect_vreg.gather [hbm4b:s7+s2], $0x80, v2, vm0, $0xb8;
	[tilespmem:$0x19800] =	vst v63  }
0x1fe: {  	s31 =	simm.s32 $0xF000  }
0x1ff: {  	[tilespmem:s31], [sflag:$0x2] =	stream.indirect_vreg.gather [hbm4b:s8+s2], $0x80, v2, vm0, $0xb8;
	[tilespmem:$0x19800] =	vst v63  }
0x200: {  	s31 =	simm.s32 $0xF800  }
0x201: {  	[tilespmem:s31], [sflag:$0x2] =	stream.indirect_vreg.gather [hbm4b:s9+s2], $0x80, v2, vm0, $0xb8;
	[tilespmem:$0x19800] =	vst v63  }
0x202: {  	s31 =	simm.s32 $0x10000  }
0x203: {  	[tilespmem:s31], [sflag:$0x2] =	stream.indirect_vreg.gather [hbm4b:s10+s2], $0x80, v2, vm0, $0xb8;
	[tilespmem:$0x19800] =	vst v63  }
0x204: {  	s31 =	simm.s32 $0x10800  }
0x205: {  	[tilespmem:s31], [sflag:$0x2] =	stream.indirect_vreg.gather [hbm4b:s11+s2], $0x80, v2, vm0, $0xb8;
	[tilespmem:$0x19800] =	vst v63  }
0x206: {  	s31 =	simm.s32 $0x11000  }
0x207: {  	[tilespmem:s31], [sflag:$0x2] =	stream.indirect_vreg.gather [hbm4b:s12+s2], $0x80, v2, vm0, $0xb8;
	[tilespmem:$0x19800] =	vst v63  }
0x208: {  	s31 =	simm.s32 $0x11800  }
0x209: {  	[tilespmem:s31], [sflag:$0x2] =	stream.indirect_vreg.gather [hbm4b:s13+s2], $0x80, v2, vm0, $0xb8;
	[tilespmem:$0x19800] =	vst v63  }
0x20a: {  	s31 =	simm.s32 $0x12000  }
0x20b: {  	[tilespmem:s31], [sflag:$0x2] =	stream.indirect_vreg.gather [hbm4b:s14+s2], $0x80, v2, vm0, $0xb8;
	[tilespmem:$0x19800] =	vst v63  }
0x20c: {  	s31 =	simm.s32 $0x12800  }
0x20d: {  	[tilespmem:s31], [sflag:$0x2] =	stream.indirect_vreg.gather [hbm4b:s15+s2], $0x80, v2, vm0, $0xb8;
	[tilespmem:$0x19800] =	vst v63  }
0x20e: {  	s31 =	simm.s32 $0x13000  }
0x20f: {  	[tilespmem:s31], [sflag:$0x2] =	stream.indirect_vreg.gather [hbm4b:s16+s2], $0x80, v2, vm0, $0xb8;
	[tilespmem:$0x19800] =	vst v63  }
0x210: {  	s31 =	simm.s32 $0x13800  }
0x211: {  	[tilespmem:s31], [sflag:$0x2] =	stream.indirect_vreg.gather [hbm4b:s17+s2], $0x80, v2, vm0, $0xb8;
	[tilespmem:$0x19800] =	vst v63  }
0x212: {  	s31 =	simm.s32 $0x14000  }
0x213: {  	[tilespmem:s31], [sflag:$0x2] =	stream.indirect_vreg.gather [hbm4b:s18+s2], $0x80, v2, vm0, $0xb8;
	[tilespmem:$0x19800] =	vst v63  }
0x214: {  	s31 =	simm.s32 $0x14800  }
0x215: {  	[tilespmem:s31], [sflag:$0x2] =	stream.indirect_vreg.gather [hbm4b:s0+s2], $0x80, v2, vm0, $0xb8;
	[tilespmem:$0x19800] =	vst v63  }
0x216: {  	s31 =	simm.s32 $0x15000  }
0x217: {  	[tilespmem:s31], [sflag:$0x2] =	stream.indirect_vreg.gather [hbm4b:s19+s2], $0x80, v2, vm0, $0xb8;
	[tilespmem:$0x19800] =	vst v63  }
0x218: {  	s31 =	simm.s32 $0x15800  }
0x219: {  	[tilespmem:s31], [sflag:$0x2] =	stream.indirect_vreg.gather [hbm4b:s20+s2], $0x80, v2, vm0, $0xb8;
	[tilespmem:$0x19800] =	vst v63  }
0x21a: {  	s31 =	simm.s32 $0x16000  }
0x21b: {  	[tilespmem:s31], [sflag:$0x2] =	stream.indirect_vreg.gather [hbm4b:s21+s2], $0x80, v2, vm0, $0xb8;
	[tilespmem:$0x19800] =	vst v63  }
0x21c: {  	s31 =	simm.s32 $0x16800  }
0x21d: {  	[tilespmem:s31], [sflag:$0x2] =	stream.indirect_vreg.gather [hbm4b:s22+s2], $0x80, v2, vm0, $0xb8;
	[tilespmem:$0x19800] =	vst v63  }
0x21e: {  	s31 =	simm.s32 $0x17000  }
0x21f: {  	[tilespmem:s31], [sflag:$0x2] =	stream.indirect_vreg.gather [hbm4b:s23+s2], $0x80, v2, vm0, $0xb8;
	[tilespmem:$0x19800] =	vst v63  }
0x220: {  	s31 =	simm.s32 $0x17800  }
0x221: {  	[tilespmem:s31], [sflag:$0x2] =	stream.indirect_vreg.gather [hbm4b:s24+s2], $0x80, v2, vm0, $0xb8;
	[tilespmem:$0x19800] =	vst v63  }
0x222: {  	s31 =	simm.s32 $0x18000  }
0x223: {  	[tilespmem:s31], [sflag:$0x2] =	stream.indirect_vreg.gather [hbm4b:s25+s2], $0x80, v2, vm0, $0xb8;
	[tilespmem:$0x19800] =	vst v63  }
0x224: {  	s31 =	simm.s32 $0x18800  }
0x225: {  	[tilespmem:s31], [sflag:$0x2] =	stream.indirect_vreg.gather [hbm4b:s26+s2], $0x80, v2, vm0, $0xb8;
	[tilespmem:$0x19800] =	vst v63  }
0x226: {  	s31 =	simm.s32 $0x19000  }
0x227: {  	[tilespmem:s31], [sflag:$0x2] =	stream.indirect_vreg.gather [hbm4b:s28+s2], $0x80, v2, vm0, $0xb8;
	[tilespmem:$0x19800] =	vst v63  }
0x228: {  	s31 =	simm.s32 $0x2  }
0x229: {  	_ =	swait.ge [sflag:s31], $0xC800  }
0x22a: {  	[sflag:s31] =	ssyncset.done $0x0  }
0x22b: {  	s1 =	rddreg [dreg:$0xa];
	[sflag:s31] =	ssyncadd.s32 $0xFFFF3800;
	s31 =	simm.s32 $0xD000  }
0x22c: {  	[hbm4b:s1+s2] =	stream.linear.scatter [tilespmem:s31], [sflag:$0x4], $0xC800, $0x38;
	[tilespmem:$0x19800] =	vst v63  }
0x22d: {  	_ =	swait.ge [sflag:s29], $0xC800  }
0x22e: {  	[sflag:s29] =	ssyncset.done $0x0  }
0x22f: {  	[sflag:s29] =	ssyncadd.s32 $0xFFFF3800  }
0x230: {  	v2 =	vld.msk [tilespmem:$0x400], $0xff;
	_ =	sdelay $0x4  }
0x231: {  	v3 =	vshrl.u32 v2, $0x3  }
0x232: {  	v3 =	vmul.u32 $0x190, v3  }
0x233: {  	v2 =	vand.u32 $0x7, v2  }
0x234: {  	v2 =	vor.u32 v2, v3  }
0x235: {  	v2 =	vperm.xlane v2, v0;
	_ =	sdelay $0x1  }
0x236: {  	v2 =	vadd.s32 v1, v2;
	_ =	sdelay $0x3  }
0x237: {  	s31 =	simm.s32 $0x800  }
0x238: {  	[tilespmem:s31], [sflag:$0x1] =	stream.indirect_vreg.gather [hbm4b:s4+s2], $0x80, v2, vm0, $0xb8;
	[tilespmem:$0x19800] =	vst v63  }
0x239: {  	s1 =	simm.s32 $0x1000  }
0x23a: {  	[tilespmem:s1], [sflag:$0x1] =	stream.indirect_vreg.gather [hbm4b:s5+s2], $0x80, v2, vm0, $0xb8;
	[tilespmem:$0x19800] =	vst v63  }
0x23b: {  	s1 =	simm.s32 $0x1800  }
0x23c: {  	[tilespmem:s1], [sflag:$0x1] =	stream.indirect_vreg.gather [hbm4b:s6+s2], $0x80, v2, vm0, $0xb8;
	[tilespmem:$0x19800] =	vst v63  }
0x23d: {  	s1 =	simm.s32 $0x2000  }
0x23e: {  	[tilespmem:s1], [sflag:$0x1] =	stream.indirect_vreg.gather [hbm4b:s7+s2], $0x80, v2, vm0, $0xb8;
	[tilespmem:$0x19800] =	vst v63  }
0x23f: {  	s1 =	simm.s32 $0x2800  }
0x240: {  	[tilespmem:s1], [sflag:$0x1] =	stream.indirect_vreg.gather [hbm4b:s8+s2], $0x80, v2, vm0, $0xb8;
	[tilespmem:$0x19800] =	vst v63  }
0x241: {  	s1 =	simm.s32 $0x3000  }
0x242: {  	[tilespmem:s1], [sflag:$0x1] =	stream.indirect_vreg.gather [hbm4b:s9+s2], $0x80, v2, vm0, $0xb8;
	[tilespmem:$0x19800] =	vst v63  }
0x243: {  	s1 =	simm.s32 $0x3800  }
0x244: {  	[tilespmem:s1], [sflag:$0x1] =	stream.indirect_vreg.gather [hbm4b:s10+s2], $0x80, v2, vm0, $0xb8;
	[tilespmem:$0x19800] =	vst v63  }
0x245: {  	s1 =	simm.s32 $0x4000  }
0x246: {  	[tilespmem:s1], [sflag:$0x1] =	stream.indirect_vreg.gather [hbm4b:s11+s2], $0x80, v2, vm0, $0xb8;
	[tilespmem:$0x19800] =	vst v63  }
0x247: {  	s1 =	simm.s32 $0x4800  }
0x248: {  	[tilespmem:s1], [sflag:$0x1] =	stream.indirect_vreg.gather [hbm4b:s12+s2], $0x80, v2, vm0, $0xb8;
	[tilespmem:$0x19800] =	vst v63  }
0x249: {  	s1 =	simm.s32 $0x5000  }
0x24a: {  	[tilespmem:s1], [sflag:$0x1] =	stream.indirect_vreg.gather [hbm4b:s13+s2], $0x80, v2, vm0, $0xb8;
	[tilespmem:$0x19800] =	vst v63  }
0x24b: {  	s1 =	simm.s32 $0x5800  }
0x24c: {  	[tilespmem:s1], [sflag:$0x1] =	stream.indirect_vreg.gather [hbm4b:s14+s2], $0x80, v2, vm0, $0xb8;
	[tilespmem:$0x19800] =	vst v63  }
0x24d: {  	s1 =	simm.s32 $0x6000  }
0x24e: {  	[tilespmem:s1], [sflag:$0x1] =	stream.indirect_vreg.gather [hbm4b:s15+s2], $0x80, v2, vm0, $0xb8;
	[tilespmem:$0x19800] =	vst v63  }
0x24f: {  	s1 =	simm.s32 $0x6800  }
0x250: {  	[tilespmem:s1], [sflag:$0x1] =	stream.indirect_vreg.gather [hbm4b:s16+s2], $0x80, v2, vm0, $0xb8;
	[tilespmem:$0x19800] =	vst v63  }
0x251: {  	s1 =	simm.s32 $0x7000  }
0x252: {  	[tilespmem:s1], [sflag:$0x1] =	stream.indirect_vreg.gather [hbm4b:s17+s2], $0x80, v2, vm0, $0xb8;
	[tilespmem:$0x19800] =	vst v63  }
0x253: {  	s1 =	simm.s32 $0x7800  }
0x254: {  	[tilespmem:s1], [sflag:$0x1] =	stream.indirect_vreg.gather [hbm4b:s18+s2], $0x80, v2, vm0, $0xb8;
	[tilespmem:$0x19800] =	vst v63  }
0x255: {  	s1 =	simm.s32 $0x8000  }
0x256: {  	[tilespmem:s1], [sflag:$0x1] =	stream.indirect_vreg.gather [hbm4b:s0+s2], $0x80, v2, vm0, $0xb8;
	[tilespmem:$0x19800] =	vst v63  }
0x257: {  	s1 =	simm.s32 $0x8800  }
0x258: {  	[tilespmem:s1], [sflag:$0x1] =	stream.indirect_vreg.gather [hbm4b:s19+s2], $0x80, v2, vm0, $0xb8;
	[tilespmem:$0x19800] =	vst v63  }
0x259: {  	s1 =	simm.s32 $0x9000  }
0x25a: {  	[tilespmem:s1], [sflag:$0x1] =	stream.indirect_vreg.gather [hbm4b:s20+s2], $0x80, v2, vm0, $0xb8;
	[tilespmem:$0x19800] =	vst v63  }
0x25b: {  	s1 =	simm.s32 $0x9800  }
0x25c: {  	[tilespmem:s1], [sflag:$0x1] =	stream.indirect_vreg.gather [hbm4b:s21+s2], $0x80, v2, vm0, $0xb8;
	[tilespmem:$0x19800] =	vst v63  }
0x25d: {  	s1 =	simm.s32 $0xA000  }
0x25e: {  	[tilespmem:s1], [sflag:$0x1] =	stream.indirect_vreg.gather [hbm4b:s22+s2], $0x80, v2, vm0, $0xb8;
	[tilespmem:$0x19800] =	vst v63  }
0x25f: {  	s1 =	simm.s32 $0xA800  }
0x260: {  	[tilespmem:s1], [sflag:$0x1] =	stream.indirect_vreg.gather [hbm4b:s23+s2], $0x80, v2, vm0, $0xb8;
	[tilespmem:$0x19800] =	vst v63  }
0x261: {  	s1 =	simm.s32 $0xB000  }
0x262: {  	[tilespmem:s1], [sflag:$0x1] =	stream.indirect_vreg.gather [hbm4b:s24+s2], $0x80, v2, vm0, $0xb8;
	[tilespmem:$0x19800] =	vst v63  }
0x263: {  	s1 =	simm.s32 $0xB800  }
0x264: {  	[tilespmem:s1], [sflag:$0x1] =	stream.indirect_vreg.gather [hbm4b:s25+s2], $0x80, v2, vm0, $0xb8;
	[tilespmem:$0x19800] =	vst v63  }
0x265: {  	s1 =	simm.s32 $0xC000  }
0x266: {  	[tilespmem:s1], [sflag:$0x1] =	stream.indirect_vreg.gather [hbm4b:s26+s2], $0x80, v2, vm0, $0xb8;
	[tilespmem:$0x19800] =	vst v63  }
0x267: {  	s1 =	simm.s32 $0xC800  }
0x268: {  	[tilespmem:s1], [sflag:$0x1] =	stream.indirect_vreg.gather [hbm4b:s28+s2], $0x80, v2, vm0, $0xb8;
	[tilespmem:$0x19800] =	vst v63  }
0x269: {  	_ =	swait.ge [sflag:s30], $0xC800  }
0x26a: {  	[sflag:s30] =	ssyncset.done $0x0  }
0x26b: {  	s31 =	simm.s32 $0x800;
	s1 =	rddreg [dreg:$0xb];
	[sflag:s30] =	ssyncadd.s32 $0xFFFF3800  }
0x26c: {  	[hbm4b:s1+s2] =	stream.linear.scatter [tilespmem:s31], [sflag:$0x3], $0xC800, $0x38;
	[tilespmem:$0x19800] =	vst v63  }
0x26d: {  	_ =	swait.ge [sflag:s3], $0xC800  }
0x26e: {  	[sflag:s3] =	ssyncset.done $0x0  }
0x26f: {  	[sflag:s3] =	ssyncadd.s32 $0xFFFF3800  }
0x270: {  	v2 =	vld.msk [tilespmem:$0x480], $0xff;
	_ =	sdelay $0x4  }
0x271: {  	v3 =	vshrl.u32 v2, $0x3  }
0x272: {  	v3 =	vmul.u32 $0x190, v3  }
0x273: {  	v2 =	vand.u32 $0x7, v2  }
0x274: {  	v2 =	vor.u32 v2, v3  }
0x275: {  	v2 =	vperm.xlane v2, v0;
	_ =	sdelay $0x1  }
0x276: {  	v2 =	vadd.s32 v1, v2;
	_ =	sdelay $0x3  }
0x277: {  	s31 =	simm.s32 $0xD000  }
0x278: {  	[tilespmem:s31], [sflag:$0x2] =	stream.indirect_vreg.gather [hbm4b:s4+s2], $0x80, v2, vm0, $0xb8;
	[tilespmem:$0x19800] =	vst v63  }
0x279: {  	s31 =	simm.s32 $0xD800  }
0x27a: {  	[tilespmem:s31], [sflag:$0x2] =	stream.indirect_vreg.gather [hbm4b:s5+s2], $0x80, v2, vm0, $0xb8;
	[tilespmem:$0x19800] =	vst v63  }
0x27b: {  	s31 =	simm.s32 $0xE000  }
0x27c: {  	[tilespmem:s31], [sflag:$0x2] =	stream.indirect_vreg.gather [hbm4b:s6+s2], $0x80, v2, vm0, $0xb8;
	[tilespmem:$0x19800] =	vst v63  }
0x27d: {  	s31 =	simm.s32 $0xE800  }
0x27e: {  	[tilespmem:s31], [sflag:$0x2] =	stream.indirect_vreg.gather [hbm4b:s7+s2], $0x80, v2, vm0, $0xb8;
	[tilespmem:$0x19800] =	vst v63  }
0x27f: {  	s31 =	simm.s32 $0xF000  }
0x280: {  	[tilespmem:s31], [sflag:$0x2] =	stream.indirect_vreg.gather [hbm4b:s8+s2], $0x80, v2, vm0, $0xb8;
	[tilespmem:$0x19800] =	vst v63  }
0x281: {  	s31 =	simm.s32 $0xF800  }
0x282: {  	[tilespmem:s31], [sflag:$0x2] =	stream.indirect_vreg.gather [hbm4b:s9+s2], $0x80, v2, vm0, $0xb8;
	[tilespmem:$0x19800] =	vst v63  }
0x283: {  	s31 =	simm.s32 $0x10000  }
0x284: {  	[tilespmem:s31], [sflag:$0x2] =	stream.indirect_vreg.gather [hbm4b:s10+s2], $0x80, v2, vm0, $0xb8;
	[tilespmem:$0x19800] =	vst v63  }
0x285: {  	s31 =	simm.s32 $0x10800  }
0x286: {  	[tilespmem:s31], [sflag:$0x2] =	stream.indirect_vreg.gather [hbm4b:s11+s2], $0x80, v2, vm0, $0xb8;
	[tilespmem:$0x19800] =	vst v63  }
0x287: {  	s31 =	simm.s32 $0x11000  }
0x288: {  	[tilespmem:s31], [sflag:$0x2] =	stream.indirect_vreg.gather [hbm4b:s12+s2], $0x80, v2, vm0, $0xb8;
	[tilespmem:$0x19800] =	vst v63  }
0x289: {  	s31 =	simm.s32 $0x11800  }
0x28a: {  	[tilespmem:s31], [sflag:$0x2] =	stream.indirect_vreg.gather [hbm4b:s13+s2], $0x80, v2, vm0, $0xb8;
	[tilespmem:$0x19800] =	vst v63  }
0x28b: {  	s31 =	simm.s32 $0x12000  }
0x28c: {  	[tilespmem:s31], [sflag:$0x2] =	stream.indirect_vreg.gather [hbm4b:s14+s2], $0x80, v2, vm0, $0xb8;
	[tilespmem:$0x19800] =	vst v63  }
0x28d: {  	s31 =	simm.s32 $0x12800  }
0x28e: {  	[tilespmem:s31], [sflag:$0x2] =	stream.indirect_vreg.gather [hbm4b:s15+s2], $0x80, v2, vm0, $0xb8;
	[tilespmem:$0x19800] =	vst v63  }
0x28f: {  	s31 =	simm.s32 $0x13000  }
0x290: {  	[tilespmem:s31], [sflag:$0x2] =	stream.indirect_vreg.gather [hbm4b:s16+s2], $0x80, v2, vm0, $0xb8;
	[tilespmem:$0x19800] =	vst v63  }
0x291: {  	s31 =	simm.s32 $0x13800  }
0x292: {  	[tilespmem:s31], [sflag:$0x2] =	stream.indirect_vreg.gather [hbm4b:s17+s2], $0x80, v2, vm0, $0xb8;
	[tilespmem:$0x19800] =	vst v63  }
0x293: {  	s31 =	simm.s32 $0x14000  }
0x294: {  	[tilespmem:s31], [sflag:$0x2] =	stream.indirect_vreg.gather [hbm4b:s18+s2], $0x80, v2, vm0, $0xb8;
	[tilespmem:$0x19800] =	vst v63  }
0x295: {  	s31 =	simm.s32 $0x14800  }
0x296: {  	[tilespmem:s31], [sflag:$0x2] =	stream.indirect_vreg.gather [hbm4b:s0+s2], $0x80, v2, vm0, $0xb8;
	[tilespmem:$0x19800] =	vst v63  }
0x297: {  	s31 =	simm.s32 $0x15000  }
0x298: {  	[tilespmem:s31], [sflag:$0x2] =	stream.indirect_vreg.gather [hbm4b:s19+s2], $0x80, v2, vm0, $0xb8;
	[tilespmem:$0x19800] =	vst v63  }
0x299: {  	s31 =	simm.s32 $0x15800  }
0x29a: {  	[tilespmem:s31], [sflag:$0x2] =	stream.indirect_vreg.gather [hbm4b:s20+s2], $0x80, v2, vm0, $0xb8;
	[tilespmem:$0x19800] =	vst v63  }
0x29b: {  	s31 =	simm.s32 $0x16000  }
0x29c: {  	[tilespmem:s31], [sflag:$0x2] =	stream.indirect_vreg.gather [hbm4b:s21+s2], $0x80, v2, vm0, $0xb8;
	[tilespmem:$0x19800] =	vst v63  }
0x29d: {  	s31 =	simm.s32 $0x16800  }
0x29e: {  	[tilespmem:s31], [sflag:$0x2] =	stream.indirect_vreg.gather [hbm4b:s22+s2], $0x80, v2, vm0, $0xb8;
	[tilespmem:$0x19800] =	vst v63  }
0x29f: {  	s31 =	simm.s32 $0x17000  }
0x2a0: {  	[tilespmem:s31], [sflag:$0x2] =	stream.indirect_vreg.gather [hbm4b:s23+s2], $0x80, v2, vm0, $0xb8;
	[tilespmem:$0x19800] =	vst v63  }
0x2a1: {  	s31 =	simm.s32 $0x17800  }
0x2a2: {  	[tilespmem:s31], [sflag:$0x2] =	stream.indirect_vreg.gather [hbm4b:s24+s2], $0x80, v2, vm0, $0xb8;
	[tilespmem:$0x19800] =	vst v63  }
0x2a3: {  	s31 =	simm.s32 $0x18000  }
0x2a4: {  	[tilespmem:s31], [sflag:$0x2] =	stream.indirect_vreg.gather [hbm4b:s25+s2], $0x80, v2, vm0, $0xb8;
	[tilespmem:$0x19800] =	vst v63  }
0x2a5: {  	s31 =	simm.s32 $0x18800  }
0x2a6: {  	[tilespmem:s31], [sflag:$0x2] =	stream.indirect_vreg.gather [hbm4b:s26+s2], $0x80, v2, vm0, $0xb8;
	[tilespmem:$0x19800] =	vst v63  }
0x2a7: {  	s31 =	simm.s32 $0x19000  }
0x2a8: {  	[tilespmem:s31], [sflag:$0x2] =	stream.indirect_vreg.gather [hbm4b:s28+s2], $0x80, v2, vm0, $0xb8;
	[tilespmem:$0x19800] =	vst v63  }
0x2a9: {  	s31 =	simm.s32 $0x2  }
0x2aa: {  	_ =	swait.ge [sflag:s31], $0xC800  }
0x2ab: {  	[sflag:s31] =	ssyncset.done $0x0  }
0x2ac: {  	s1 =	rddreg [dreg:$0xc];
	[sflag:s31] =	ssyncadd.s32 $0xFFFF3800;
	s31 =	simm.s32 $0xD000  }
0x2ad: {  	[hbm4b:s1+s2] =	stream.linear.scatter [tilespmem:s31], [sflag:$0x4], $0xC800, $0x38;
	[tilespmem:$0x19800] =	vst v63  }
0x2ae: {  	_ =	swait.ge [sflag:s29], $0xC800  }
0x2af: {  	[sflag:s29] =	ssyncset.done $0x0  }
0x2b0: {  	[sflag:s29] =	ssyncadd.s32 $0xFFFF3800  }
0x2b1: {  	v2 =	vld.msk [tilespmem:$0x500], $0xff;
	_ =	sdelay $0x4  }
0x2b2: {  	v3 =	vshrl.u32 v2, $0x3  }
0x2b3: {  	v3 =	vmul.u32 $0x190, v3  }
0x2b4: {  	v2 =	vand.u32 $0x7, v2  }
0x2b5: {  	v2 =	vor.u32 v2, v3  }
0x2b6: {  	v2 =	vperm.xlane v2, v0;
	_ =	sdelay $0x1  }
0x2b7: {  	v2 =	vadd.s32 v1, v2;
	_ =	sdelay $0x3  }
0x2b8: {  	s31 =	simm.s32 $0x800  }
0x2b9: {  	[tilespmem:s31], [sflag:$0x1] =	stream.indirect_vreg.gather [hbm4b:s4+s2], $0x80, v2, vm0, $0xb8;
	[tilespmem:$0x19800] =	vst v63  }
0x2ba: {  	s31 =	simm.s32 $0x1000  }
0x2bb: {  	[tilespmem:s31], [sflag:$0x1] =	stream.indirect_vreg.gather [hbm4b:s5+s2], $0x80, v2, vm0, $0xb8;
	[tilespmem:$0x19800] =	vst v63  }
0x2bc: {  	s31 =	simm.s32 $0x1800  }
0x2bd: {  	[tilespmem:s31], [sflag:$0x1] =	stream.indirect_vreg.gather [hbm4b:s6+s2], $0x80, v2, vm0, $0xb8;
	[tilespmem:$0x19800] =	vst v63  }
0x2be: {  	s31 =	simm.s32 $0x2000  }
0x2bf: {  	[tilespmem:s31], [sflag:$0x1] =	stream.indirect_vreg.gather [hbm4b:s7+s2], $0x80, v2, vm0, $0xb8;
	[tilespmem:$0x19800] =	vst v63  }
0x2c0: {  	s31 =	simm.s32 $0x2800  }
0x2c1: {  	[tilespmem:s31], [sflag:$0x1] =	stream.indirect_vreg.gather [hbm4b:s8+s2], $0x80, v2, vm0, $0xb8;
	[tilespmem:$0x19800] =	vst v63  }
0x2c2: {  	s31 =	simm.s32 $0x3000  }
0x2c3: {  	[tilespmem:s31], [sflag:$0x1] =	stream.indirect_vreg.gather [hbm4b:s9+s2], $0x80, v2, vm0, $0xb8;
	[tilespmem:$0x19800] =	vst v63  }
0x2c4: {  	s31 =	simm.s32 $0x3800  }
0x2c5: {  	[tilespmem:s31], [sflag:$0x1] =	stream.indirect_vreg.gather [hbm4b:s10+s2], $0x80, v2, vm0, $0xb8;
	[tilespmem:$0x19800] =	vst v63  }
0x2c6: {  	s31 =	simm.s32 $0x4000  }
0x2c7: {  	[tilespmem:s31], [sflag:$0x1] =	stream.indirect_vreg.gather [hbm4b:s11+s2], $0x80, v2, vm0, $0xb8;
	[tilespmem:$0x19800] =	vst v63  }
0x2c8: {  	s31 =	simm.s32 $0x4800  }
0x2c9: {  	[tilespmem:s31], [sflag:$0x1] =	stream.indirect_vreg.gather [hbm4b:s12+s2], $0x80, v2, vm0, $0xb8;
	[tilespmem:$0x19800] =	vst v63  }
0x2ca: {  	s31 =	simm.s32 $0x5000  }
0x2cb: {  	[tilespmem:s31], [sflag:$0x1] =	stream.indirect_vreg.gather [hbm4b:s13+s2], $0x80, v2, vm0, $0xb8;
	[tilespmem:$0x19800] =	vst v63  }
0x2cc: {  	s31 =	simm.s32 $0x5800  }
0x2cd: {  	[tilespmem:s31], [sflag:$0x1] =	stream.indirect_vreg.gather [hbm4b:s14+s2], $0x80, v2, vm0, $0xb8;
	[tilespmem:$0x19800] =	vst v63  }
0x2ce: {  	s31 =	simm.s32 $0x6000  }
0x2cf: {  	[tilespmem:s31], [sflag:$0x1] =	stream.indirect_vreg.gather [hbm4b:s15+s2], $0x80, v2, vm0, $0xb8;
	[tilespmem:$0x19800] =	vst v63  }
0x2d0: {  	s31 =	simm.s32 $0x6800  }
0x2d1: {  	[tilespmem:s31], [sflag:$0x1] =	stream.indirect_vreg.gather [hbm4b:s16+s2], $0x80, v2, vm0, $0xb8;
	[tilespmem:$0x19800] =	vst v63  }
0x2d2: {  	s31 =	simm.s32 $0x7000  }
0x2d3: {  	[tilespmem:s31], [sflag:$0x1] =	stream.indirect_vreg.gather [hbm4b:s17+s2], $0x80, v2, vm0, $0xb8;
	[tilespmem:$0x19800] =	vst v63  }
0x2d4: {  	s31 =	simm.s32 $0x7800  }
0x2d5: {  	[tilespmem:s31], [sflag:$0x1] =	stream.indirect_vreg.gather [hbm4b:s18+s2], $0x80, v2, vm0, $0xb8;
	[tilespmem:$0x19800] =	vst v63  }
0x2d6: {  	s31 =	simm.s32 $0x8000  }
0x2d7: {  	[tilespmem:s31], [sflag:$0x1] =	stream.indirect_vreg.gather [hbm4b:s0+s2], $0x80, v2, vm0, $0xb8;
	[tilespmem:$0x19800] =	vst v63  }
0x2d8: {  	s31 =	simm.s32 $0x8800  }
0x2d9: {  	[tilespmem:s31], [sflag:$0x1] =	stream.indirect_vreg.gather [hbm4b:s19+s2], $0x80, v2, vm0, $0xb8;
	[tilespmem:$0x19800] =	vst v63  }
0x2da: {  	s31 =	simm.s32 $0x9000  }
0x2db: {  	[tilespmem:s31], [sflag:$0x1] =	stream.indirect_vreg.gather [hbm4b:s20+s2], $0x80, v2, vm0, $0xb8;
	[tilespmem:$0x19800] =	vst v63  }
0x2dc: {  	s31 =	simm.s32 $0x9800  }
0x2dd: {  	[tilespmem:s31], [sflag:$0x1] =	stream.indirect_vreg.gather [hbm4b:s21+s2], $0x80, v2, vm0, $0xb8;
	[tilespmem:$0x19800] =	vst v63  }
0x2de: {  	s31 =	simm.s32 $0xA000  }
0x2df: {  	[tilespmem:s31], [sflag:$0x1] =	stream.indirect_vreg.gather [hbm4b:s22+s2], $0x80, v2, vm0, $0xb8;
	[tilespmem:$0x19800] =	vst v63  }
0x2e0: {  	s31 =	simm.s32 $0xA800  }
0x2e1: {  	[tilespmem:s31], [sflag:$0x1] =	stream.indirect_vreg.gather [hbm4b:s23+s2], $0x80, v2, vm0, $0xb8;
	[tilespmem:$0x19800] =	vst v63  }
0x2e2: {  	s31 =	simm.s32 $0xB000  }
0x2e3: {  	[tilespmem:s31], [sflag:$0x1] =	stream.indirect_vreg.gather [hbm4b:s24+s2], $0x80, v2, vm0, $0xb8;
	[tilespmem:$0x19800] =	vst v63  }
0x2e4: {  	s31 =	simm.s32 $0xB800  }
0x2e5: {  	[tilespmem:s31], [sflag:$0x1] =	stream.indirect_vreg.gather [hbm4b:s25+s2], $0x80, v2, vm0, $0xb8;
	[tilespmem:$0x19800] =	vst v63  }
0x2e6: {  	s31 =	simm.s32 $0xC000  }
0x2e7: {  	[tilespmem:s31], [sflag:$0x1] =	stream.indirect_vreg.gather [hbm4b:s26+s2], $0x80, v2, vm0, $0xb8;
	[tilespmem:$0x19800] =	vst v63  }
0x2e8: {  	s31 =	simm.s32 $0xC800  }
0x2e9: {  	[tilespmem:s31], [sflag:$0x1] =	stream.indirect_vreg.gather [hbm4b:s28+s2], $0x80, v2, vm0, $0xb8;
	[tilespmem:$0x19800] =	vst v63  }
0x2ea: {  	_ =	swait.ge [sflag:s30], $0xC800  }
0x2eb: {  	[sflag:s30] =	ssyncset.done $0x0  }
0x2ec: {  	s31 =	simm.s32 $0x800;
	s1 =	rddreg [dreg:$0xd];
	[sflag:s30] =	ssyncadd.s32 $0xFFFF3800  }
0x2ed: {  	[hbm4b:s1+s2] =	stream.linear.scatter [tilespmem:s31], [sflag:$0x3], $0xC800, $0x38;
	[tilespmem:$0x19800] =	vst v63  }
0x2ee: {  	_ =	swait.ge [sflag:s3], $0xC800  }
0x2ef: {  	[sflag:s3] =	ssyncset.done $0x0  }
0x2f0: {  	[sflag:s3] =	ssyncadd.s32 $0xFFFF3800  }
0x2f1: {  	v2 =	vld.msk [tilespmem:$0x580], $0xff;
	_ =	sdelay $0x4  }
0x2f2: {  	v3 =	vshrl.u32 v2, $0x3  }
0x2f3: {  	v3 =	vmul.u32 $0x190, v3  }
0x2f4: {  	v2 =	vand.u32 $0x7, v2  }
0x2f5: {  	v2 =	vor.u32 v2, v3  }
0x2f6: {  	v2 =	vperm.xlane v2, v0;
	_ =	sdelay $0x1  }
0x2f7: {  	v2 =	vadd.s32 v1, v2;
	_ =	sdelay $0x3  }
0x2f8: {  	s31 =	simm.s32 $0xD000  }
0x2f9: {  	[tilespmem:s31], [sflag:$0x2] =	stream.indirect_vreg.gather [hbm4b:s4+s2], $0x80, v2, vm0, $0xb8;
	[tilespmem:$0x19800] =	vst v63  }
0x2fa: {  	s31 =	simm.s32 $0xD800  }
0x2fb: {  	[tilespmem:s31], [sflag:$0x2] =	stream.indirect_vreg.gather [hbm4b:s5+s2], $0x80, v2, vm0, $0xb8;
	[tilespmem:$0x19800] =	vst v63  }
0x2fc: {  	s31 =	simm.s32 $0xE000  }
0x2fd: {  	[tilespmem:s31], [sflag:$0x2] =	stream.indirect_vreg.gather [hbm4b:s6+s2], $0x80, v2, vm0, $0xb8;
	[tilespmem:$0x19800] =	vst v63  }
0x2fe: {  	s31 =	simm.s32 $0xE800  }
0x2ff: {  	[tilespmem:s31], [sflag:$0x2] =	stream.indirect_vreg.gather [hbm4b:s7+s2], $0x80, v2, vm0, $0xb8;
	[tilespmem:$0x19800] =	vst v63  }
0x300: {  	s31 =	simm.s32 $0xF000  }
0x301: {  	[tilespmem:s31], [sflag:$0x2] =	stream.indirect_vreg.gather [hbm4b:s8+s2], $0x80, v2, vm0, $0xb8;
	[tilespmem:$0x19800] =	vst v63  }
0x302: {  	s31 =	simm.s32 $0xF800  }
0x303: {  	[tilespmem:s31], [sflag:$0x2] =	stream.indirect_vreg.gather [hbm4b:s9+s2], $0x80, v2, vm0, $0xb8;
	[tilespmem:$0x19800] =	vst v63  }
0x304: {  	s31 =	simm.s32 $0x10000  }
0x305: {  	[tilespmem:s31], [sflag:$0x2] =	stream.indirect_vreg.gather [hbm4b:s10+s2], $0x80, v2, vm0, $0xb8;
	[tilespmem:$0x19800] =	vst v63  }
0x306: {  	s31 =	simm.s32 $0x10800  }
0x307: {  	[tilespmem:s31], [sflag:$0x2] =	stream.indirect_vreg.gather [hbm4b:s11+s2], $0x80, v2, vm0, $0xb8;
	[tilespmem:$0x19800] =	vst v63  }
0x308: {  	s31 =	simm.s32 $0x11000  }
0x309: {  	[tilespmem:s31], [sflag:$0x2] =	stream.indirect_vreg.gather [hbm4b:s12+s2], $0x80, v2, vm0, $0xb8;
	[tilespmem:$0x19800] =	vst v63  }
0x30a: {  	s31 =	simm.s32 $0x11800  }
0x30b: {  	[tilespmem:s31], [sflag:$0x2] =	stream.indirect_vreg.gather [hbm4b:s13+s2], $0x80, v2, vm0, $0xb8;
	[tilespmem:$0x19800] =	vst v63  }
0x30c: {  	s31 =	simm.s32 $0x12000  }
0x30d: {  	[tilespmem:s31], [sflag:$0x2] =	stream.indirect_vreg.gather [hbm4b:s14+s2], $0x80, v2, vm0, $0xb8;
	[tilespmem:$0x19800] =	vst v63  }
0x30e: {  	s31 =	simm.s32 $0x12800  }
0x30f: {  	[tilespmem:s31], [sflag:$0x2] =	stream.indirect_vreg.gather [hbm4b:s15+s2], $0x80, v2, vm0, $0xb8;
	[tilespmem:$0x19800] =	vst v63  }
0x310: {  	s31 =	simm.s32 $0x13000  }
0x311: {  	[tilespmem:s31], [sflag:$0x2] =	stream.indirect_vreg.gather [hbm4b:s16+s2], $0x80, v2, vm0, $0xb8;
	[tilespmem:$0x19800] =	vst v63  }
0x312: {  	s31 =	simm.s32 $0x13800  }
0x313: {  	[tilespmem:s31], [sflag:$0x2] =	stream.indirect_vreg.gather [hbm4b:s17+s2], $0x80, v2, vm0, $0xb8;
	[tilespmem:$0x19800] =	vst v63  }
0x314: {  	s31 =	simm.s32 $0x14000  }
0x315: {  	[tilespmem:s31], [sflag:$0x2] =	stream.indirect_vreg.gather [hbm4b:s18+s2], $0x80, v2, vm0, $0xb8;
	[tilespmem:$0x19800] =	vst v63  }
0x316: {  	s31 =	simm.s32 $0x14800  }
0x317: {  	[tilespmem:s31], [sflag:$0x2] =	stream.indirect_vreg.gather [hbm4b:s0+s2], $0x80, v2, vm0, $0xb8;
	[tilespmem:$0x19800] =	vst v63  }
0x318: {  	s31 =	simm.s32 $0x15000  }
0x319: {  	[tilespmem:s31], [sflag:$0x2] =	stream.indirect_vreg.gather [hbm4b:s19+s2], $0x80, v2, vm0, $0xb8;
	[tilespmem:$0x19800] =	vst v63  }
0x31a: {  	s31 =	simm.s32 $0x15800  }
0x31b: {  	[tilespmem:s31], [sflag:$0x2] =	stream.indirect_vreg.gather [hbm4b:s20+s2], $0x80, v2, vm0, $0xb8;
	[tilespmem:$0x19800] =	vst v63  }
0x31c: {  	s31 =	simm.s32 $0x16000  }
0x31d: {  	[tilespmem:s31], [sflag:$0x2] =	stream.indirect_vreg.gather [hbm4b:s21+s2], $0x80, v2, vm0, $0xb8;
	[tilespmem:$0x19800] =	vst v63  }
0x31e: {  	s31 =	simm.s32 $0x16800  }
0x31f: {  	[tilespmem:s31], [sflag:$0x2] =	stream.indirect_vreg.gather [hbm4b:s22+s2], $0x80, v2, vm0, $0xb8;
	[tilespmem:$0x19800] =	vst v63  }
0x320: {  	s31 =	simm.s32 $0x17000  }
0x321: {  	[tilespmem:s31], [sflag:$0x2] =	stream.indirect_vreg.gather [hbm4b:s23+s2], $0x80, v2, vm0, $0xb8;
	[tilespmem:$0x19800] =	vst v63  }
0x322: {  	s31 =	simm.s32 $0x17800  }
0x323: {  	[tilespmem:s31], [sflag:$0x2] =	stream.indirect_vreg.gather [hbm4b:s24+s2], $0x80, v2, vm0, $0xb8;
	[tilespmem:$0x19800] =	vst v63  }
0x324: {  	s31 =	simm.s32 $0x18000  }
0x325: {  	[tilespmem:s31], [sflag:$0x2] =	stream.indirect_vreg.gather [hbm4b:s25+s2], $0x80, v2, vm0, $0xb8;
	[tilespmem:$0x19800] =	vst v63  }
0x326: {  	s31 =	simm.s32 $0x18800  }
0x327: {  	[tilespmem:s31], [sflag:$0x2] =	stream.indirect_vreg.gather [hbm4b:s26+s2], $0x80, v2, vm0, $0xb8;
	[tilespmem:$0x19800] =	vst v63  }
0x328: {  	s31 =	simm.s32 $0x19000  }
0x329: {  	[tilespmem:s31], [sflag:$0x2] =	stream.indirect_vreg.gather [hbm4b:s28+s2], $0x80, v2, vm0, $0xb8;
	[tilespmem:$0x19800] =	vst v63  }
0x32a: {  	s31 =	simm.s32 $0x2  }
0x32b: {  	_ =	swait.ge [sflag:s31], $0xC800  }
0x32c: {  	[sflag:s31] =	ssyncset.done $0x0  }
0x32d: {  	s1 =	rddreg [dreg:$0xe];
	[sflag:s31] =	ssyncadd.s32 $0xFFFF3800;
	s31 =	simm.s32 $0xD000  }
0x32e: {  	[hbm4b:s1+s2] =	stream.linear.scatter [tilespmem:s31], [sflag:$0x4], $0xC800, $0x38;
	[tilespmem:$0x19800] =	vst v63  }
0x32f: {  	_ =	swait.ge [sflag:s29], $0xC800  }
0x330: {  	[sflag:s29] =	ssyncset.done $0x0  }
0x331: {  	[sflag:s29] =	ssyncadd.s32 $0xFFFF3800  }
0x332: {  	v2 =	vld.msk [tilespmem:$0x600], $0xff;
	_ =	sdelay $0x4  }
0x333: {  	v3 =	vshrl.u32 v2, $0x3  }
0x334: {  	v3 =	vmul.u32 $0x190, v3  }
0x335: {  	v2 =	vand.u32 $0x7, v2  }
0x336: {  	v2 =	vor.u32 v2, v3  }
0x337: {  	v2 =	vperm.xlane v2, v0;
	_ =	sdelay $0x1  }
0x338: {  	v2 =	vadd.s32 v1, v2;
	_ =	sdelay $0x3  }
0x339: {  	s31 =	simm.s32 $0x800  }
0x33a: {  	[tilespmem:s31], [sflag:$0x1] =	stream.indirect_vreg.gather [hbm4b:s4+s2], $0x80, v2, vm0, $0xb8;
	[tilespmem:$0x19800] =	vst v63  }
0x33b: {  	s1 =	simm.s32 $0x1000  }
0x33c: {  	[tilespmem:s1], [sflag:$0x1] =	stream.indirect_vreg.gather [hbm4b:s5+s2], $0x80, v2, vm0, $0xb8;
	[tilespmem:$0x19800] =	vst v63  }
0x33d: {  	s1 =	simm.s32 $0x1800  }
0x33e: {  	[tilespmem:s1], [sflag:$0x1] =	stream.indirect_vreg.gather [hbm4b:s6+s2], $0x80, v2, vm0, $0xb8;
	[tilespmem:$0x19800] =	vst v63  }
0x33f: {  	s1 =	simm.s32 $0x2000  }
0x340: {  	[tilespmem:s1], [sflag:$0x1] =	stream.indirect_vreg.gather [hbm4b:s7+s2], $0x80, v2, vm0, $0xb8;
	[tilespmem:$0x19800] =	vst v63  }
0x341: {  	s1 =	simm.s32 $0x2800  }
0x342: {  	[tilespmem:s1], [sflag:$0x1] =	stream.indirect_vreg.gather [hbm4b:s8+s2], $0x80, v2, vm0, $0xb8;
	[tilespmem:$0x19800] =	vst v63  }
0x343: {  	s1 =	simm.s32 $0x3000  }
0x344: {  	[tilespmem:s1], [sflag:$0x1] =	stream.indirect_vreg.gather [hbm4b:s9+s2], $0x80, v2, vm0, $0xb8;
	[tilespmem:$0x19800] =	vst v63  }
0x345: {  	s1 =	simm.s32 $0x3800  }
0x346: {  	[tilespmem:s1], [sflag:$0x1] =	stream.indirect_vreg.gather [hbm4b:s10+s2], $0x80, v2, vm0, $0xb8;
	[tilespmem:$0x19800] =	vst v63  }
0x347: {  	s1 =	simm.s32 $0x4000  }
0x348: {  	[tilespmem:s1], [sflag:$0x1] =	stream.indirect_vreg.gather [hbm4b:s11+s2], $0x80, v2, vm0, $0xb8;
	[tilespmem:$0x19800] =	vst v63  }
0x349: {  	s1 =	simm.s32 $0x4800  }
0x34a: {  	[tilespmem:s1], [sflag:$0x1] =	stream.indirect_vreg.gather [hbm4b:s12+s2], $0x80, v2, vm0, $0xb8;
	[tilespmem:$0x19800] =	vst v63  }
0x34b: {  	s1 =	simm.s32 $0x5000  }
0x34c: {  	[tilespmem:s1], [sflag:$0x1] =	stream.indirect_vreg.gather [hbm4b:s13+s2], $0x80, v2, vm0, $0xb8;
	[tilespmem:$0x19800] =	vst v63  }
0x34d: {  	s1 =	simm.s32 $0x5800  }
0x34e: {  	[tilespmem:s1], [sflag:$0x1] =	stream.indirect_vreg.gather [hbm4b:s14+s2], $0x80, v2, vm0, $0xb8;
	[tilespmem:$0x19800] =	vst v63  }
0x34f: {  	s1 =	simm.s32 $0x6000  }
0x350: {  	[tilespmem:s1], [sflag:$0x1] =	stream.indirect_vreg.gather [hbm4b:s15+s2], $0x80, v2, vm0, $0xb8;
	[tilespmem:$0x19800] =	vst v63  }
0x351: {  	s1 =	simm.s32 $0x6800  }
0x352: {  	[tilespmem:s1], [sflag:$0x1] =	stream.indirect_vreg.gather [hbm4b:s16+s2], $0x80, v2, vm0, $0xb8;
	[tilespmem:$0x19800] =	vst v63  }
0x353: {  	s1 =	simm.s32 $0x7000  }
0x354: {  	[tilespmem:s1], [sflag:$0x1] =	stream.indirect_vreg.gather [hbm4b:s17+s2], $0x80, v2, vm0, $0xb8;
	[tilespmem:$0x19800] =	vst v63  }
0x355: {  	s1 =	simm.s32 $0x7800  }
0x356: {  	[tilespmem:s1], [sflag:$0x1] =	stream.indirect_vreg.gather [hbm4b:s18+s2], $0x80, v2, vm0, $0xb8;
	[tilespmem:$0x19800] =	vst v63  }
0x357: {  	s1 =	simm.s32 $0x8000  }
0x358: {  	[tilespmem:s1], [sflag:$0x1] =	stream.indirect_vreg.gather [hbm4b:s0+s2], $0x80, v2, vm0, $0xb8;
	[tilespmem:$0x19800] =	vst v63  }
0x359: {  	s1 =	simm.s32 $0x8800  }
0x35a: {  	[tilespmem:s1], [sflag:$0x1] =	stream.indirect_vreg.gather [hbm4b:s19+s2], $0x80, v2, vm0, $0xb8;
	[tilespmem:$0x19800] =	vst v63  }
0x35b: {  	s1 =	simm.s32 $0x9000  }
0x35c: {  	[tilespmem:s1], [sflag:$0x1] =	stream.indirect_vreg.gather [hbm4b:s20+s2], $0x80, v2, vm0, $0xb8;
	[tilespmem:$0x19800] =	vst v63  }
0x35d: {  	s1 =	simm.s32 $0x9800  }
0x35e: {  	[tilespmem:s1], [sflag:$0x1] =	stream.indirect_vreg.gather [hbm4b:s21+s2], $0x80, v2, vm0, $0xb8;
	[tilespmem:$0x19800] =	vst v63  }
0x35f: {  	s1 =	simm.s32 $0xA000  }
0x360: {  	[tilespmem:s1], [sflag:$0x1] =	stream.indirect_vreg.gather [hbm4b:s22+s2], $0x80, v2, vm0, $0xb8;
	[tilespmem:$0x19800] =	vst v63  }
0x361: {  	s1 =	simm.s32 $0xA800  }
0x362: {  	[tilespmem:s1], [sflag:$0x1] =	stream.indirect_vreg.gather [hbm4b:s23+s2], $0x80, v2, vm0, $0xb8;
	[tilespmem:$0x19800] =	vst v63  }
0x363: {  	s1 =	simm.s32 $0xB000  }
0x364: {  	[tilespmem:s1], [sflag:$0x1] =	stream.indirect_vreg.gather [hbm4b:s24+s2], $0x80, v2, vm0, $0xb8;
	[tilespmem:$0x19800] =	vst v63  }
0x365: {  	s1 =	simm.s32 $0xB800  }
0x366: {  	[tilespmem:s1], [sflag:$0x1] =	stream.indirect_vreg.gather [hbm4b:s25+s2], $0x80, v2, vm0, $0xb8;
	[tilespmem:$0x19800] =	vst v63  }
0x367: {  	s1 =	simm.s32 $0xC000  }
0x368: {  	[tilespmem:s1], [sflag:$0x1] =	stream.indirect_vreg.gather [hbm4b:s26+s2], $0x80, v2, vm0, $0xb8;
	[tilespmem:$0x19800] =	vst v63  }
0x369: {  	s1 =	simm.s32 $0xC800  }
0x36a: {  	[tilespmem:s1], [sflag:$0x1] =	stream.indirect_vreg.gather [hbm4b:s28+s2], $0x80, v2, vm0, $0xb8;
	[tilespmem:$0x19800] =	vst v63  }
0x36b: {  	_ =	swait.ge [sflag:s30], $0xC800  }
0x36c: {  	[sflag:s30] =	ssyncset.done $0x0  }
0x36d: {  	s31 =	simm.s32 $0x800;
	s1 =	rddreg [dreg:$0xf];
	[sflag:s30] =	ssyncadd.s32 $0xFFFF3800  }
0x36e: {  	[hbm4b:s1+s2] =	stream.linear.scatter [tilespmem:s31], [sflag:$0x3], $0xC800, $0x38;
	[tilespmem:$0x19800] =	vst v63  }
0x36f: {  	_ =	swait.ge [sflag:s3], $0xC800  }
0x370: {  	[sflag:s3] =	ssyncset.done $0x0  }
0x371: {  	[sflag:s3] =	ssyncadd.s32 $0xFFFF3800  }
0x372: {  	v2 =	vld.msk [tilespmem:$0x680], $0xff;
	_ =	sdelay $0x4  }
0x373: {  	v3 =	vshrl.u32 v2, $0x3  }
0x374: {  	v3 =	vmul.u32 $0x190, v3  }
0x375: {  	v2 =	vand.u32 $0x7, v2  }
0x376: {  	v2 =	vor.u32 v2, v3  }
0x377: {  	v2 =	vperm.xlane v2, v0;
	_ =	sdelay $0x1  }
0x378: {  	v2 =	vadd.s32 v1, v2;
	_ =	sdelay $0x3  }
0x379: {  	s31 =	simm.s32 $0xD000  }
0x37a: {  	[tilespmem:s31], [sflag:$0x2] =	stream.indirect_vreg.gather [hbm4b:s4+s2], $0x80, v2, vm0, $0xb8;
	[tilespmem:$0x19800] =	vst v63  }
0x37b: {  	s31 =	simm.s32 $0xD800  }
0x37c: {  	[tilespmem:s31], [sflag:$0x2] =	stream.indirect_vreg.gather [hbm4b:s5+s2], $0x80, v2, vm0, $0xb8;
	[tilespmem:$0x19800] =	vst v63  }
0x37d: {  	s31 =	simm.s32 $0xE000  }
0x37e: {  	[tilespmem:s31], [sflag:$0x2] =	stream.indirect_vreg.gather [hbm4b:s6+s2], $0x80, v2, vm0, $0xb8;
	[tilespmem:$0x19800] =	vst v63  }
0x37f: {  	s31 =	simm.s32 $0xE800  }
0x380: {  	[tilespmem:s31], [sflag:$0x2] =	stream.indirect_vreg.gather [hbm4b:s7+s2], $0x80, v2, vm0, $0xb8;
	[tilespmem:$0x19800] =	vst v63  }
0x381: {  	s31 =	simm.s32 $0xF000  }
0x382: {  	[tilespmem:s31], [sflag:$0x2] =	stream.indirect_vreg.gather [hbm4b:s8+s2], $0x80, v2, vm0, $0xb8;
	[tilespmem:$0x19800] =	vst v63  }
0x383: {  	s31 =	simm.s32 $0xF800  }
0x384: {  	[tilespmem:s31], [sflag:$0x2] =	stream.indirect_vreg.gather [hbm4b:s9+s2], $0x80, v2, vm0, $0xb8;
	[tilespmem:$0x19800] =	vst v63  }
0x385: {  	s31 =	simm.s32 $0x10000  }
0x386: {  	[tilespmem:s31], [sflag:$0x2] =	stream.indirect_vreg.gather [hbm4b:s10+s2], $0x80, v2, vm0, $0xb8;
	[tilespmem:$0x19800] =	vst v63  }
0x387: {  	s31 =	simm.s32 $0x10800  }
0x388: {  	[tilespmem:s31], [sflag:$0x2] =	stream.indirect_vreg.gather [hbm4b:s11+s2], $0x80, v2, vm0, $0xb8;
	[tilespmem:$0x19800] =	vst v63  }
0x389: {  	s31 =	simm.s32 $0x11000  }
0x38a: {  	[tilespmem:s31], [sflag:$0x2] =	stream.indirect_vreg.gather [hbm4b:s12+s2], $0x80, v2, vm0, $0xb8;
	[tilespmem:$0x19800] =	vst v63  }
0x38b: {  	s31 =	simm.s32 $0x11800  }
0x38c: {  	[tilespmem:s31], [sflag:$0x2] =	stream.indirect_vreg.gather [hbm4b:s13+s2], $0x80, v2, vm0, $0xb8;
	[tilespmem:$0x19800] =	vst v63  }
0x38d: {  	s31 =	simm.s32 $0x12000  }
0x38e: {  	[tilespmem:s31], [sflag:$0x2] =	stream.indirect_vreg.gather [hbm4b:s14+s2], $0x80, v2, vm0, $0xb8;
	[tilespmem:$0x19800] =	vst v63  }
0x38f: {  	s31 =	simm.s32 $0x12800  }
0x390: {  	[tilespmem:s31], [sflag:$0x2] =	stream.indirect_vreg.gather [hbm4b:s15+s2], $0x80, v2, vm0, $0xb8;
	[tilespmem:$0x19800] =	vst v63  }
0x391: {  	s31 =	simm.s32 $0x13000  }
0x392: {  	[tilespmem:s31], [sflag:$0x2] =	stream.indirect_vreg.gather [hbm4b:s16+s2], $0x80, v2, vm0, $0xb8;
	[tilespmem:$0x19800] =	vst v63  }
0x393: {  	s31 =	simm.s32 $0x13800  }
0x394: {  	[tilespmem:s31], [sflag:$0x2] =	stream.indirect_vreg.gather [hbm4b:s17+s2], $0x80, v2, vm0, $0xb8;
	[tilespmem:$0x19800] =	vst v63  }
0x395: {  	s31 =	simm.s32 $0x14000  }
0x396: {  	[tilespmem:s31], [sflag:$0x2] =	stream.indirect_vreg.gather [hbm4b:s18+s2], $0x80, v2, vm0, $0xb8;
	[tilespmem:$0x19800] =	vst v63  }
0x397: {  	s31 =	simm.s32 $0x14800  }
0x398: {  	[tilespmem:s31], [sflag:$0x2] =	stream.indirect_vreg.gather [hbm4b:s0+s2], $0x80, v2, vm0, $0xb8;
	[tilespmem:$0x19800] =	vst v63  }
0x399: {  	s31 =	simm.s32 $0x15000  }
0x39a: {  	[tilespmem:s31], [sflag:$0x2] =	stream.indirect_vreg.gather [hbm4b:s19+s2], $0x80, v2, vm0, $0xb8;
	[tilespmem:$0x19800] =	vst v63  }
0x39b: {  	s31 =	simm.s32 $0x15800  }
0x39c: {  	[tilespmem:s31], [sflag:$0x2] =	stream.indirect_vreg.gather [hbm4b:s20+s2], $0x80, v2, vm0, $0xb8;
	[tilespmem:$0x19800] =	vst v63  }
0x39d: {  	s31 =	simm.s32 $0x16000  }
0x39e: {  	[tilespmem:s31], [sflag:$0x2] =	stream.indirect_vreg.gather [hbm4b:s21+s2], $0x80, v2, vm0, $0xb8;
	[tilespmem:$0x19800] =	vst v63  }
0x39f: {  	s31 =	simm.s32 $0x16800  }
0x3a0: {  	[tilespmem:s31], [sflag:$0x2] =	stream.indirect_vreg.gather [hbm4b:s22+s2], $0x80, v2, vm0, $0xb8;
	[tilespmem:$0x19800] =	vst v63  }
0x3a1: {  	s31 =	simm.s32 $0x17000  }
0x3a2: {  	[tilespmem:s31], [sflag:$0x2] =	stream.indirect_vreg.gather [hbm4b:s23+s2], $0x80, v2, vm0, $0xb8;
	[tilespmem:$0x19800] =	vst v63  }
0x3a3: {  	s31 =	simm.s32 $0x17800  }
0x3a4: {  	[tilespmem:s31], [sflag:$0x2] =	stream.indirect_vreg.gather [hbm4b:s24+s2], $0x80, v2, vm0, $0xb8;
	[tilespmem:$0x19800] =	vst v63  }
0x3a5: {  	s31 =	simm.s32 $0x18000  }
0x3a6: {  	[tilespmem:s31], [sflag:$0x2] =	stream.indirect_vreg.gather [hbm4b:s25+s2], $0x80, v2, vm0, $0xb8;
	[tilespmem:$0x19800] =	vst v63  }
0x3a7: {  	s31 =	simm.s32 $0x18800  }
0x3a8: {  	[tilespmem:s31], [sflag:$0x2] =	stream.indirect_vreg.gather [hbm4b:s26+s2], $0x80, v2, vm0, $0xb8;
	[tilespmem:$0x19800] =	vst v63  }
0x3a9: {  	s31 =	simm.s32 $0x19000  }
0x3aa: {  	[tilespmem:s31], [sflag:$0x2] =	stream.indirect_vreg.gather [hbm4b:s28+s2], $0x80, v2, vm0, $0xb8;
	[tilespmem:$0x19800] =	vst v63  }
0x3ab: {  	s31 =	simm.s32 $0x2  }
0x3ac: {  	_ =	swait.ge [sflag:s31], $0xC800  }
0x3ad: {  	[sflag:s31] =	ssyncset.done $0x0  }
0x3ae: {  	s1 =	rddreg [dreg:$0x10];
	[sflag:s31] =	ssyncadd.s32 $0xFFFF3800;
	s31 =	simm.s32 $0xD000  }
0x3af: {  	[hbm4b:s1+s2] =	stream.linear.scatter [tilespmem:s31], [sflag:$0x4], $0xC800, $0x38;
	[tilespmem:$0x19800] =	vst v63  }
0x3b0: {  	_ =	swait.ge [sflag:s29], $0xC800  }
0x3b1: {  	[sflag:s29] =	ssyncset.done $0x0  }
0x3b2: {  	[sflag:s29] =	ssyncadd.s32 $0xFFFF3800  }
0x3b3: {  	v2 =	vld.msk [tilespmem:$0x700], $0xff;
	_ =	sdelay $0x4  }
0x3b4: {  	v3 =	vshrl.u32 v2, $0x3  }
0x3b5: {  	v3 =	vmul.u32 $0x190, v3  }
0x3b6: {  	v2 =	vand.u32 $0x7, v2  }
0x3b7: {  	v2 =	vor.u32 v2, v3  }
0x3b8: {  	v2 =	vperm.xlane v2, v0;
	_ =	sdelay $0x1  }
0x3b9: {  	v2 =	vadd.s32 v1, v2;
	_ =	sdelay $0x3  }
0x3ba: {  	s31 =	simm.s32 $0x800  }
0x3bb: {  	[tilespmem:s31], [sflag:$0x1] =	stream.indirect_vreg.gather [hbm4b:s4+s2], $0x80, v2, vm0, $0xb8;
	[tilespmem:$0x19800] =	vst v63  }
0x3bc: {  	s31 =	simm.s32 $0x1000  }
0x3bd: {  	[tilespmem:s31], [sflag:$0x1] =	stream.indirect_vreg.gather [hbm4b:s5+s2], $0x80, v2, vm0, $0xb8;
	[tilespmem:$0x19800] =	vst v63  }
0x3be: {  	s31 =	simm.s32 $0x1800  }
0x3bf: {  	[tilespmem:s31], [sflag:$0x1] =	stream.indirect_vreg.gather [hbm4b:s6+s2], $0x80, v2, vm0, $0xb8;
	[tilespmem:$0x19800] =	vst v63  }
0x3c0: {  	s31 =	simm.s32 $0x2000  }
0x3c1: {  	[tilespmem:s31], [sflag:$0x1] =	stream.indirect_vreg.gather [hbm4b:s7+s2], $0x80, v2, vm0, $0xb8;
	[tilespmem:$0x19800] =	vst v63  }
0x3c2: {  	s31 =	simm.s32 $0x2800  }
0x3c3: {  	[tilespmem:s31], [sflag:$0x1] =	stream.indirect_vreg.gather [hbm4b:s8+s2], $0x80, v2, vm0, $0xb8;
	[tilespmem:$0x19800] =	vst v63  }
0x3c4: {  	s31 =	simm.s32 $0x3000  }
0x3c5: {  	[tilespmem:s31], [sflag:$0x1] =	stream.indirect_vreg.gather [hbm4b:s9+s2], $0x80, v2, vm0, $0xb8;
	[tilespmem:$0x19800] =	vst v63  }
0x3c6: {  	s31 =	simm.s32 $0x3800  }
0x3c7: {  	[tilespmem:s31], [sflag:$0x1] =	stream.indirect_vreg.gather [hbm4b:s10+s2], $0x80, v2, vm0, $0xb8;
	[tilespmem:$0x19800] =	vst v63  }
0x3c8: {  	s31 =	simm.s32 $0x4000  }
0x3c9: {  	[tilespmem:s31], [sflag:$0x1] =	stream.indirect_vreg.gather [hbm4b:s11+s2], $0x80, v2, vm0, $0xb8;
	[tilespmem:$0x19800] =	vst v63  }
0x3ca: {  	s31 =	simm.s32 $0x4800  }
0x3cb: {  	[tilespmem:s31], [sflag:$0x1] =	stream.indirect_vreg.gather [hbm4b:s12+s2], $0x80, v2, vm0, $0xb8;
	[tilespmem:$0x19800] =	vst v63  }
0x3cc: {  	s31 =	simm.s32 $0x5000  }
0x3cd: {  	[tilespmem:s31], [sflag:$0x1] =	stream.indirect_vreg.gather [hbm4b:s13+s2], $0x80, v2, vm0, $0xb8;
	[tilespmem:$0x19800] =	vst v63  }
0x3ce: {  	s31 =	simm.s32 $0x5800  }
0x3cf: {  	[tilespmem:s31], [sflag:$0x1] =	stream.indirect_vreg.gather [hbm4b:s14+s2], $0x80, v2, vm0, $0xb8;
	[tilespmem:$0x19800] =	vst v63  }
0x3d0: {  	s31 =	simm.s32 $0x6000  }
0x3d1: {  	[tilespmem:s31], [sflag:$0x1] =	stream.indirect_vreg.gather [hbm4b:s15+s2], $0x80, v2, vm0, $0xb8;
	[tilespmem:$0x19800] =	vst v63  }
0x3d2: {  	s31 =	simm.s32 $0x6800  }
0x3d3: {  	[tilespmem:s31], [sflag:$0x1] =	stream.indirect_vreg.gather [hbm4b:s16+s2], $0x80, v2, vm0, $0xb8;
	[tilespmem:$0x19800] =	vst v63  }
0x3d4: {  	s31 =	simm.s32 $0x7000  }
0x3d5: {  	[tilespmem:s31], [sflag:$0x1] =	stream.indirect_vreg.gather [hbm4b:s17+s2], $0x80, v2, vm0, $0xb8;
	[tilespmem:$0x19800] =	vst v63  }
0x3d6: {  	s31 =	simm.s32 $0x7800  }
0x3d7: {  	[tilespmem:s31], [sflag:$0x1] =	stream.indirect_vreg.gather [hbm4b:s18+s2], $0x80, v2, vm0, $0xb8;
	[tilespmem:$0x19800] =	vst v63  }
0x3d8: {  	s31 =	simm.s32 $0x8000  }
0x3d9: {  	[tilespmem:s31], [sflag:$0x1] =	stream.indirect_vreg.gather [hbm4b:s0+s2], $0x80, v2, vm0, $0xb8;
	[tilespmem:$0x19800] =	vst v63  }
0x3da: {  	s31 =	simm.s32 $0x8800  }
0x3db: {  	[tilespmem:s31], [sflag:$0x1] =	stream.indirect_vreg.gather [hbm4b:s19+s2], $0x80, v2, vm0, $0xb8;
	[tilespmem:$0x19800] =	vst v63  }
0x3dc: {  	s31 =	simm.s32 $0x9000  }
0x3dd: {  	[tilespmem:s31], [sflag:$0x1] =	stream.indirect_vreg.gather [hbm4b:s20+s2], $0x80, v2, vm0, $0xb8;
	[tilespmem:$0x19800] =	vst v63  }
0x3de: {  	s31 =	simm.s32 $0x9800  }
0x3df: {  	[tilespmem:s31], [sflag:$0x1] =	stream.indirect_vreg.gather [hbm4b:s21+s2], $0x80, v2, vm0, $0xb8;
	[tilespmem:$0x19800] =	vst v63  }
0x3e0: {  	s31 =	simm.s32 $0xA000  }
0x3e1: {  	[tilespmem:s31], [sflag:$0x1] =	stream.indirect_vreg.gather [hbm4b:s22+s2], $0x80, v2, vm0, $0xb8;
	[tilespmem:$0x19800] =	vst v63  }
0x3e2: {  	s31 =	simm.s32 $0xA800  }
0x3e3: {  	[tilespmem:s31], [sflag:$0x1] =	stream.indirect_vreg.gather [hbm4b:s23+s2], $0x80, v2, vm0, $0xb8;
	[tilespmem:$0x19800] =	vst v63  }
0x3e4: {  	s31 =	simm.s32 $0xB000  }
0x3e5: {  	[tilespmem:s31], [sflag:$0x1] =	stream.indirect_vreg.gather [hbm4b:s24+s2], $0x80, v2, vm0, $0xb8;
	[tilespmem:$0x19800] =	vst v63  }
0x3e6: {  	s31 =	simm.s32 $0xB800  }
0x3e7: {  	[tilespmem:s31], [sflag:$0x1] =	stream.indirect_vreg.gather [hbm4b:s25+s2], $0x80, v2, vm0, $0xb8;
	[tilespmem:$0x19800] =	vst v63  }
0x3e8: {  	s31 =	simm.s32 $0xC000  }
0x3e9: {  	[tilespmem:s31], [sflag:$0x1] =	stream.indirect_vreg.gather [hbm4b:s26+s2], $0x80, v2, vm0, $0xb8;
	[tilespmem:$0x19800] =	vst v63  }
0x3ea: {  	s31 =	simm.s32 $0xC800  }
0x3eb: {  	[tilespmem:s31], [sflag:$0x1] =	stream.indirect_vreg.gather [hbm4b:s28+s2], $0x80, v2, vm0, $0xb8;
	[tilespmem:$0x19800] =	vst v63  }
0x3ec: {  	_ =	swait.ge [sflag:s30], $0xC800  }
0x3ed: {  	[sflag:s30] =	ssyncset.done $0x0  }
0x3ee: {  	s31 =	simm.s32 $0x800;
	s1 =	rddreg [dreg:$0x11];
	[sflag:s30] =	ssyncadd.s32 $0xFFFF3800  }
0x3ef: {  	[hbm4b:s1+s2] =	stream.linear.scatter [tilespmem:s31], [sflag:$0x3], $0xC800, $0x38;
	[tilespmem:$0x19800] =	vst v63  }
0x3f0: {  	_ =	swait.ge [sflag:s3], $0xC800  }
0x3f1: {  	[sflag:s3] =	ssyncset.done $0x0  }
0x3f2: {  	[sflag:s3] =	ssyncadd.s32 $0xFFFF3800  }
0x3f3: {  	v2 =	vld.msk [tilespmem:$0x780], $0xff;
	_ =	sdelay $0x4  }
0x3f4: {  	v3 =	vshrl.u32 v2, $0x3  }
0x3f5: {  	v3 =	vmul.u32 $0x190, v3  }
0x3f6: {  	v2 =	vand.u32 $0x7, v2  }
0x3f7: {  	v2 =	vor.u32 v2, v3  }
0x3f8: {  	v2 =	vperm.xlane v2, v0;
	_ =	sdelay $0x1  }
0x3f9: {  	v2 =	vadd.s32 v1, v2;
	_ =	sdelay $0x3  }
0x3fa: {  	s31 =	simm.s32 $0xD000  }
0x3fb: {  	[tilespmem:s31], [sflag:$0x2] =	stream.indirect_vreg.gather [hbm4b:s4+s2], $0x80, v2, vm0, $0xb8;
	[tilespmem:$0x19800] =	vst v63  }
0x3fc: {  	s4 =	simm.s32 $0xD800  }
0x3fd: {  	[tilespmem:s4], [sflag:$0x2] =	stream.indirect_vreg.gather [hbm4b:s5+s2], $0x80, v2, vm0, $0xb8;
	[tilespmem:$0x19800] =	vst v63  }
0x3fe: {  	s5 =	simm.s32 $0xE000  }
0x3ff: {  	[tilespmem:s5], [sflag:$0x2] =	stream.indirect_vreg.gather [hbm4b:s6+s2], $0x80, v2, vm0, $0xb8;
	[tilespmem:$0x19800] =	vst v63  }
0x400: {  	s6 =	simm.s32 $0xE800  }
0x401: {  	[tilespmem:s6], [sflag:$0x2] =	stream.indirect_vreg.gather [hbm4b:s7+s2], $0x80, v2, vm0, $0xb8;
	[tilespmem:$0x19800] =	vst v63  }
0x402: {  	s7 =	simm.s32 $0xF000  }
0x403: {  	[tilespmem:s7], [sflag:$0x2] =	stream.indirect_vreg.gather [hbm4b:s8+s2], $0x80, v2, vm0, $0xb8;
	[tilespmem:$0x19800] =	vst v63  }
0x404: {  	s8 =	simm.s32 $0xF800  }
0x405: {  	[tilespmem:s8], [sflag:$0x2] =	stream.indirect_vreg.gather [hbm4b:s9+s2], $0x80, v2, vm0, $0xb8;
	[tilespmem:$0x19800] =	vst v63  }
0x406: {  	s9 =	simm.s32 $0x10000  }
0x407: {  	[tilespmem:s9], [sflag:$0x2] =	stream.indirect_vreg.gather [hbm4b:s10+s2], $0x80, v2, vm0, $0xb8;
	[tilespmem:$0x19800] =	vst v63  }
0x408: {  	s10 =	simm.s32 $0x10800  }
0x409: {  	[tilespmem:s10], [sflag:$0x2] =	stream.indirect_vreg.gather [hbm4b:s11+s2], $0x80, v2, vm0, $0xb8;
	[tilespmem:$0x19800] =	vst v63  }
0x40a: {  	s11 =	simm.s32 $0x11000  }
0x40b: {  	[tilespmem:s11], [sflag:$0x2] =	stream.indirect_vreg.gather [hbm4b:s12+s2], $0x80, v2, vm0, $0xb8;
	[tilespmem:$0x19800] =	vst v63  }
0x40c: {  	s12 =	simm.s32 $0x11800  }
0x40d: {  	[tilespmem:s12], [sflag:$0x2] =	stream.indirect_vreg.gather [hbm4b:s13+s2], $0x80, v2, vm0, $0xb8;
	[tilespmem:$0x19800] =	vst v63  }
0x40e: {  	s13 =	simm.s32 $0x12000  }
0x40f: {  	[tilespmem:s13], [sflag:$0x2] =	stream.indirect_vreg.gather [hbm4b:s14+s2], $0x80, v2, vm0, $0xb8;
	[tilespmem:$0x19800] =	vst v63  }
0x410: {  	s31 =	simm.s32 $0x12800  }
0x411: {  	[tilespmem:s31], [sflag:$0x2] =	stream.indirect_vreg.gather [hbm4b:s15+s2], $0x80, v2, vm0, $0xb8;
	[tilespmem:$0x19800] =	vst v63  }
0x412: {  	s4 =	simm.s32 $0x13000  }
0x413: {  	[tilespmem:s4], [sflag:$0x2] =	stream.indirect_vreg.gather [hbm4b:s16+s2], $0x80, v2, vm0, $0xb8;
	[tilespmem:$0x19800] =	vst v63  }
0x414: {  	s5 =	simm.s32 $0x13800  }
0x415: {  	[tilespmem:s5], [sflag:$0x2] =	stream.indirect_vreg.gather [hbm4b:s17+s2], $0x80, v2, vm0, $0xb8;
	[tilespmem:$0x19800] =	vst v63  }
0x416: {  	s6 =	simm.s32 $0x14000  }
0x417: {  	[tilespmem:s6], [sflag:$0x2] =	stream.indirect_vreg.gather [hbm4b:s18+s2], $0x80, v2, vm0, $0xb8;
	[tilespmem:$0x19800] =	vst v63  }
0x418: {  	s7 =	simm.s32 $0x14800  }
0x419: {  	[tilespmem:s7], [sflag:$0x2] =	stream.indirect_vreg.gather [hbm4b:s0+s2], $0x80, v2, vm0, $0xb8;
	[tilespmem:$0x19800] =	vst v63  }
0x41a: {  	s8 =	simm.s32 $0x15000  }
0x41b: {  	[tilespmem:s8], [sflag:$0x2] =	stream.indirect_vreg.gather [hbm4b:s19+s2], $0x80, v2, vm0, $0xb8;
	[tilespmem:$0x19800] =	vst v63  }
0x41c: {  	s9 =	simm.s32 $0x15800  }
0x41d: {  	[tilespmem:s9], [sflag:$0x2] =	stream.indirect_vreg.gather [hbm4b:s20+s2], $0x80, v2, vm0, $0xb8;
	[tilespmem:$0x19800] =	vst v63  }
0x41e: {  	s10 =	simm.s32 $0x16000  }
0x41f: {  	[tilespmem:s10], [sflag:$0x2] =	stream.indirect_vreg.gather [hbm4b:s21+s2], $0x80, v2, vm0, $0xb8;
	[tilespmem:$0x19800] =	vst v63  }
0x420: {  	s11 =	simm.s32 $0x16800  }
0x421: {  	[tilespmem:s11], [sflag:$0x2] =	stream.indirect_vreg.gather [hbm4b:s22+s2], $0x80, v2, vm0, $0xb8;
	[tilespmem:$0x19800] =	vst v63  }
0x422: {  	s12 =	simm.s32 $0x17000  }
0x423: {  	[tilespmem:s12], [sflag:$0x2] =	stream.indirect_vreg.gather [hbm4b:s23+s2], $0x80, v2, vm0, $0xb8;
	[tilespmem:$0x19800] =	vst v63  }
0x424: {  	s13 =	simm.s32 $0x17800  }
0x425: {  	[tilespmem:s13], [sflag:$0x2] =	stream.indirect_vreg.gather [hbm4b:s24+s2], $0x80, v2, vm0, $0xb8;
	[tilespmem:$0x19800] =	vst v63  }
0x426: {  	s14 =	simm.s32 $0x18000  }
0x427: {  	[tilespmem:s14], [sflag:$0x2] =	stream.indirect_vreg.gather [hbm4b:s25+s2], $0x80, v2, vm0, $0xb8;
	[tilespmem:$0x19800] =	vst v63  }
0x428: {  	s15 =	simm.s32 $0x18800  }
0x429: {  	[tilespmem:s15], [sflag:$0x2] =	stream.indirect_vreg.gather [hbm4b:s26+s2], $0x80, v2, vm0, $0xb8;
	[tilespmem:$0x19800] =	vst v63  }
0x42a: {  	s16 =	simm.s32 $0x19000;
	s17 =	simm.s32 $0x2  }
0x42b: {  	[tilespmem:s16], [sflag:$0x2] =	stream.indirect_vreg.gather [hbm4b:s28+s2], $0x80, v2, vm0, $0xb8;
	[tilespmem:$0x19800] =	vst v63  }
0x42c: {  	_ =	swait.ge [sflag:s17], $0xC800  }
0x42d: {  	s18 =	rddreg [dreg:$0x12];
	[sflag:s17] =	ssyncset.done $0x0  }
0x42e: {  	s30 =	simm.s32 $0xD000;
	s31 =	rddreg [dreg:$0x13];
	[sflag:s17] =	ssyncadd.s32 $0xFFFF3800  }
0x42f: {  	[hbm4b:s18+s2] =	stream.linear.scatter [tilespmem:s30], [sflag:$0x4], $0xC800, $0x38;
	[tilespmem:$0x19800] =	vst v63  }
0x430: {  	p0 =	sne.s32 s31, $0x1;
	_ =	swait.ge [sflag:s29], $0xC800  }
.Ltmp0:
0x431: {  	[sflag:s29] =	ssyncset.done $0x0;
	(pc) =	sbr.rel @p0 .LBB2_1-.Ltmp0, $4  }
0x432: {  	[sflag:s29] =	ssyncadd.s32 $0xFFFF3800  }
0x433: {  	_ =	swait.ge [sflag:s3], $0xC800  }
0x434: {  	[sflag:s3] =	ssyncset.done $0x0  }
0x435: {  	s1 =	sadd.s32 $0xFFFFFFFF, s31;
	[sflag:s3] =	ssyncadd.s32 $0xFFFF3800  }
0x436: {  	_ =	sfence.sel $0x180000  }
0x437: {  	[bflag:$0x0] =	sbarrier.arrive $0xFFFF  }
0x438: {  	_ =	strace $0x9000004A  }
0x439: {  	s0 =	stileid.u32;
	[bflag:$0x2] =	sbarrier.arrive $0xFFFF  }
0x43a: {  	p0 =	sne.s32 s0, $0x0;
	s0 =	rddreg [dreg:$0x1]  }
0x43b: {  	s0 =	sadd.s32 @!p0 $0x100000, s0  }
0x43c: {  	[sflag:s0] =	ssyncadd.tile.s32 @!p0 $0x1;
	_ =	shalt  }
.Lfunc_end2:
_tile_overlayer_lowered:
.L_overlay_start_2:
0x43d: {  	(tag) =	ssettag $0x2  }
0x43e: {  	s0 =	rddreg [dreg:$0x0];
	s2 =	stileid.u32  }
0x43f: {  	s1 =	rddreg [dreg:$0x1];
	p0 =	sne.s32 s2, $0x0  }
0x440: {  	s3 =	rddreg [dreg:$0x2];
	[bflag:$0x3] =	sbarrier.arrive $0xFFFF;
	s2 =	simm.s32 @!p0 $0x1C05  }
0x441: {  	[timem:s3], [sflag:s2] =	dma.local @!p0 [hbm:s0], s1  }
0x442: {  	s0 =	simm.s32 @!p0 $0x5  }
0x443: {  	_ =	swait.ge @!p0 [sflag:s0], s1  }
0x444: {  	s1 =	ssub.s32 @!p0 $0x0, s1;
	[sflag:s0] =	ssyncset.done @!p0 $0x0  }
0x445: {  	[sflag:s0] =	ssyncadd.s32 @!p0 s1  }
0x446: {  	[bflag:$0x3] =	sbarrier.arrive $0xFFFF  }
0x447: {  	_ =	shalt  }

</sc_bundles>
